<compile_context>
chip_gen: v7x
topology: tpu7x:2x2x1
jax: 0.10.2.dev20260603
libtpu: 0.0.44.dev20260713+nightly
codegen_flags: <defaults>
</compile_context>

<pallas_src>
import functools

import jax
import jax.numpy as jnp
from jax import lax
from jax.experimental import pallas as pl
from jax.experimental.pallas import tpu as pltpu
from jax.experimental.pallas import tpu_sc as plsc

_NC, _NS = 2, 16
_NW = _NC * _NS
_CH = 32
_NSLOT = 4
_TQ = 256


def _routing_body(xq_ref, ek_ref, tc_ref, idx_ref):
    xq = xq_ref[...]
    ek = ek_ref[...]
    tc = tc_ref[...]
    nk = ek / jnp.clip(
        jnp.sqrt(jnp.sum(ek * ek, axis=1, keepdims=True)), 1e-12, None)
    qn = xq / jnp.clip(
        jnp.sqrt(jnp.sum(xq * xq, axis=1, keepdims=True)), 1e-12, None)
    cos = lax.dot_general(
        qn, nk, (((1,), (1,)), ((), ())),
        preferred_element_type=jnp.float32)
    scaled = (1.0 - cos) * (tc + 1.0)
    B, E = scaled.shape
    col = lax.broadcasted_iota(jnp.int32, (B, E), 1)
    m0 = jnp.min(scaled, axis=1, keepdims=True)
    i0 = jnp.min(jnp.where(scaled == m0, col, E), axis=1, keepdims=True)
    masked = jnp.where(col == i0, jnp.inf, scaled)
    m1 = jnp.min(masked, axis=1, keepdims=True)
    i1 = jnp.min(jnp.where(masked == m1, col, E), axis=1, keepdims=True)
    c = lax.broadcasted_iota(jnp.int32, (B, 24), 1)
    b = lax.broadcasted_iota(jnp.int32, (B, 24), 0)
    half = c // 12
    j = c % 12
    erow = jnp.where(j < 4, i0 * 8 + half * 4 + j,
                     i1 * 8 + half * 4 + (j - 4))
    grow = (b % _CH) * 8 + half * 4 + (j - 8)
    idx_ref[...] = jnp.where(j < 8, erow, grow)


def _routing_call(xq, ek, tc2d):
    B = xq.shape[0]
    return pl.pallas_call(
        _routing_body,
        out_shape=jax.ShapeDtypeStruct((B, 24), jnp.int32),
    )(xq, ek, tc2d)


@functools.lru_cache(maxsize=None)
def _gather_kernel(B, D):
    nt = B // _TQ
    ne = 8 * nt // (_NW // 2)
    nchunks = ne * (_TQ // _CH)
    ipw = nchunks * _CH + _CH
    mesh = plsc.VectorSubcoreMesh(core_axis_name="c", subcore_axis_name="s")

    @functools.partial(
        pl.kernel,
        out_type=(jax.ShapeDtypeStruct((12, B, D), jnp.float32),
                  jax.ShapeDtypeStruct((12, B, D), jnp.float32)),
        mesh=mesh,
        scratch_types=[
            pltpu.VMEM((ipw,), jnp.int32),
            pltpu.VMEM((_NSLOT, _CH, D), jnp.float32),
            [pltpu.SemaphoreType.DMA] * _NSLOT,
            [pltpu.SemaphoreType.DMA] * _NSLOT,
        ],
    )
    def k(ep_hbm, gr_hbm, idxk_hbm, idxv_hbm, pk_hbm, pv_hbm,
          idx_v, ebuf, gsems, wsems):
        wid = lax.axis_index("s") * _NC + lax.axis_index("c")

        def run(out_hbm, idxf_hbm, wloc):
            ebase = pl.multiple_of(wloc * (ne * _TQ), _CH)
            pltpu.sync_copy(idxf_hbm.at[pl.ds(ebase, ne * _TQ)],
                            idx_v.at[pl.ds(0, ne * _TQ)])
            gbase = pl.multiple_of(8 * nt * _TQ + wloc * _TQ, _CH)
            pltpu.sync_copy(idxf_hbm.at[pl.ds(gbase, _CH)],
                            idx_v.at[pl.ds(ne * _TQ, _CH)])

            def dst(kc):
                tile = ne * wloc + kc // (_TQ // _CH)
                c = tile // nt
                q0 = (tile % nt) * _TQ + (kc % (_TQ // _CH)) * _CH
                return c, pl.multiple_of(q0, _CH)

            def issue_gather(kc, s):
                off = pl.multiple_of(kc * _CH, _CH)
                pltpu.async_copy(ep_hbm.at[idx_v.at[pl.ds(off, _CH)]],
                                 ebuf.at[s], gsems[s])

            def wait_gather(s):
                pltpu.make_async_copy(ep_hbm.at[idx_v.at[pl.ds(0, _CH)]],
                                      ebuf.at[s], gsems[s]).wait()

            def issue_write(kc, s):
                c, q0 = dst(kc)
                pltpu.async_copy(ebuf.at[s], out_hbm.at[c, pl.ds(q0, _CH)],
                                 wsems[s])

            def wait_write(s):
                pltpu.make_async_copy(ebuf.at[s],
                                      out_hbm.at[0, pl.ds(0, _CH)],
                                      wsems[s]).wait()

            for s in range(_NSLOT):
                issue_gather(s, s)

            @pl.loop(0, nchunks, step=_NSLOT)
            def _(k0):
                for s in range(_NSLOT):
                    wait_gather(s)
                    issue_write(k0 + s, s)
                for s in range(_NSLOT):
                    wait_write(s)
                    nxt = k0 + _NSLOT + s

                    @pl.when(nxt < nchunks)
                    def _issue(nxt=nxt, s=s):
                        issue_gather(nxt, s)

            goff = pl.multiple_of(ne * _TQ, _CH)
            pltpu.async_copy(gr_hbm.at[idx_v.at[pl.ds(goff, _CH)]],
                             ebuf.at[0], gsems[0])
            wait_gather(0)
            cg = 8 + wloc // nt
            qg = pl.multiple_of((wloc % nt) * _TQ, _TQ)
            for i in range(_TQ // _CH):
                pltpu.async_copy(ebuf.at[0],
                                 out_hbm.at[cg, pl.ds(qg + i * _CH, _CH)],
                                 wsems[0])
            for i in range(_TQ // _CH):
                wait_write(0)

        @pl.when(wid < _NW // 2)
        def _():
            run(pk_hbm, idxk_hbm, wid)

        @pl.when(wid >= _NW // 2)
        def _():
            run(pv_hbm, idxv_hbm, wid - _NW // 2)

    return k


def kernel(x_querry, l, x_block, e_k, e_p_0, g_p_0, train_count):
    B, _ = x_querry.shape
    E, PLEN, D = e_p_0.shape
    idx = _routing_call(x_querry, e_k, train_count.reshape(1, E))
    idx_t = idx.T
    idxk = idx_t[:12].reshape(-1)
    idxv = idx_t[12:].reshape(-1)
    g_rep = jnp.tile(g_p_0, (_CH, 1))
    pk, pv = _gather_kernel(B, D)(
        e_p_0.reshape(E * PLEN, D), g_rep, idxk, idxv)
    return pk.transpose(1, 0, 2), pv.transpose(1, 0, 2), x_block

# --- scband reference (transcript-rebuilt; emitter-appended) ---
"""Pipeline reference for scband-mvpprompt-6914897346762 (READ-ONLY COPY).

The authoritative reference and input builder live on the scoring server;
editing this copy changes nothing except your own understanding.
"""

import jax, jax.numpy as jnp
import numpy as np

E_POOL = 64
TOP_K = 2
E_P_LEN = 8
G_P_LEN = 8
EMB_D = 768
KEY_D = 768
BATCH = 1024


def setup_inputs(seed: int = 0) -> dict:
    key = jax.random.key(seed)
    ks = jax.random.split(key, 6)
    x_querry = jax.random.normal(ks[0], (BATCH, KEY_D), dtype=jnp.float32)
    x_block = jax.random.normal(ks[1], (BATCH, EMB_D), dtype=jnp.float32)
    # learned parameters (uniform init per tensor_prompt)
    e_k = jax.random.uniform(ks[2], (E_POOL, KEY_D), dtype=jnp.float32)
    e_p_0 = jax.random.uniform(ks[3], (E_POOL, E_P_LEN, EMB_D), dtype=jnp.float32)
    g_p_0 = jax.random.uniform(ks[4], (G_P_LEN, EMB_D), dtype=jnp.float32)
    train_count = jnp.zeros((E_POOL,), dtype=jnp.float32)
    return {"x_querry": x_querry, "l": 0, "x_block": x_block,
            "e_k": e_k, "e_p_0": e_p_0, "g_p_0": g_p_0,
            "train_count": train_count}


def _l2norm(x, axis):
    return x / jnp.clip(jnp.linalg.norm(x, axis=axis, keepdims=True), 1e-12, None)


def reference(x_querry, l, x_block, e_k, e_p_0, g_p_0, train_count):
    # l = 0 is in both e_layers and g_layers, so both branches fire.
    B = x_querry.shape[0]
    # ----- E-prompt branch -----
    n_K = _l2norm(e_k, axis=1)
    q = jax.lax.stop_gradient(_l2norm(x_querry, axis=1))  # .detach() in torch
    cos_sim = jnp.einsum('bj,kj->bk', q, n_K)              # [B, E_POOL]
    distance = 1.0 - cos_sim
    mass = train_count + 1.0                                # use_contrastiv=True
    scaled_distance = distance * mass
    # torch.topk(..., largest=False) -> smallest scaled distances
    _neg, k_idx = jax.lax.top_k(-scaled_distance, TOP_K)    # k_idx: [B, TOP_K]
    dist_sel = jnp.take_along_axis(distance, k_idx, axis=1)  # mirrors indexing (used only in loss)
    P_ = e_p_0[k_idx]                                       # [B, TOP_K, E_P_LEN, EMB_D] gather
    i = E_P_LEN // 2
    Ek = P_[:, :, :i, :].reshape(B, -1, EMB_D)              # [B, TOP_K*i, EMB_D]
    Ev = P_[:, :, i:, :].reshape(B, -1, EMB_D)
    # ----- G-prompt branch -----
    j = G_P_LEN // 2
    Pg = jnp.broadcast_to(g_p_0[None, :, :], (B, G_P_LEN, EMB_D))
    Gk = Pg[:, :j, :]
    Gv = Pg[:, j:, :]
    # ----- combine -----
    Pk = jnp.concatenate([Ek, Gk], axis=1)                  # [B, TOP_K*i + j, EMB_D]
    Pv = jnp.concatenate([Ev, Gv], axis=1)
    # train=False path: loss returned as 0, buffers (eval_count bincount) are
    # side-effect-only and do not affect outputs, so they are omitted here.
    return (Pk, Pv, x_block)

if __name__ == "__main__":
    import jax
    _d = setup_inputs()
    print(jax.jit(kernel)(*tuple(_d.values())))

</pallas_src>

<mosaic_0001>
#map = affine_map<(d0, d1) -> (0, 0)>
#map1 = affine_map<(d0, d1) -> (0)>
#map2 = affine_map<(d0, d1) -> (0, 0, 0)>
module attributes {stable_mosaic.version = 14 : i64} {
  func.func @k(%arg0: i32, %arg1: i32, %arg2: memref<512x768xf32, #tpu.memory_space<hbm>>, %arg3: memref<256x768xf32, #tpu.memory_space<hbm>>, %arg4: memref<12288xi32, #tpu.memory_space<hbm>>, %arg5: memref<12288xi32, #tpu.memory_space<hbm>>, %arg6: memref<12x1024x768xf32, #tpu.memory_space<hbm>>, %arg7: memref<12x1024x768xf32, #tpu.memory_space<hbm>>, %arg8: memref<544xi32, #tpu.memory_space<vmem>>, %arg9: memref<4x32x768xf32, #tpu.memory_space<vmem>>, %arg10: memref<!tpu.dma_semaphore, #tpu.memory_space<semaphore_mem>>, %arg11: memref<!tpu.dma_semaphore, #tpu.memory_space<semaphore_mem>>, %arg12: memref<!tpu.dma_semaphore, #tpu.memory_space<semaphore_mem>>, %arg13: memref<!tpu.dma_semaphore, #tpu.memory_space<semaphore_mem>>, %arg14: memref<!tpu.dma_semaphore, #tpu.memory_space<semaphore_mem>>, %arg15: memref<!tpu.dma_semaphore, #tpu.memory_space<semaphore_mem>>, %arg16: memref<!tpu.dma_semaphore, #tpu.memory_space<semaphore_mem>>, %arg17: memref<!tpu.dma_semaphore, #tpu.memory_space<semaphore_mem>>) attributes {dimension_semantics = [#tpu.dimension_semantics<core_parallel>, #tpu.dimension_semantics<subcore_parallel>], iteration_bounds = array<i64: 2, 16>, scalar_prefetch = 0 : i64, scratch_operands = 10 : i64, tpu.core_type = #tpu.core_type<sc_vector_subcore>, window_params = [{transform_indices = #map}, {transform_indices = #map}, {transform_indices = #map1}, {transform_indices = #map1}, {transform_indices = #map2}, {transform_indices = #map2}]} {
    %mul3A = arith.constant 2 : i32
    %mul3A_0 = arith.muli %arg1, %mul3A : i32
    %add3A = arith.addi %mul3A_0, %arg0 : i32
    %lt3A = arith.constant 16 : i32
    %lt3A_1 = arith.cmpi slt, %add3A, %lt3A : i32
    %convert_element_type3A = arith.extui %lt3A_1 : i1 to i32
    %cond3A = arith.constant 0 : i32
    %cond3A_2 = arith.cmpi ne, %convert_element_type3A, %cond3A : i32
    scf.if %cond3A_2 {
      %mul3A_7 = arith.constant 512 : i32
      %mul3A_8 = arith.muli %add3A, %mul3A_7 : i32
      %multiple_of3A = tpu.assume_multiple %mul3A_8, 32 : i32
      "tpu.region"() ({
        %run_scoped3A = tpu.sem_alloc : memref<!tpu.dma_semaphore, #tpu.memory_space<semaphore_mem>>
        %dma_start3A_397 = arith.constant 0 : i32
        %dma_start3A_398 = tpu.memref_slice %arg8[%dma_start3A_397] : memref<544xi32, #tpu.memory_space<vmem>> -> memref<512xi32, #tpu.memory_space<vmem>>
        %dma_start3A_399 = tpu.memref_slice %arg4[%multiple_of3A] : memref<12288xi32, #tpu.memory_space<hbm>> -> memref<512xi32, #tpu.memory_space<hbm>>
        %dma_start3A_400 = arith.constant 0 : i32
        %dma_start3A_401 = tpu.memref_slice %arg8[%dma_start3A_400] : memref<544xi32, #tpu.memory_space<vmem>> -> memref<512xi32, #tpu.memory_space<vmem>>
        %dma_start3A_402 = tpu.memref_slice %arg4[%multiple_of3A] : memref<12288xi32, #tpu.memory_space<hbm>> -> memref<512xi32, #tpu.memory_space<hbm>>
        tpu.enqueue_dma source(%dma_start3A_402 : memref<512xi32, #tpu.memory_space<hbm>>) target(%dma_start3A_401 : memref<512xi32, #tpu.memory_space<vmem>>) target_semaphore(%run_scoped3A : memref<!tpu.dma_semaphore, #tpu.memory_space<semaphore_mem>>)
        %dma_wait3A_403 = arith.constant 0 : i32
        %dma_wait3A_404 = tpu.memref_slice %arg8[%dma_wait3A_403] : memref<544xi32, #tpu.memory_space<vmem>> -> memref<512xi32, #tpu.memory_space<vmem>>
        %dma_wait3A_405 = tpu.memref_slice %arg4[%multiple_of3A] : memref<12288xi32, #tpu.memory_space<hbm>> -> memref<512xi32, #tpu.memory_space<hbm>>
        %dma_wait3A_406 = arith.constant 0 : i32
        %dma_wait3A_407 = tpu.memref_slice %arg8[%dma_wait3A_406] : memref<544xi32, #tpu.memory_space<vmem>> -> memref<512xi32, #tpu.memory_space<vmem>>
        %dma_wait3A_408 = tpu.memref_slice %arg4[%multiple_of3A] : memref<12288xi32, #tpu.memory_space<hbm>> -> memref<512xi32, #tpu.memory_space<hbm>>
        tpu.wait_dma2 semaphore(%run_scoped3A : memref<!tpu.dma_semaphore, #tpu.memory_space<semaphore_mem>>) src(%dma_wait3A_408 : memref<512xi32, #tpu.memory_space<hbm>>) dst(%dma_wait3A_407 : memref<512xi32, #tpu.memory_space<vmem>>)
        tpu.yield
      }) : () -> ()
      %mul3A_9 = arith.constant 256 : i32
      %mul3A_10 = arith.muli %add3A, %mul3A_9 : i32
      %add3A_11 = arith.constant 8192 : i32
      %add3A_12 = arith.addi %add3A_11, %mul3A_10 : i32
      %multiple_of3A_13 = tpu.assume_multiple %add3A_12, 32 : i32
      "tpu.region"() ({
        %run_scoped3A = tpu.sem_alloc : memref<!tpu.dma_semaphore, #tpu.memory_space<semaphore_mem>>
        %dma_start3A_397 = arith.constant 512 : i32
        %dma_start3A_398 = tpu.memref_slice %arg8[%dma_start3A_397] : memref<544xi32, #tpu.memory_space<vmem>> -> memref<32xi32, #tpu.memory_space<vmem>>
        %dma_start3A_399 = tpu.memref_slice %arg4[%multiple_of3A_13] : memref<12288xi32, #tpu.memory_space<hbm>> -> memref<32xi32, #tpu.memory_space<hbm>>
        %dma_start3A_400 = arith.constant 512 : i32
        %dma_start3A_401 = tpu.memref_slice %arg8[%dma_start3A_400] : memref<544xi32, #tpu.memory_space<vmem>> -> memref<32xi32, #tpu.memory_space<vmem>>
        %dma_start3A_402 = tpu.memref_slice %arg4[%multiple_of3A_13] : memref<12288xi32, #tpu.memory_space<hbm>> -> memref<32xi32, #tpu.memory_space<hbm>>
        tpu.enqueue_dma source(%dma_start3A_402 : memref<32xi32, #tpu.memory_space<hbm>>) target(%dma_start3A_401 : memref<32xi32, #tpu.memory_space<vmem>>) target_semaphore(%run_scoped3A : memref<!tpu.dma_semaphore, #tpu.memory_space<semaphore_mem>>)
        %dma_wait3A_403 = arith.constant 512 : i32
        %dma_wait3A_404 = tpu.memref_slice %arg8[%dma_wait3A_403] : memref<544xi32, #tpu.memory_space<vmem>> -> memref<32xi32, #tpu.memory_space<vmem>>
        %dma_wait3A_405 = tpu.memref_slice %arg4[%multiple_of3A_13] : memref<12288xi32, #tpu.memory_space<hbm>> -> memref<32xi32, #tpu.memory_space<hbm>>
        %dma_wait3A_406 = arith.constant 512 : i32
        %dma_wait3A_407 = tpu.memref_slice %arg8[%dma_wait3A_406] : memref<544xi32, #tpu.memory_space<vmem>> -> memref<32xi32, #tpu.memory_space<vmem>>
        %dma_wait3A_408 = tpu.memref_slice %arg4[%multiple_of3A_13] : memref<12288xi32, #tpu.memory_space<hbm>> -> memref<32xi32, #tpu.memory_space<hbm>>
        tpu.wait_dma2 semaphore(%run_scoped3A : memref<!tpu.dma_semaphore, #tpu.memory_space<semaphore_mem>>) src(%dma_wait3A_408 : memref<32xi32, #tpu.memory_space<hbm>>) dst(%dma_wait3A_407 : memref<32xi32, #tpu.memory_space<vmem>>)
        tpu.yield
      }) : () -> ()
      %multiple_of3A_14 = arith.constant 0 : i32
      %multiple_of3A_15 = tpu.assume_multiple %multiple_of3A_14, 32 : i32
      %dma_start3A = arith.constant 0 : i32
      %dma_start3A_16 = arith.constant 0 : i32
      %dma_start3A_17 = arith.constant 0 : i32
      %dma_start3A_18 = tpu.memref_slice %arg9[%dma_start3A, %dma_start3A_16, %dma_start3A_17] : memref<4x32x768xf32, #tpu.memory_space<vmem>> -> memref<1x32x768xf32, #tpu.memory_space<vmem>>
      %dma_start3A_19 = tpu.memref_squeeze %dma_start3A_18 : memref<1x32x768xf32, #tpu.memory_space<vmem>> -> memref<32x768xf32, #tpu.memory_space<vmem>>
      %dma_start3A_20 = tpu.memref_slice %arg8[%multiple_of3A_15] : memref<544xi32, #tpu.memory_space<vmem>> -> memref<32xi32, #tpu.memory_space<vmem>>
      %dma_start3A_21 = arith.constant 0 : i32
      %dma_start3A_22 = arith.constant 0 : i32
      %dma_start3A_23 = tpu.memref_slice %arg2[%dma_start3A_21, %dma_start3A_22] : memref<512x768xf32, #tpu.memory_space<hbm>> -> memref<512x768xf32, #tpu.memory_space<hbm>>
      tpu.enqueue_indirect_dma source(%dma_start3A_23 : memref<512x768xf32, #tpu.memory_space<hbm>>) target(%dma_start3A_19 : memref<32x768xf32, #tpu.memory_space<vmem>>) offsets(%dma_start3A_20 : memref<32xi32, #tpu.memory_space<vmem>>) semaphore(%arg10 : memref<!tpu.dma_semaphore, #tpu.memory_space<semaphore_mem>>)
      %multiple_of3A_24 = arith.constant 32 : i32
      %multiple_of3A_25 = tpu.assume_multiple %multiple_of3A_24, 32 : i32
      %dma_start3A_26 = arith.constant 1 : i32
      %dma_start3A_27 = arith.constant 0 : i32
      %dma_start3A_28 = arith.constant 0 : i32
      %dma_start3A_29 = tpu.memref_slice %arg9[%dma_start3A_26, %dma_start3A_27, %dma_start3A_28] : memref<4x32x768xf32, #tpu.memory_space<vmem>> -> memref<1x32x768xf32, #tpu.memory_space<vmem>>
      %dma_start3A_30 = tpu.memref_squeeze %dma_start3A_29 : memref<1x32x768xf32, #tpu.memory_space<vmem>> -> memref<32x768xf32, #tpu.memory_space<vmem>>
      %dma_start3A_31 = tpu.memref_slice %arg8[%multiple_of3A_25] : memref<544xi32, #tpu.memory_space<vmem>> -> memref<32xi32, #tpu.memory_space<vmem>>
      %dma_start3A_32 = arith.constant 0 : i32
      %dma_start3A_33 = arith.constant 0 : i32
      %dma_start3A_34 = tpu.memref_slice %arg2[%dma_start3A_32, %dma_start3A_33] : memref<512x768xf32, #tpu.memory_space<hbm>> -> memref<512x768xf32, #tpu.memory_space<hbm>>
      tpu.enqueue_indirect_dma source(%dma_start3A_34 : memref<512x768xf32, #tpu.memory_space<hbm>>) target(%dma_start3A_30 : memref<32x768xf32, #tpu.memory_space<vmem>>) offsets(%dma_start3A_31 : memref<32xi32, #tpu.memory_space<vmem>>) semaphore(%arg11 : memref<!tpu.dma_semaphore, #tpu.memory_space<semaphore_mem>>)
      %multiple_of3A_35 = arith.constant 64 : i32
      %multiple_of3A_36 = tpu.assume_multiple %multiple_of3A_35, 32 : i32
      %dma_start3A_37 = arith.constant 2 : i32
      %dma_start3A_38 = arith.constant 0 : i32
      %dma_start3A_39 = arith.constant 0 : i32
      %dma_start3A_40 = tpu.memref_slice %arg9[%dma_start3A_37, %dma_start3A_38, %dma_start3A_39] : memref<4x32x768xf32, #tpu.memory_space<vmem>> -> memref<1x32x768xf32, #tpu.memory_space<vmem>>
      %dma_start3A_41 = tpu.memref_squeeze %dma_start3A_40 : memref<1x32x768xf32, #tpu.memory_space<vmem>> -> memref<32x768xf32, #tpu.memory_space<vmem>>
      %dma_start3A_42 = tpu.memref_slice %arg8[%multiple_of3A_36] : memref<544xi32, #tpu.memory_space<vmem>> -> memref<32xi32, #tpu.memory_space<vmem>>
      %dma_start3A_43 = arith.constant 0 : i32
      %dma_start3A_44 = arith.constant 0 : i32
      %dma_start3A_45 = tpu.memref_slice %arg2[%dma_start3A_43, %dma_start3A_44] : memref<512x768xf32, #tpu.memory_space<hbm>> -> memref<512x768xf32, #tpu.memory_space<hbm>>
      tpu.enqueue_indirect_dma source(%dma_start3A_45 : memref<512x768xf32, #tpu.memory_space<hbm>>) target(%dma_start3A_41 : memref<32x768xf32, #tpu.memory_space<vmem>>) offsets(%dma_start3A_42 : memref<32xi32, #tpu.memory_space<vmem>>) semaphore(%arg12 : memref<!tpu.dma_semaphore, #tpu.memory_space<semaphore_mem>>)
      %multiple_of3A_46 = arith.constant 96 : i32
      %multiple_of3A_47 = tpu.assume_multiple %multiple_of3A_46, 32 : i32
      %dma_start3A_48 = arith.constant 3 : i32
      %dma_start3A_49 = arith.constant 0 : i32
      %dma_start3A_50 = arith.constant 0 : i32
      %dma_start3A_51 = tpu.memref_slice %arg9[%dma_start3A_48, %dma_start3A_49, %dma_start3A_50] : memref<4x32x768xf32, #tpu.memory_space<vmem>> -> memref<1x32x768xf32, #tpu.memory_space<vmem>>
      %dma_start3A_52 = tpu.memref_squeeze %dma_start3A_51 : memref<1x32x768xf32, #tpu.memory_space<vmem>> -> memref<32x768xf32, #tpu.memory_space<vmem>>
      %dma_start3A_53 = tpu.memref_slice %arg8[%multiple_of3A_47] : memref<544xi32, #tpu.memory_space<vmem>> -> memref<32xi32, #tpu.memory_space<vmem>>
      %dma_start3A_54 = arith.constant 0 : i32
      %dma_start3A_55 = arith.constant 0 : i32
      %dma_start3A_56 = tpu.memref_slice %arg2[%dma_start3A_54, %dma_start3A_55] : memref<512x768xf32, #tpu.memory_space<hbm>> -> memref<512x768xf32, #tpu.memory_space<hbm>>
      tpu.enqueue_indirect_dma source(%dma_start3A_56 : memref<512x768xf32, #tpu.memory_space<hbm>>) target(%dma_start3A_52 : memref<32x768xf32, #tpu.memory_space<vmem>>) offsets(%dma_start3A_53 : memref<32xi32, #tpu.memory_space<vmem>>) semaphore(%arg13 : memref<!tpu.dma_semaphore, #tpu.memory_space<semaphore_mem>>)
      %scan3A = arith.constant 0 : i32
      %scan3A_57 = arith.constant 4 : i32
      %scan3A_58 = arith.addi %scan3A, %scan3A_57 : i32
      %scan3A_59 = arith.constant 1 : i32
      scf.for %scan3A_397 = %scan3A to %scan3A_58 step %scan3A_59  : i32 {
        %mul3A_398 = arith.constant 4 : i32
        %mul3A_399 = arith.muli %scan3A_397, %mul3A_398 : i32
        %add3A_400 = arith.constant 0 : i32
        %add3A_401 = arith.addi %add3A_400, %mul3A_399 : i32
        %dma_wait3A_402 = arith.constant 0 : i32
        %dma_wait3A_403 = arith.constant 0 : i32
        %dma_wait3A_404 = arith.constant 0 : i32
        %dma_wait3A_405 = tpu.memref_slice %arg9[%dma_wait3A_402, %dma_wait3A_403, %dma_wait3A_404] : memref<4x32x768xf32, #tpu.memory_space<vmem>> -> memref<1x32x768xf32, #tpu.memory_space<vmem>>
        %dma_wait3A_406 = tpu.memref_squeeze %dma_wait3A_405 : memref<1x32x768xf32, #tpu.memory_space<vmem>> -> memref<32x768xf32, #tpu.memory_space<vmem>>
        %dma_wait3A_407 = arith.constant 0 : i32
        %dma_wait3A_408 = tpu.memref_slice %arg8[%dma_wait3A_407] : memref<544xi32, #tpu.memory_space<vmem>> -> memref<32xi32, #tpu.memory_space<vmem>>
        %dma_wait3A_409 = arith.constant 0 : i32
        %dma_wait3A_410 = arith.constant 0 : i32
        %dma_wait3A_411 = tpu.memref_slice %arg2[%dma_wait3A_409, %dma_wait3A_410] : memref<512x768xf32, #tpu.memory_space<hbm>> -> memref<512x768xf32, #tpu.memory_space<hbm>>
        tpu.wait_indirect_dma semaphore(%arg10 : memref<!tpu.dma_semaphore, #tpu.memory_space<semaphore_mem>>) src(%dma_wait3A_411 : memref<512x768xf32, #tpu.memory_space<hbm>>) dst(%dma_wait3A_406 : memref<32x768xf32, #tpu.memory_space<vmem>>)
        %add3A_412 = arith.constant 0 : i32
        %add3A_413 = arith.addi %add3A_401, %add3A_412 : i32
        %mul3A_414 = arith.constant 2 : i32
        %mul3A_415 = arith.muli %mul3A_414, %add3A : i32
        %jit3A_416 = arith.constant 8 : i32
        %div3A_417 = arith.divsi %add3A_413, %jit3A_416 : i32
        %sign3A_418 = arith.constant 0 : i32
        %sign3A_419 = arith.cmpi sgt, %add3A_413, %sign3A_418 : i32
        %sign3A_420 = arith.extui %sign3A_419 : i1 to i32
        %sign3A_421 = arith.constant 0 : i32
        %sign3A_422 = arith.cmpi slt, %add3A_413, %sign3A_421 : i32
        %sign3A_423 = arith.extui %sign3A_422 : i1 to i32
        %sign3A_424 = arith.subi %sign3A_420, %sign3A_423 : i32
        %sign3A_425 = arith.constant 0 : i32
        %sign3A_426 = arith.cmpi sgt, %jit3A_416, %sign3A_425 : i32
        %sign3A_427 = arith.extui %sign3A_426 : i1 to i32
        %sign3A_428 = arith.constant 0 : i32
        %sign3A_429 = arith.cmpi slt, %jit3A_416, %sign3A_428 : i32
        %sign3A_430 = arith.extui %sign3A_429 : i1 to i32
        %sign3A_431 = arith.subi %sign3A_427, %sign3A_430 : i32
        %ne3A_432 = arith.cmpi ne, %sign3A_424, %sign3A_431 : i32
        %rem3A_433 = arith.remsi %add3A_413, %jit3A_416 : i32
        %ne3A_434 = arith.constant 0 : i32
        %ne3A_435 = arith.cmpi ne, %rem3A_433, %ne3A_434 : i32
        %and3A_436 = arith.andi %ne3A_432, %ne3A_435 : i1
        %sub3A_437 = arith.constant 1 : i32
        %sub3A_438 = arith.subi %div3A_417, %sub3A_437 : i32
        %select_n3A_439 = arith.select %and3A_436, %sub3A_438, %div3A_417 : i32
        %add3A_440 = arith.addi %mul3A_415, %select_n3A_439 : i32
        %jit3A_441 = arith.constant 4 : i32
        %div3A_442 = arith.divsi %add3A_440, %jit3A_441 : i32
        %sign3A_443 = arith.constant 0 : i32
        %sign3A_444 = arith.cmpi sgt, %add3A_440, %sign3A_443 : i32
        %sign3A_445 = arith.extui %sign3A_444 : i1 to i32
        %sign3A_446 = arith.constant 0 : i32
        %sign3A_447 = arith.cmpi slt, %add3A_440, %sign3A_446 : i32
        %sign3A_448 = arith.extui %sign3A_447 : i1 to i32
        %sign3A_449 = arith.subi %sign3A_445, %sign3A_448 : i32
        %sign3A_450 = arith.constant 0 : i32
        %sign3A_451 = arith.cmpi sgt, %jit3A_441, %sign3A_450 : i32
        %sign3A_452 = arith.extui %sign3A_451 : i1 to i32
        %sign3A_453 = arith.constant 0 : i32
        %sign3A_454 = arith.cmpi slt, %jit3A_441, %sign3A_453 : i32
        %sign3A_455 = arith.extui %sign3A_454 : i1 to i32
        %sign3A_456 = arith.subi %sign3A_452, %sign3A_455 : i32
        %ne3A_457 = arith.cmpi ne, %sign3A_449, %sign3A_456 : i32
        %rem3A_458 = arith.remsi %add3A_440, %jit3A_441 : i32
        %ne3A_459 = arith.constant 0 : i32
        %ne3A_460 = arith.cmpi ne, %rem3A_458, %ne3A_459 : i32
        %and3A_461 = arith.andi %ne3A_457, %ne3A_460 : i1
        %sub3A_462 = arith.constant 1 : i32
        %sub3A_463 = arith.subi %div3A_442, %sub3A_462 : i32
        %select_n3A_464 = arith.select %and3A_461, %sub3A_463, %div3A_442 : i32
        %jit3A_465 = arith.constant 4 : i32
        %eq3A_466 = arith.constant 0 : i32
        %eq3A_467 = arith.cmpi eq, %jit3A_465, %eq3A_466 : i32
        %jit3A_468 = arith.constant 1 : i32
        %select_n3A_469 = arith.select %eq3A_467, %jit3A_468, %jit3A_465 : i32
        %rem3A_470 = arith.remsi %add3A_440, %select_n3A_469 : i32
        %ne3A_471 = arith.constant 0 : i32
        %ne3A_472 = arith.cmpi ne, %rem3A_470, %ne3A_471 : i32
        %lt3A_473 = arith.constant 0 : i32
        %lt3A_474 = arith.cmpi slt, %rem3A_470, %lt3A_473 : i32
        %lt3A_475 = arith.constant 0 : i32
        %lt3A_476 = arith.cmpi slt, %select_n3A_469, %lt3A_475 : i32
        %ne3A_477 = arith.xori %lt3A_474, %lt3A_476 : i1
        %and3A_478 = arith.andi %ne3A_477, %ne3A_472 : i1
        %add3A_479 = arith.addi %rem3A_470, %select_n3A_469 : i32
        %select_n3A_480 = arith.select %and3A_478, %add3A_479, %rem3A_470 : i32
        %mul3A_481 = arith.constant 256 : i32
        %mul3A_482 = arith.muli %select_n3A_480, %mul3A_481 : i32
        %jit3A_483 = arith.constant 8 : i32
        %eq3A_484 = arith.constant 0 : i32
        %eq3A_485 = arith.cmpi eq, %jit3A_483, %eq3A_484 : i32
        %jit3A_486 = arith.constant 1 : i32
        %select_n3A_487 = arith.select %eq3A_485, %jit3A_486, %jit3A_483 : i32
        %rem3A_488 = arith.remsi %add3A_413, %select_n3A_487 : i32
        %ne3A_489 = arith.constant 0 : i32
        %ne3A_490 = arith.cmpi ne, %rem3A_488, %ne3A_489 : i32
        %lt3A_491 = arith.constant 0 : i32
        %lt3A_492 = arith.cmpi slt, %rem3A_488, %lt3A_491 : i32
        %lt3A_493 = arith.constant 0 : i32
        %lt3A_494 = arith.cmpi slt, %select_n3A_487, %lt3A_493 : i32
        %ne3A_495 = arith.xori %lt3A_492, %lt3A_494 : i1
        %and3A_496 = arith.andi %ne3A_495, %ne3A_490 : i1
        %add3A_497 = arith.addi %rem3A_488, %select_n3A_487 : i32
        %select_n3A_498 = arith.select %and3A_496, %add3A_497, %rem3A_488 : i32
        %mul3A_499 = arith.constant 32 : i32
        %mul3A_500 = arith.muli %select_n3A_498, %mul3A_499 : i32
        %add3A_501 = arith.addi %mul3A_482, %mul3A_500 : i32
        %multiple_of3A_502 = tpu.assume_multiple %add3A_501, 32 : i32
        %dma_start3A_503 = arith.constant 0 : i32
        %dma_start3A_504 = arith.constant 0 : i32
        %dma_start3A_505 = arith.constant 0 : i32
        %dma_start3A_506 = tpu.memref_slice %arg9[%dma_start3A_503, %dma_start3A_504, %dma_start3A_505] : memref<4x32x768xf32, #tpu.memory_space<vmem>> -> memref<1x32x768xf32, #tpu.memory_space<vmem>>
        %dma_start3A_507 = tpu.memref_squeeze %dma_start3A_506 : memref<1x32x768xf32, #tpu.memory_space<vmem>> -> memref<32x768xf32, #tpu.memory_space<vmem>>
        %dma_start3A_508 = arith.constant 0 : i32
        %dma_start3A_509 = tpu.memref_slice %arg6[%select_n3A_464, %multiple_of3A_502, %dma_start3A_508] : memref<12x1024x768xf32, #tpu.memory_space<hbm>> -> memref<1x32x768xf32, #tpu.memory_space<hbm>>
        %dma_start3A_510 = tpu.memref_squeeze %dma_start3A_509 : memref<1x32x768xf32, #tpu.memory_space<hbm>> -> memref<32x768xf32, #tpu.memory_space<hbm>>
        %dma_start3A_511 = arith.constant 0 : i32
        %dma_start3A_512 = tpu.memref_slice %arg6[%select_n3A_464, %multiple_of3A_502, %dma_start3A_511] : memref<12x1024x768xf32, #tpu.memory_space<hbm>> -> memref<1x32x768xf32, #tpu.memory_space<hbm>>
        %dma_start3A_513 = tpu.memref_squeeze %dma_start3A_512 : memref<1x32x768xf32, #tpu.memory_space<hbm>> -> memref<32x768xf32, #tpu.memory_space<hbm>>
        %dma_start3A_514 = arith.constant 0 : i32
        %dma_start3A_515 = arith.constant 0 : i32
        %dma_start3A_516 = tpu.memref_slice %arg9[%dma_start3A_503, %dma_start3A_514, %dma_start3A_515] : memref<4x32x768xf32, #tpu.memory_space<vmem>> -> memref<1x32x768xf32, #tpu.memory_space<vmem>>
        %dma_start3A_517 = tpu.memref_squeeze %dma_start3A_516 : memref<1x32x768xf32, #tpu.memory_space<vmem>> -> memref<32x768xf32, #tpu.memory_space<vmem>>
        tpu.enqueue_dma source(%dma_start3A_517 : memref<32x768xf32, #tpu.memory_space<vmem>>) target(%dma_start3A_513 : memref<32x768xf32, #tpu.memory_space<hbm>>) target_semaphore(%arg14 : memref<!tpu.dma_semaphore, #tpu.memory_space<semaphore_mem>>)
        %dma_wait3A_518 = arith.constant 1 : i32
        %dma_wait3A_519 = arith.constant 0 : i32
        %dma_wait3A_520 = arith.constant 0 : i32
        %dma_wait3A_521 = tpu.memref_slice %arg9[%dma_wait3A_518, %dma_wait3A_519, %dma_wait3A_520] : memref<4x32x768xf32, #tpu.memory_space<vmem>> -> memref<1x32x768xf32, #tpu.memory_space<vmem>>
        %dma_wait3A_522 = tpu.memref_squeeze %dma_wait3A_521 : memref<1x32x768xf32, #tpu.memory_space<vmem>> -> memref<32x768xf32, #tpu.memory_space<vmem>>
        %dma_wait3A_523 = arith.constant 0 : i32
        %dma_wait3A_524 = tpu.memref_slice %arg8[%dma_wait3A_523] : memref<544xi32, #tpu.memory_space<vmem>> -> memref<32xi32, #tpu.memory_space<vmem>>
        %dma_wait3A_525 = arith.constant 0 : i32
        %dma_wait3A_526 = arith.constant 0 : i32
        %dma_wait3A_527 = tpu.memref_slice %arg2[%dma_wait3A_525, %dma_wait3A_526] : memref<512x768xf32, #tpu.memory_space<hbm>> -> memref<512x768xf32, #tpu.memory_space<hbm>>
        tpu.wait_indirect_dma semaphore(%arg11 : memref<!tpu.dma_semaphore, #tpu.memory_space<semaphore_mem>>) src(%dma_wait3A_527 : memref<512x768xf32, #tpu.memory_space<hbm>>) dst(%dma_wait3A_522 : memref<32x768xf32, #tpu.memory_space<vmem>>)
        %add3A_528 = arith.constant 1 : i32
        %add3A_529 = arith.addi %add3A_401, %add3A_528 : i32
        %mul3A_530 = arith.constant 2 : i32
        %mul3A_531 = arith.muli %mul3A_530, %add3A : i32
        %jit3A_532 = arith.constant 8 : i32
        %div3A_533 = arith.divsi %add3A_529, %jit3A_532 : i32
        %sign3A_534 = arith.constant 0 : i32
        %sign3A_535 = arith.cmpi sgt, %add3A_529, %sign3A_534 : i32
        %sign3A_536 = arith.extui %sign3A_535 : i1 to i32
        %sign3A_537 = arith.constant 0 : i32
        %sign3A_538 = arith.cmpi slt, %add3A_529, %sign3A_537 : i32
        %sign3A_539 = arith.extui %sign3A_538 : i1 to i32
        %sign3A_540 = arith.subi %sign3A_536, %sign3A_539 : i32
        %sign3A_541 = arith.constant 0 : i32
        %sign3A_542 = arith.cmpi sgt, %jit3A_532, %sign3A_541 : i32
        %sign3A_543 = arith.extui %sign3A_542 : i1 to i32
        %sign3A_544 = arith.constant 0 : i32
        %sign3A_545 = arith.cmpi slt, %jit3A_532, %sign3A_544 : i32
        %sign3A_546 = arith.extui %sign3A_545 : i1 to i32
        %sign3A_547 = arith.subi %sign3A_543, %sign3A_546 : i32
        %ne3A_548 = arith.cmpi ne, %sign3A_540, %sign3A_547 : i32
        %rem3A_549 = arith.remsi %add3A_529, %jit3A_532 : i32
        %ne3A_550 = arith.constant 0 : i32
        %ne3A_551 = arith.cmpi ne, %rem3A_549, %ne3A_550 : i32
        %and3A_552 = arith.andi %ne3A_548, %ne3A_551 : i1
        %sub3A_553 = arith.constant 1 : i32
        %sub3A_554 = arith.subi %div3A_533, %sub3A_553 : i32
        %select_n3A_555 = arith.select %and3A_552, %sub3A_554, %div3A_533 : i32
        %add3A_556 = arith.addi %mul3A_531, %select_n3A_555 : i32
        %jit3A_557 = arith.constant 4 : i32
        %div3A_558 = arith.divsi %add3A_556, %jit3A_557 : i32
        %sign3A_559 = arith.constant 0 : i32
        %sign3A_560 = arith.cmpi sgt, %add3A_556, %sign3A_559 : i32
        %sign3A_561 = arith.extui %sign3A_560 : i1 to i32
        %sign3A_562 = arith.constant 0 : i32
        %sign3A_563 = arith.cmpi slt, %add3A_556, %sign3A_562 : i32
        %sign3A_564 = arith.extui %sign3A_563 : i1 to i32
        %sign3A_565 = arith.subi %sign3A_561, %sign3A_564 : i32
        %sign3A_566 = arith.constant 0 : i32
        %sign3A_567 = arith.cmpi sgt, %jit3A_557, %sign3A_566 : i32
        %sign3A_568 = arith.extui %sign3A_567 : i1 to i32
        %sign3A_569 = arith.constant 0 : i32
        %sign3A_570 = arith.cmpi slt, %jit3A_557, %sign3A_569 : i32
        %sign3A_571 = arith.extui %sign3A_570 : i1 to i32
        %sign3A_572 = arith.subi %sign3A_568, %sign3A_571 : i32
        %ne3A_573 = arith.cmpi ne, %sign3A_565, %sign3A_572 : i32
        %rem3A_574 = arith.remsi %add3A_556, %jit3A_557 : i32
        %ne3A_575 = arith.constant 0 : i32
        %ne3A_576 = arith.cmpi ne, %rem3A_574, %ne3A_575 : i32
        %and3A_577 = arith.andi %ne3A_573, %ne3A_576 : i1
        %sub3A_578 = arith.constant 1 : i32
        %sub3A_579 = arith.subi %div3A_558, %sub3A_578 : i32
        %select_n3A_580 = arith.select %and3A_577, %sub3A_579, %div3A_558 : i32
        %jit3A_581 = arith.constant 4 : i32
        %eq3A_582 = arith.constant 0 : i32
        %eq3A_583 = arith.cmpi eq, %jit3A_581, %eq3A_582 : i32
        %jit3A_584 = arith.constant 1 : i32
        %select_n3A_585 = arith.select %eq3A_583, %jit3A_584, %jit3A_581 : i32
        %rem3A_586 = arith.remsi %add3A_556, %select_n3A_585 : i32
        %ne3A_587 = arith.constant 0 : i32
        %ne3A_588 = arith.cmpi ne, %rem3A_586, %ne3A_587 : i32
        %lt3A_589 = arith.constant 0 : i32
        %lt3A_590 = arith.cmpi slt, %rem3A_586, %lt3A_589 : i32
        %lt3A_591 = arith.constant 0 : i32
        %lt3A_592 = arith.cmpi slt, %select_n3A_585, %lt3A_591 : i32
        %ne3A_593 = arith.xori %lt3A_590, %lt3A_592 : i1
        %and3A_594 = arith.andi %ne3A_593, %ne3A_588 : i1
        %add3A_595 = arith.addi %rem3A_586, %select_n3A_585 : i32
        %select_n3A_596 = arith.select %and3A_594, %add3A_595, %rem3A_586 : i32
        %mul3A_597 = arith.constant 256 : i32
        %mul3A_598 = arith.muli %select_n3A_596, %mul3A_597 : i32
        %jit3A_599 = arith.constant 8 : i32
        %eq3A_600 = arith.constant 0 : i32
        %eq3A_601 = arith.cmpi eq, %jit3A_599, %eq3A_600 : i32
        %jit3A_602 = arith.constant 1 : i32
        %select_n3A_603 = arith.select %eq3A_601, %jit3A_602, %jit3A_599 : i32
        %rem3A_604 = arith.remsi %add3A_529, %select_n3A_603 : i32
        %ne3A_605 = arith.constant 0 : i32
        %ne3A_606 = arith.cmpi ne, %rem3A_604, %ne3A_605 : i32
        %lt3A_607 = arith.constant 0 : i32
        %lt3A_608 = arith.cmpi slt, %rem3A_604, %lt3A_607 : i32
        %lt3A_609 = arith.constant 0 : i32
        %lt3A_610 = arith.cmpi slt, %select_n3A_603, %lt3A_609 : i32
        %ne3A_611 = arith.xori %lt3A_608, %lt3A_610 : i1
        %and3A_612 = arith.andi %ne3A_611, %ne3A_606 : i1
        %add3A_613 = arith.addi %rem3A_604, %select_n3A_603 : i32
        %select_n3A_614 = arith.select %and3A_612, %add3A_613, %rem3A_604 : i32
        %mul3A_615 = arith.constant 32 : i32
        %mul3A_616 = arith.muli %select_n3A_614, %mul3A_615 : i32
        %add3A_617 = arith.addi %mul3A_598, %mul3A_616 : i32
        %multiple_of3A_618 = tpu.assume_multiple %add3A_617, 32 : i32
        %dma_start3A_619 = arith.constant 1 : i32
        %dma_start3A_620 = arith.constant 0 : i32
        %dma_start3A_621 = arith.constant 0 : i32
        %dma_start3A_622 = tpu.memref_slice %arg9[%dma_start3A_619, %dma_start3A_620, %dma_start3A_621] : memref<4x32x768xf32, #tpu.memory_space<vmem>> -> memref<1x32x768xf32, #tpu.memory_space<vmem>>
        %dma_start3A_623 = tpu.memref_squeeze %dma_start3A_622 : memref<1x32x768xf32, #tpu.memory_space<vmem>> -> memref<32x768xf32, #tpu.memory_space<vmem>>
        %dma_start3A_624 = arith.constant 0 : i32
        %dma_start3A_625 = tpu.memref_slice %arg6[%select_n3A_580, %multiple_of3A_618, %dma_start3A_624] : memref<12x1024x768xf32, #tpu.memory_space<hbm>> -> memref<1x32x768xf32, #tpu.memory_space<hbm>>
        %dma_start3A_626 = tpu.memref_squeeze %dma_start3A_625 : memref<1x32x768xf32, #tpu.memory_space<hbm>> -> memref<32x768xf32, #tpu.memory_space<hbm>>
        %dma_start3A_627 = arith.constant 0 : i32
        %dma_start3A_628 = tpu.memref_slice %arg6[%select_n3A_580, %multiple_of3A_618, %dma_start3A_627] : memref<12x1024x768xf32, #tpu.memory_space<hbm>> -> memref<1x32x768xf32, #tpu.memory_space<hbm>>
        %dma_start3A_629 = tpu.memref_squeeze %dma_start3A_628 : memref<1x32x768xf32, #tpu.memory_space<hbm>> -> memref<32x768xf32, #tpu.memory_space<hbm>>
        %dma_start3A_630 = arith.constant 0 : i32
        %dma_start3A_631 = arith.constant 0 : i32
        %dma_start3A_632 = tpu.memref_slice %arg9[%dma_start3A_619, %dma_start3A_630, %dma_start3A_631] : memref<4x32x768xf32, #tpu.memory_space<vmem>> -> memref<1x32x768xf32, #tpu.memory_space<vmem>>
        %dma_start3A_633 = tpu.memref_squeeze %dma_start3A_632 : memref<1x32x768xf32, #tpu.memory_space<vmem>> -> memref<32x768xf32, #tpu.memory_space<vmem>>
        tpu.enqueue_dma source(%dma_start3A_633 : memref<32x768xf32, #tpu.memory_space<vmem>>) target(%dma_start3A_629 : memref<32x768xf32, #tpu.memory_space<hbm>>) target_semaphore(%arg15 : memref<!tpu.dma_semaphore, #tpu.memory_space<semaphore_mem>>)
        %dma_wait3A_634 = arith.constant 2 : i32
        %dma_wait3A_635 = arith.constant 0 : i32
        %dma_wait3A_636 = arith.constant 0 : i32
        %dma_wait3A_637 = tpu.memref_slice %arg9[%dma_wait3A_634, %dma_wait3A_635, %dma_wait3A_636] : memref<4x32x768xf32, #tpu.memory_space<vmem>> -> memref<1x32x768xf32, #tpu.memory_space<vmem>>
        %dma_wait3A_638 = tpu.memref_squeeze %dma_wait3A_637 : memref<1x32x768xf32, #tpu.memory_space<vmem>> -> memref<32x768xf32, #tpu.memory_space<vmem>>
        %dma_wait3A_639 = arith.constant 0 : i32
        %dma_wait3A_640 = tpu.memref_slice %arg8[%dma_wait3A_639] : memref<544xi32, #tpu.memory_space<vmem>> -> memref<32xi32, #tpu.memory_space<vmem>>
        %dma_wait3A_641 = arith.constant 0 : i32
        %dma_wait3A_642 = arith.constant 0 : i32
        %dma_wait3A_643 = tpu.memref_slice %arg2[%dma_wait3A_641, %dma_wait3A_642] : memref<512x768xf32, #tpu.memory_space<hbm>> -> memref<512x768xf32, #tpu.memory_space<hbm>>
        tpu.wait_indirect_dma semaphore(%arg12 : memref<!tpu.dma_semaphore, #tpu.memory_space<semaphore_mem>>) src(%dma_wait3A_643 : memref<512x768xf32, #tpu.memory_space<hbm>>) dst(%dma_wait3A_638 : memref<32x768xf32, #tpu.memory_space<vmem>>)
        %add3A_644 = arith.constant 2 : i32
        %add3A_645 = arith.addi %add3A_401, %add3A_644 : i32
        %mul3A_646 = arith.constant 2 : i32
        %mul3A_647 = arith.muli %mul3A_646, %add3A : i32
        %jit3A_648 = arith.constant 8 : i32
        %div3A_649 = arith.divsi %add3A_645, %jit3A_648 : i32
        %sign3A_650 = arith.constant 0 : i32
        %sign3A_651 = arith.cmpi sgt, %add3A_645, %sign3A_650 : i32
        %sign3A_652 = arith.extui %sign3A_651 : i1 to i32
        %sign3A_653 = arith.constant 0 : i32
        %sign3A_654 = arith.cmpi slt, %add3A_645, %sign3A_653 : i32
        %sign3A_655 = arith.extui %sign3A_654 : i1 to i32
        %sign3A_656 = arith.subi %sign3A_652, %sign3A_655 : i32
        %sign3A_657 = arith.constant 0 : i32
        %sign3A_658 = arith.cmpi sgt, %jit3A_648, %sign3A_657 : i32
        %sign3A_659 = arith.extui %sign3A_658 : i1 to i32
        %sign3A_660 = arith.constant 0 : i32
        %sign3A_661 = arith.cmpi slt, %jit3A_648, %sign3A_660 : i32
        %sign3A_662 = arith.extui %sign3A_661 : i1 to i32
        %sign3A_663 = arith.subi %sign3A_659, %sign3A_662 : i32
        %ne3A_664 = arith.cmpi ne, %sign3A_656, %sign3A_663 : i32
        %rem3A_665 = arith.remsi %add3A_645, %jit3A_648 : i32
        %ne3A_666 = arith.constant 0 : i32
        %ne3A_667 = arith.cmpi ne, %rem3A_665, %ne3A_666 : i32
        %and3A_668 = arith.andi %ne3A_664, %ne3A_667 : i1
        %sub3A_669 = arith.constant 1 : i32
        %sub3A_670 = arith.subi %div3A_649, %sub3A_669 : i32
        %select_n3A_671 = arith.select %and3A_668, %sub3A_670, %div3A_649 : i32
        %add3A_672 = arith.addi %mul3A_647, %select_n3A_671 : i32
        %jit3A_673 = arith.constant 4 : i32
        %div3A_674 = arith.divsi %add3A_672, %jit3A_673 : i32
        %sign3A_675 = arith.constant 0 : i32
        %sign3A_676 = arith.cmpi sgt, %add3A_672, %sign3A_675 : i32
        %sign3A_677 = arith.extui %sign3A_676 : i1 to i32
        %sign3A_678 = arith.constant 0 : i32
        %sign3A_679 = arith.cmpi slt, %add3A_672, %sign3A_678 : i32
        %sign3A_680 = arith.extui %sign3A_679 : i1 to i32
        %sign3A_681 = arith.subi %sign3A_677, %sign3A_680 : i32
        %sign3A_682 = arith.constant 0 : i32
        %sign3A_683 = arith.cmpi sgt, %jit3A_673, %sign3A_682 : i32
        %sign3A_684 = arith.extui %sign3A_683 : i1 to i32
        %sign3A_685 = arith.constant 0 : i32
        %sign3A_686 = arith.cmpi slt, %jit3A_673, %sign3A_685 : i32
        %sign3A_687 = arith.extui %sign3A_686 : i1 to i32
        %sign3A_688 = arith.subi %sign3A_684, %sign3A_687 : i32
        %ne3A_689 = arith.cmpi ne, %sign3A_681, %sign3A_688 : i32
        %rem3A_690 = arith.remsi %add3A_672, %jit3A_673 : i32
        %ne3A_691 = arith.constant 0 : i32
        %ne3A_692 = arith.cmpi ne, %rem3A_690, %ne3A_691 : i32
        %and3A_693 = arith.andi %ne3A_689, %ne3A_692 : i1
        %sub3A_694 = arith.constant 1 : i32
        %sub3A_695 = arith.subi %div3A_674, %sub3A_694 : i32
        %select_n3A_696 = arith.select %and3A_693, %sub3A_695, %div3A_674 : i32
        %jit3A_697 = arith.constant 4 : i32
        %eq3A_698 = arith.constant 0 : i32
        %eq3A_699 = arith.cmpi eq, %jit3A_697, %eq3A_698 : i32
        %jit3A_700 = arith.constant 1 : i32
        %select_n3A_701 = arith.select %eq3A_699, %jit3A_700, %jit3A_697 : i32
        %rem3A_702 = arith.remsi %add3A_672, %select_n3A_701 : i32
        %ne3A_703 = arith.constant 0 : i32
        %ne3A_704 = arith.cmpi ne, %rem3A_702, %ne3A_703 : i32
        %lt3A_705 = arith.constant 0 : i32
        %lt3A_706 = arith.cmpi slt, %rem3A_702, %lt3A_705 : i32
        %lt3A_707 = arith.constant 0 : i32
        %lt3A_708 = arith.cmpi slt, %select_n3A_701, %lt3A_707 : i32
        %ne3A_709 = arith.xori %lt3A_706, %lt3A_708 : i1
        %and3A_710 = arith.andi %ne3A_709, %ne3A_704 : i1
        %add3A_711 = arith.addi %rem3A_702, %select_n3A_701 : i32
        %select_n3A_712 = arith.select %and3A_710, %add3A_711, %rem3A_702 : i32
        %mul3A_713 = arith.constant 256 : i32
        %mul3A_714 = arith.muli %select_n3A_712, %mul3A_713 : i32
        %jit3A_715 = arith.constant 8 : i32
        %eq3A_716 = arith.constant 0 : i32
        %eq3A_717 = arith.cmpi eq, %jit3A_715, %eq3A_716 : i32
        %jit3A_718 = arith.constant 1 : i32
        %select_n3A_719 = arith.select %eq3A_717, %jit3A_718, %jit3A_715 : i32
        %rem3A_720 = arith.remsi %add3A_645, %select_n3A_719 : i32
        %ne3A_721 = arith.constant 0 : i32
        %ne3A_722 = arith.cmpi ne, %rem3A_720, %ne3A_721 : i32
        %lt3A_723 = arith.constant 0 : i32
        %lt3A_724 = arith.cmpi slt, %rem3A_720, %lt3A_723 : i32
        %lt3A_725 = arith.constant 0 : i32
        %lt3A_726 = arith.cmpi slt, %select_n3A_719, %lt3A_725 : i32
        %ne3A_727 = arith.xori %lt3A_724, %lt3A_726 : i1
        %and3A_728 = arith.andi %ne3A_727, %ne3A_722 : i1
        %add3A_729 = arith.addi %rem3A_720, %select_n3A_719 : i32
        %select_n3A_730 = arith.select %and3A_728, %add3A_729, %rem3A_720 : i32
        %mul3A_731 = arith.constant 32 : i32
        %mul3A_732 = arith.muli %select_n3A_730, %mul3A_731 : i32
        %add3A_733 = arith.addi %mul3A_714, %mul3A_732 : i32
        %multiple_of3A_734 = tpu.assume_multiple %add3A_733, 32 : i32
        %dma_start3A_735 = arith.constant 2 : i32
        %dma_start3A_736 = arith.constant 0 : i32
        %dma_start3A_737 = arith.constant 0 : i32
        %dma_start3A_738 = tpu.memref_slice %arg9[%dma_start3A_735, %dma_start3A_736, %dma_start3A_737] : memref<4x32x768xf32, #tpu.memory_space<vmem>> -> memref<1x32x768xf32, #tpu.memory_space<vmem>>
        %dma_start3A_739 = tpu.memref_squeeze %dma_start3A_738 : memref<1x32x768xf32, #tpu.memory_space<vmem>> -> memref<32x768xf32, #tpu.memory_space<vmem>>
        %dma_start3A_740 = arith.constant 0 : i32
        %dma_start3A_741 = tpu.memref_slice %arg6[%select_n3A_696, %multiple_of3A_734, %dma_start3A_740] : memref<12x1024x768xf32, #tpu.memory_space<hbm>> -> memref<1x32x768xf32, #tpu.memory_space<hbm>>
        %dma_start3A_742 = tpu.memref_squeeze %dma_start3A_741 : memref<1x32x768xf32, #tpu.memory_space<hbm>> -> memref<32x768xf32, #tpu.memory_space<hbm>>
        %dma_start3A_743 = arith.constant 0 : i32
        %dma_start3A_744 = tpu.memref_slice %arg6[%select_n3A_696, %multiple_of3A_734, %dma_start3A_743] : memref<12x1024x768xf32, #tpu.memory_space<hbm>> -> memref<1x32x768xf32, #tpu.memory_space<hbm>>
        %dma_start3A_745 = tpu.memref_squeeze %dma_start3A_744 : memref<1x32x768xf32, #tpu.memory_space<hbm>> -> memref<32x768xf32, #tpu.memory_space<hbm>>
        %dma_start3A_746 = arith.constant 0 : i32
        %dma_start3A_747 = arith.constant 0 : i32
        %dma_start3A_748 = tpu.memref_slice %arg9[%dma_start3A_735, %dma_start3A_746, %dma_start3A_747] : memref<4x32x768xf32, #tpu.memory_space<vmem>> -> memref<1x32x768xf32, #tpu.memory_space<vmem>>
        %dma_start3A_749 = tpu.memref_squeeze %dma_start3A_748 : memref<1x32x768xf32, #tpu.memory_space<vmem>> -> memref<32x768xf32, #tpu.memory_space<vmem>>
        tpu.enqueue_dma source(%dma_start3A_749 : memref<32x768xf32, #tpu.memory_space<vmem>>) target(%dma_start3A_745 : memref<32x768xf32, #tpu.memory_space<hbm>>) target_semaphore(%arg16 : memref<!tpu.dma_semaphore, #tpu.memory_space<semaphore_mem>>)
        %dma_wait3A_750 = arith.constant 3 : i32
        %dma_wait3A_751 = arith.constant 0 : i32
        %dma_wait3A_752 = arith.constant 0 : i32
        %dma_wait3A_753 = tpu.memref_slice %arg9[%dma_wait3A_750, %dma_wait3A_751, %dma_wait3A_752] : memref<4x32x768xf32, #tpu.memory_space<vmem>> -> memref<1x32x768xf32, #tpu.memory_space<vmem>>
        %dma_wait3A_754 = tpu.memref_squeeze %dma_wait3A_753 : memref<1x32x768xf32, #tpu.memory_space<vmem>> -> memref<32x768xf32, #tpu.memory_space<vmem>>
        %dma_wait3A_755 = arith.constant 0 : i32
        %dma_wait3A_756 = tpu.memref_slice %arg8[%dma_wait3A_755] : memref<544xi32, #tpu.memory_space<vmem>> -> memref<32xi32, #tpu.memory_space<vmem>>
        %dma_wait3A_757 = arith.constant 0 : i32
        %dma_wait3A_758 = arith.constant 0 : i32
        %dma_wait3A_759 = tpu.memref_slice %arg2[%dma_wait3A_757, %dma_wait3A_758] : memref<512x768xf32, #tpu.memory_space<hbm>> -> memref<512x768xf32, #tpu.memory_space<hbm>>
        tpu.wait_indirect_dma semaphore(%arg13 : memref<!tpu.dma_semaphore, #tpu.memory_space<semaphore_mem>>) src(%dma_wait3A_759 : memref<512x768xf32, #tpu.memory_space<hbm>>) dst(%dma_wait3A_754 : memref<32x768xf32, #tpu.memory_space<vmem>>)
        %add3A_760 = arith.constant 3 : i32
        %add3A_761 = arith.addi %add3A_401, %add3A_760 : i32
        %mul3A_762 = arith.constant 2 : i32
        %mul3A_763 = arith.muli %mul3A_762, %add3A : i32
        %jit3A_764 = arith.constant 8 : i32
        %div3A_765 = arith.divsi %add3A_761, %jit3A_764 : i32
        %sign3A_766 = arith.constant 0 : i32
        %sign3A_767 = arith.cmpi sgt, %add3A_761, %sign3A_766 : i32
        %sign3A_768 = arith.extui %sign3A_767 : i1 to i32
        %sign3A_769 = arith.constant 0 : i32
        %sign3A_770 = arith.cmpi slt, %add3A_761, %sign3A_769 : i32
        %sign3A_771 = arith.extui %sign3A_770 : i1 to i32
        %sign3A_772 = arith.subi %sign3A_768, %sign3A_771 : i32
        %sign3A_773 = arith.constant 0 : i32
        %sign3A_774 = arith.cmpi sgt, %jit3A_764, %sign3A_773 : i32
        %sign3A_775 = arith.extui %sign3A_774 : i1 to i32
        %sign3A_776 = arith.constant 0 : i32
        %sign3A_777 = arith.cmpi slt, %jit3A_764, %sign3A_776 : i32
        %sign3A_778 = arith.extui %sign3A_777 : i1 to i32
        %sign3A_779 = arith.subi %sign3A_775, %sign3A_778 : i32
        %ne3A_780 = arith.cmpi ne, %sign3A_772, %sign3A_779 : i32
        %rem3A_781 = arith.remsi %add3A_761, %jit3A_764 : i32
        %ne3A_782 = arith.constant 0 : i32
        %ne3A_783 = arith.cmpi ne, %rem3A_781, %ne3A_782 : i32
        %and3A_784 = arith.andi %ne3A_780, %ne3A_783 : i1
        %sub3A_785 = arith.constant 1 : i32
        %sub3A_786 = arith.subi %div3A_765, %sub3A_785 : i32
        %select_n3A_787 = arith.select %and3A_784, %sub3A_786, %div3A_765 : i32
        %add3A_788 = arith.addi %mul3A_763, %select_n3A_787 : i32
        %jit3A_789 = arith.constant 4 : i32
        %div3A_790 = arith.divsi %add3A_788, %jit3A_789 : i32
        %sign3A_791 = arith.constant 0 : i32
        %sign3A_792 = arith.cmpi sgt, %add3A_788, %sign3A_791 : i32
        %sign3A_793 = arith.extui %sign3A_792 : i1 to i32
        %sign3A_794 = arith.constant 0 : i32
        %sign3A_795 = arith.cmpi slt, %add3A_788, %sign3A_794 : i32
        %sign3A_796 = arith.extui %sign3A_795 : i1 to i32
        %sign3A_797 = arith.subi %sign3A_793, %sign3A_796 : i32
        %sign3A_798 = arith.constant 0 : i32
        %sign3A_799 = arith.cmpi sgt, %jit3A_789, %sign3A_798 : i32
        %sign3A_800 = arith.extui %sign3A_799 : i1 to i32
        %sign3A_801 = arith.constant 0 : i32
        %sign3A_802 = arith.cmpi slt, %jit3A_789, %sign3A_801 : i32
        %sign3A_803 = arith.extui %sign3A_802 : i1 to i32
        %sign3A_804 = arith.subi %sign3A_800, %sign3A_803 : i32
        %ne3A_805 = arith.cmpi ne, %sign3A_797, %sign3A_804 : i32
        %rem3A_806 = arith.remsi %add3A_788, %jit3A_789 : i32
        %ne3A_807 = arith.constant 0 : i32
        %ne3A_808 = arith.cmpi ne, %rem3A_806, %ne3A_807 : i32
        %and3A_809 = arith.andi %ne3A_805, %ne3A_808 : i1
        %sub3A_810 = arith.constant 1 : i32
        %sub3A_811 = arith.subi %div3A_790, %sub3A_810 : i32
        %select_n3A_812 = arith.select %and3A_809, %sub3A_811, %div3A_790 : i32
        %jit3A_813 = arith.constant 4 : i32
        %eq3A_814 = arith.constant 0 : i32
        %eq3A_815 = arith.cmpi eq, %jit3A_813, %eq3A_814 : i32
        %jit3A_816 = arith.constant 1 : i32
        %select_n3A_817 = arith.select %eq3A_815, %jit3A_816, %jit3A_813 : i32
        %rem3A_818 = arith.remsi %add3A_788, %select_n3A_817 : i32
        %ne3A_819 = arith.constant 0 : i32
        %ne3A_820 = arith.cmpi ne, %rem3A_818, %ne3A_819 : i32
        %lt3A_821 = arith.constant 0 : i32
        %lt3A_822 = arith.cmpi slt, %rem3A_818, %lt3A_821 : i32
        %lt3A_823 = arith.constant 0 : i32
        %lt3A_824 = arith.cmpi slt, %select_n3A_817, %lt3A_823 : i32
        %ne3A_825 = arith.xori %lt3A_822, %lt3A_824 : i1
        %and3A_826 = arith.andi %ne3A_825, %ne3A_820 : i1
        %add3A_827 = arith.addi %rem3A_818, %select_n3A_817 : i32
        %select_n3A_828 = arith.select %and3A_826, %add3A_827, %rem3A_818 : i32
        %mul3A_829 = arith.constant 256 : i32
        %mul3A_830 = arith.muli %select_n3A_828, %mul3A_829 : i32
        %jit3A_831 = arith.constant 8 : i32
        %eq3A_832 = arith.constant 0 : i32
        %eq3A_833 = arith.cmpi eq, %jit3A_831, %eq3A_832 : i32
        %jit3A_834 = arith.constant 1 : i32
        %select_n3A_835 = arith.select %eq3A_833, %jit3A_834, %jit3A_831 : i32
        %rem3A_836 = arith.remsi %add3A_761, %select_n3A_835 : i32
        %ne3A_837 = arith.constant 0 : i32
        %ne3A_838 = arith.cmpi ne, %rem3A_836, %ne3A_837 : i32
        %lt3A_839 = arith.constant 0 : i32
        %lt3A_840 = arith.cmpi slt, %rem3A_836, %lt3A_839 : i32
        %lt3A_841 = arith.constant 0 : i32
        %lt3A_842 = arith.cmpi slt, %select_n3A_835, %lt3A_841 : i32
        %ne3A_843 = arith.xori %lt3A_840, %lt3A_842 : i1
        %and3A_844 = arith.andi %ne3A_843, %ne3A_838 : i1
        %add3A_845 = arith.addi %rem3A_836, %select_n3A_835 : i32
        %select_n3A_846 = arith.select %and3A_844, %add3A_845, %rem3A_836 : i32
        %mul3A_847 = arith.constant 32 : i32
        %mul3A_848 = arith.muli %select_n3A_846, %mul3A_847 : i32
        %add3A_849 = arith.addi %mul3A_830, %mul3A_848 : i32
        %multiple_of3A_850 = tpu.assume_multiple %add3A_849, 32 : i32
        %dma_start3A_851 = arith.constant 3 : i32
        %dma_start3A_852 = arith.constant 0 : i32
        %dma_start3A_853 = arith.constant 0 : i32
        %dma_start3A_854 = tpu.memref_slice %arg9[%dma_start3A_851, %dma_start3A_852, %dma_start3A_853] : memref<4x32x768xf32, #tpu.memory_space<vmem>> -> memref<1x32x768xf32, #tpu.memory_space<vmem>>
        %dma_start3A_855 = tpu.memref_squeeze %dma_start3A_854 : memref<1x32x768xf32, #tpu.memory_space<vmem>> -> memref<32x768xf32, #tpu.memory_space<vmem>>
        %dma_start3A_856 = arith.constant 0 : i32
        %dma_start3A_857 = tpu.memref_slice %arg6[%select_n3A_812, %multiple_of3A_850, %dma_start3A_856] : memref<12x1024x768xf32, #tpu.memory_space<hbm>> -> memref<1x32x768xf32, #tpu.memory_space<hbm>>
        %dma_start3A_858 = tpu.memref_squeeze %dma_start3A_857 : memref<1x32x768xf32, #tpu.memory_space<hbm>> -> memref<32x768xf32, #tpu.memory_space<hbm>>
        %dma_start3A_859 = arith.constant 0 : i32
        %dma_start3A_860 = tpu.memref_slice %arg6[%select_n3A_812, %multiple_of3A_850, %dma_start3A_859] : memref<12x1024x768xf32, #tpu.memory_space<hbm>> -> memref<1x32x768xf32, #tpu.memory_space<hbm>>
        %dma_start3A_861 = tpu.memref_squeeze %dma_start3A_860 : memref<1x32x768xf32, #tpu.memory_space<hbm>> -> memref<32x768xf32, #tpu.memory_space<hbm>>
        %dma_start3A_862 = arith.constant 0 : i32
        %dma_start3A_863 = arith.constant 0 : i32
        %dma_start3A_864 = tpu.memref_slice %arg9[%dma_start3A_851, %dma_start3A_862, %dma_start3A_863] : memref<4x32x768xf32, #tpu.memory_space<vmem>> -> memref<1x32x768xf32, #tpu.memory_space<vmem>>
        %dma_start3A_865 = tpu.memref_squeeze %dma_start3A_864 : memref<1x32x768xf32, #tpu.memory_space<vmem>> -> memref<32x768xf32, #tpu.memory_space<vmem>>
        tpu.enqueue_dma source(%dma_start3A_865 : memref<32x768xf32, #tpu.memory_space<vmem>>) target(%dma_start3A_861 : memref<32x768xf32, #tpu.memory_space<hbm>>) target_semaphore(%arg17 : memref<!tpu.dma_semaphore, #tpu.memory_space<semaphore_mem>>)
        %dma_wait3A_866 = arith.constant 0 : i32
        %dma_wait3A_867 = arith.constant 0 : i32
        %dma_wait3A_868 = arith.constant 0 : i32
        %dma_wait3A_869 = arith.constant 0 : i32
        %dma_wait3A_870 = tpu.memref_slice %arg9[%dma_wait3A_866, %dma_wait3A_868, %dma_wait3A_869] : memref<4x32x768xf32, #tpu.memory_space<vmem>> -> memref<1x32x768xf32, #tpu.memory_space<vmem>>
        %dma_wait3A_871 = tpu.memref_squeeze %dma_wait3A_870 : memref<1x32x768xf32, #tpu.memory_space<vmem>> -> memref<32x768xf32, #tpu.memory_space<vmem>>
        %dma_wait3A_872 = arith.constant 0 : i32
        %dma_wait3A_873 = arith.constant 0 : i32
        %dma_wait3A_874 = tpu.memref_slice %arg6[%dma_wait3A_867, %dma_wait3A_872, %dma_wait3A_873] : memref<12x1024x768xf32, #tpu.memory_space<hbm>> -> memref<1x32x768xf32, #tpu.memory_space<hbm>>
        %dma_wait3A_875 = tpu.memref_squeeze %dma_wait3A_874 : memref<1x32x768xf32, #tpu.memory_space<hbm>> -> memref<32x768xf32, #tpu.memory_space<hbm>>
        %dma_wait3A_876 = arith.constant 0 : i32
        %dma_wait3A_877 = arith.constant 0 : i32
        %dma_wait3A_878 = tpu.memref_slice %arg6[%dma_wait3A_867, %dma_wait3A_876, %dma_wait3A_877] : memref<12x1024x768xf32, #tpu.memory_space<hbm>> -> memref<1x32x768xf32, #tpu.memory_space<hbm>>
        %dma_wait3A_879 = tpu.memref_squeeze %dma_wait3A_878 : memref<1x32x768xf32, #tpu.memory_space<hbm>> -> memref<32x768xf32, #tpu.memory_space<hbm>>
        %dma_wait3A_880 = arith.constant 0 : i32
        %dma_wait3A_881 = arith.constant 0 : i32
        %dma_wait3A_882 = tpu.memref_slice %arg9[%dma_wait3A_866, %dma_wait3A_880, %dma_wait3A_881] : memref<4x32x768xf32, #tpu.memory_space<vmem>> -> memref<1x32x768xf32, #tpu.memory_space<vmem>>
        %dma_wait3A_883 = tpu.memref_squeeze %dma_wait3A_882 : memref<1x32x768xf32, #tpu.memory_space<vmem>> -> memref<32x768xf32, #tpu.memory_space<vmem>>
        tpu.wait_dma2 semaphore(%arg14 : memref<!tpu.dma_semaphore, #tpu.memory_space<semaphore_mem>>) src(%dma_wait3A_883 : memref<32x768xf32, #tpu.memory_space<vmem>>) dst(%dma_wait3A_879 : memref<32x768xf32, #tpu.memory_space<hbm>>)
        %add3A_884 = arith.constant 4 : i32
        %add3A_885 = arith.addi %add3A_401, %add3A_884 : i32
        %add3A_886 = arith.constant 0 : i32
        %add3A_887 = arith.addi %add3A_885, %add3A_886 : i32
        %lt3A_888 = arith.constant 16 : i32
        %lt3A_889 = arith.cmpi slt, %add3A_887, %lt3A_888 : i32
        %convert_element_type3A_890 = arith.extui %lt3A_889 : i1 to i32
        %cond3A_891 = arith.constant 0 : i32
        %cond3A_892 = arith.cmpi ne, %convert_element_type3A_890, %cond3A_891 : i32
        scf.if %cond3A_892 {
          %mul3A_974 = arith.constant 32 : i32
          %mul3A_975 = arith.muli %add3A_887, %mul3A_974 : i32
          %multiple_of3A_976 = tpu.assume_multiple %mul3A_975, 32 : i32
          %dma_start3A_977 = arith.constant 0 : i32
          %dma_start3A_978 = arith.constant 0 : i32
          %dma_start3A_979 = arith.constant 0 : i32
          %dma_start3A_980 = tpu.memref_slice %arg9[%dma_start3A_977, %dma_start3A_978, %dma_start3A_979] : memref<4x32x768xf32, #tpu.memory_space<vmem>> -> memref<1x32x768xf32, #tpu.memory_space<vmem>>
          %dma_start3A_981 = tpu.memref_squeeze %dma_start3A_980 : memref<1x32x768xf32, #tpu.memory_space<vmem>> -> memref<32x768xf32, #tpu.memory_space<vmem>>
          %dma_start3A_982 = tpu.memref_slice %arg8[%multiple_of3A_976] : memref<544xi32, #tpu.memory_space<vmem>> -> memref<32xi32, #tpu.memory_space<vmem>>
          %dma_start3A_983 = arith.constant 0 : i32
          %dma_start3A_984 = arith.constant 0 : i32
          %dma_start3A_985 = tpu.memref_slice %arg2[%dma_start3A_983, %dma_start3A_984] : memref<512x768xf32, #tpu.memory_space<hbm>> -> memref<512x768xf32, #tpu.memory_space<hbm>>
          tpu.enqueue_indirect_dma source(%dma_start3A_985 : memref<512x768xf32, #tpu.memory_space<hbm>>) target(%dma_start3A_981 : memref<32x768xf32, #tpu.memory_space<vmem>>) offsets(%dma_start3A_982 : memref<32xi32, #tpu.memory_space<vmem>>) semaphore(%arg10 : memref<!tpu.dma_semaphore, #tpu.memory_space<semaphore_mem>>)
        } else {
        }
        %dma_wait3A_893 = arith.constant 1 : i32
        %dma_wait3A_894 = arith.constant 0 : i32
        %dma_wait3A_895 = arith.constant 0 : i32
        %dma_wait3A_896 = arith.constant 0 : i32
        %dma_wait3A_897 = tpu.memref_slice %arg9[%dma_wait3A_893, %dma_wait3A_895, %dma_wait3A_896] : memref<4x32x768xf32, #tpu.memory_space<vmem>> -> memref<1x32x768xf32, #tpu.memory_space<vmem>>
        %dma_wait3A_898 = tpu.memref_squeeze %dma_wait3A_897 : memref<1x32x768xf32, #tpu.memory_space<vmem>> -> memref<32x768xf32, #tpu.memory_space<vmem>>
        %dma_wait3A_899 = arith.constant 0 : i32
        %dma_wait3A_900 = arith.constant 0 : i32
        %dma_wait3A_901 = tpu.memref_slice %arg6[%dma_wait3A_894, %dma_wait3A_899, %dma_wait3A_900] : memref<12x1024x768xf32, #tpu.memory_space<hbm>> -> memref<1x32x768xf32, #tpu.memory_space<hbm>>
        %dma_wait3A_902 = tpu.memref_squeeze %dma_wait3A_901 : memref<1x32x768xf32, #tpu.memory_space<hbm>> -> memref<32x768xf32, #tpu.memory_space<hbm>>
        %dma_wait3A_903 = arith.constant 0 : i32
        %dma_wait3A_904 = arith.constant 0 : i32
        %dma_wait3A_905 = tpu.memref_slice %arg6[%dma_wait3A_894, %dma_wait3A_903, %dma_wait3A_904] : memref<12x1024x768xf32, #tpu.memory_space<hbm>> -> memref<1x32x768xf32, #tpu.memory_space<hbm>>
        %dma_wait3A_906 = tpu.memref_squeeze %dma_wait3A_905 : memref<1x32x768xf32, #tpu.memory_space<hbm>> -> memref<32x768xf32, #tpu.memory_space<hbm>>
        %dma_wait3A_907 = arith.constant 0 : i32
        %dma_wait3A_908 = arith.constant 0 : i32
        %dma_wait3A_909 = tpu.memref_slice %arg9[%dma_wait3A_893, %dma_wait3A_907, %dma_wait3A_908] : memref<4x32x768xf32, #tpu.memory_space<vmem>> -> memref<1x32x768xf32, #tpu.memory_space<vmem>>
        %dma_wait3A_910 = tpu.memref_squeeze %dma_wait3A_909 : memref<1x32x768xf32, #tpu.memory_space<vmem>> -> memref<32x768xf32, #tpu.memory_space<vmem>>
        tpu.wait_dma2 semaphore(%arg15 : memref<!tpu.dma_semaphore, #tpu.memory_space<semaphore_mem>>) src(%dma_wait3A_910 : memref<32x768xf32, #tpu.memory_space<vmem>>) dst(%dma_wait3A_906 : memref<32x768xf32, #tpu.memory_space<hbm>>)
        %add3A_911 = arith.constant 4 : i32
        %add3A_912 = arith.addi %add3A_401, %add3A_911 : i32
        %add3A_913 = arith.constant 1 : i32
        %add3A_914 = arith.addi %add3A_912, %add3A_913 : i32
        %lt3A_915 = arith.constant 16 : i32
        %lt3A_916 = arith.cmpi slt, %add3A_914, %lt3A_915 : i32
        %convert_element_type3A_917 = arith.extui %lt3A_916 : i1 to i32
        %cond3A_918 = arith.constant 0 : i32
        %cond3A_919 = arith.cmpi ne, %convert_element_type3A_917, %cond3A_918 : i32
        scf.if %cond3A_919 {
          %mul3A_974 = arith.constant 32 : i32
          %mul3A_975 = arith.muli %add3A_914, %mul3A_974 : i32
          %multiple_of3A_976 = tpu.assume_multiple %mul3A_975, 32 : i32
          %dma_start3A_977 = arith.constant 1 : i32
          %dma_start3A_978 = arith.constant 0 : i32
          %dma_start3A_979 = arith.constant 0 : i32
          %dma_start3A_980 = tpu.memref_slice %arg9[%dma_start3A_977, %dma_start3A_978, %dma_start3A_979] : memref<4x32x768xf32, #tpu.memory_space<vmem>> -> memref<1x32x768xf32, #tpu.memory_space<vmem>>
          %dma_start3A_981 = tpu.memref_squeeze %dma_start3A_980 : memref<1x32x768xf32, #tpu.memory_space<vmem>> -> memref<32x768xf32, #tpu.memory_space<vmem>>
          %dma_start3A_982 = tpu.memref_slice %arg8[%multiple_of3A_976] : memref<544xi32, #tpu.memory_space<vmem>> -> memref<32xi32, #tpu.memory_space<vmem>>
          %dma_start3A_983 = arith.constant 0 : i32
          %dma_start3A_984 = arith.constant 0 : i32
          %dma_start3A_985 = tpu.memref_slice %arg2[%dma_start3A_983, %dma_start3A_984] : memref<512x768xf32, #tpu.memory_space<hbm>> -> memref<512x768xf32, #tpu.memory_space<hbm>>
          tpu.enqueue_indirect_dma source(%dma_start3A_985 : memref<512x768xf32, #tpu.memory_space<hbm>>) target(%dma_start3A_981 : memref<32x768xf32, #tpu.memory_space<vmem>>) offsets(%dma_start3A_982 : memref<32xi32, #tpu.memory_space<vmem>>) semaphore(%arg11 : memref<!tpu.dma_semaphore, #tpu.memory_space<semaphore_mem>>)
        } else {
        }
        %dma_wait3A_920 = arith.constant 2 : i32
        %dma_wait3A_921 = arith.constant 0 : i32
        %dma_wait3A_922 = arith.constant 0 : i32
        %dma_wait3A_923 = arith.constant 0 : i32
        %dma_wait3A_924 = tpu.memref_slice %arg9[%dma_wait3A_920, %dma_wait3A_922, %dma_wait3A_923] : memref<4x32x768xf32, #tpu.memory_space<vmem>> -> memref<1x32x768xf32, #tpu.memory_space<vmem>>
        %dma_wait3A_925 = tpu.memref_squeeze %dma_wait3A_924 : memref<1x32x768xf32, #tpu.memory_space<vmem>> -> memref<32x768xf32, #tpu.memory_space<vmem>>
        %dma_wait3A_926 = arith.constant 0 : i32
        %dma_wait3A_927 = arith.constant 0 : i32
        %dma_wait3A_928 = tpu.memref_slice %arg6[%dma_wait3A_921, %dma_wait3A_926, %dma_wait3A_927] : memref<12x1024x768xf32, #tpu.memory_space<hbm>> -> memref<1x32x768xf32, #tpu.memory_space<hbm>>
        %dma_wait3A_929 = tpu.memref_squeeze %dma_wait3A_928 : memref<1x32x768xf32, #tpu.memory_space<hbm>> -> memref<32x768xf32, #tpu.memory_space<hbm>>
        %dma_wait3A_930 = arith.constant 0 : i32
        %dma_wait3A_931 = arith.constant 0 : i32
        %dma_wait3A_932 = tpu.memref_slice %arg6[%dma_wait3A_921, %dma_wait3A_930, %dma_wait3A_931] : memref<12x1024x768xf32, #tpu.memory_space<hbm>> -> memref<1x32x768xf32, #tpu.memory_space<hbm>>
        %dma_wait3A_933 = tpu.memref_squeeze %dma_wait3A_932 : memref<1x32x768xf32, #tpu.memory_space<hbm>> -> memref<32x768xf32, #tpu.memory_space<hbm>>
        %dma_wait3A_934 = arith.constant 0 : i32
        %dma_wait3A_935 = arith.constant 0 : i32
        %dma_wait3A_936 = tpu.memref_slice %arg9[%dma_wait3A_920, %dma_wait3A_934, %dma_wait3A_935] : memref<4x32x768xf32, #tpu.memory_space<vmem>> -> memref<1x32x768xf32, #tpu.memory_space<vmem>>
        %dma_wait3A_937 = tpu.memref_squeeze %dma_wait3A_936 : memref<1x32x768xf32, #tpu.memory_space<vmem>> -> memref<32x768xf32, #tpu.memory_space<vmem>>
        tpu.wait_dma2 semaphore(%arg16 : memref<!tpu.dma_semaphore, #tpu.memory_space<semaphore_mem>>) src(%dma_wait3A_937 : memref<32x768xf32, #tpu.memory_space<vmem>>) dst(%dma_wait3A_933 : memref<32x768xf32, #tpu.memory_space<hbm>>)
        %add3A_938 = arith.constant 4 : i32
        %add3A_939 = arith.addi %add3A_401, %add3A_938 : i32
        %add3A_940 = arith.constant 2 : i32
        %add3A_941 = arith.addi %add3A_939, %add3A_940 : i32
        %lt3A_942 = arith.constant 16 : i32
        %lt3A_943 = arith.cmpi slt, %add3A_941, %lt3A_942 : i32
        %convert_element_type3A_944 = arith.extui %lt3A_943 : i1 to i32
        %cond3A_945 = arith.constant 0 : i32
        %cond3A_946 = arith.cmpi ne, %convert_element_type3A_944, %cond3A_945 : i32
        scf.if %cond3A_946 {
          %mul3A_974 = arith.constant 32 : i32
          %mul3A_975 = arith.muli %add3A_941, %mul3A_974 : i32
          %multiple_of3A_976 = tpu.assume_multiple %mul3A_975, 32 : i32
          %dma_start3A_977 = arith.constant 2 : i32
          %dma_start3A_978 = arith.constant 0 : i32
          %dma_start3A_979 = arith.constant 0 : i32
          %dma_start3A_980 = tpu.memref_slice %arg9[%dma_start3A_977, %dma_start3A_978, %dma_start3A_979] : memref<4x32x768xf32, #tpu.memory_space<vmem>> -> memref<1x32x768xf32, #tpu.memory_space<vmem>>
          %dma_start3A_981 = tpu.memref_squeeze %dma_start3A_980 : memref<1x32x768xf32, #tpu.memory_space<vmem>> -> memref<32x768xf32, #tpu.memory_space<vmem>>
          %dma_start3A_982 = tpu.memref_slice %arg8[%multiple_of3A_976] : memref<544xi32, #tpu.memory_space<vmem>> -> memref<32xi32, #tpu.memory_space<vmem>>
          %dma_start3A_983 = arith.constant 0 : i32
          %dma_start3A_984 = arith.constant 0 : i32
          %dma_start3A_985 = tpu.memref_slice %arg2[%dma_start3A_983, %dma_start3A_984] : memref<512x768xf32, #tpu.memory_space<hbm>> -> memref<512x768xf32, #tpu.memory_space<hbm>>
          tpu.enqueue_indirect_dma source(%dma_start3A_985 : memref<512x768xf32, #tpu.memory_space<hbm>>) target(%dma_start3A_981 : memref<32x768xf32, #tpu.memory_space<vmem>>) offsets(%dma_start3A_982 : memref<32xi32, #tpu.memory_space<vmem>>) semaphore(%arg12 : memref<!tpu.dma_semaphore, #tpu.memory_space<semaphore_mem>>)
        } else {
        }
        %dma_wait3A_947 = arith.constant 3 : i32
        %dma_wait3A_948 = arith.constant 0 : i32
        %dma_wait3A_949 = arith.constant 0 : i32
        %dma_wait3A_950 = arith.constant 0 : i32
        %dma_wait3A_951 = tpu.memref_slice %arg9[%dma_wait3A_947, %dma_wait3A_949, %dma_wait3A_950] : memref<4x32x768xf32, #tpu.memory_space<vmem>> -> memref<1x32x768xf32, #tpu.memory_space<vmem>>
        %dma_wait3A_952 = tpu.memref_squeeze %dma_wait3A_951 : memref<1x32x768xf32, #tpu.memory_space<vmem>> -> memref<32x768xf32, #tpu.memory_space<vmem>>
        %dma_wait3A_953 = arith.constant 0 : i32
        %dma_wait3A_954 = arith.constant 0 : i32
        %dma_wait3A_955 = tpu.memref_slice %arg6[%dma_wait3A_948, %dma_wait3A_953, %dma_wait3A_954] : memref<12x1024x768xf32, #tpu.memory_space<hbm>> -> memref<1x32x768xf32, #tpu.memory_space<hbm>>
        %dma_wait3A_956 = tpu.memref_squeeze %dma_wait3A_955 : memref<1x32x768xf32, #tpu.memory_space<hbm>> -> memref<32x768xf32, #tpu.memory_space<hbm>>
        %dma_wait3A_957 = arith.constant 0 : i32
        %dma_wait3A_958 = arith.constant 0 : i32
        %dma_wait3A_959 = tpu.memref_slice %arg6[%dma_wait3A_948, %dma_wait3A_957, %dma_wait3A_958] : memref<12x1024x768xf32, #tpu.memory_space<hbm>> -> memref<1x32x768xf32, #tpu.memory_space<hbm>>
        %dma_wait3A_960 = tpu.memref_squeeze %dma_wait3A_959 : memref<1x32x768xf32, #tpu.memory_space<hbm>> -> memref<32x768xf32, #tpu.memory_space<hbm>>
        %dma_wait3A_961 = arith.constant 0 : i32
        %dma_wait3A_962 = arith.constant 0 : i32
        %dma_wait3A_963 = tpu.memref_slice %arg9[%dma_wait3A_947, %dma_wait3A_961, %dma_wait3A_962] : memref<4x32x768xf32, #tpu.memory_space<vmem>> -> memref<1x32x768xf32, #tpu.memory_space<vmem>>
        %dma_wait3A_964 = tpu.memref_squeeze %dma_wait3A_963 : memref<1x32x768xf32, #tpu.memory_space<vmem>> -> memref<32x768xf32, #tpu.memory_space<vmem>>
        tpu.wait_dma2 semaphore(%arg17 : memref<!tpu.dma_semaphore, #tpu.memory_space<semaphore_mem>>) src(%dma_wait3A_964 : memref<32x768xf32, #tpu.memory_space<vmem>>) dst(%dma_wait3A_960 : memref<32x768xf32, #tpu.memory_space<hbm>>)
        %add3A_965 = arith.constant 4 : i32
        %add3A_966 = arith.addi %add3A_401, %add3A_965 : i32
        %add3A_967 = arith.constant 3 : i32
        %add3A_968 = arith.addi %add3A_966, %add3A_967 : i32
        %lt3A_969 = arith.constant 16 : i32
        %lt3A_970 = arith.cmpi slt, %add3A_968, %lt3A_969 : i32
        %convert_element_type3A_971 = arith.extui %lt3A_970 : i1 to i32
        %cond3A_972 = arith.constant 0 : i32
        %cond3A_973 = arith.cmpi ne, %convert_element_type3A_971, %cond3A_972 : i32
        scf.if %cond3A_973 {
          %mul3A_974 = arith.constant 32 : i32
          %mul3A_975 = arith.muli %add3A_968, %mul3A_974 : i32
          %multiple_of3A_976 = tpu.assume_multiple %mul3A_975, 32 : i32
          %dma_start3A_977 = arith.constant 3 : i32
          %dma_start3A_978 = arith.constant 0 : i32
          %dma_start3A_979 = arith.constant 0 : i32
          %dma_start3A_980 = tpu.memref_slice %arg9[%dma_start3A_977, %dma_start3A_978, %dma_start3A_979] : memref<4x32x768xf32, #tpu.memory_space<vmem>> -> memref<1x32x768xf32, #tpu.memory_space<vmem>>
          %dma_start3A_981 = tpu.memref_squeeze %dma_start3A_980 : memref<1x32x768xf32, #tpu.memory_space<vmem>> -> memref<32x768xf32, #tpu.memory_space<vmem>>
          %dma_start3A_982 = tpu.memref_slice %arg8[%multiple_of3A_976] : memref<544xi32, #tpu.memory_space<vmem>> -> memref<32xi32, #tpu.memory_space<vmem>>
          %dma_start3A_983 = arith.constant 0 : i32
          %dma_start3A_984 = arith.constant 0 : i32
          %dma_start3A_985 = tpu.memref_slice %arg2[%dma_start3A_983, %dma_start3A_984] : memref<512x768xf32, #tpu.memory_space<hbm>> -> memref<512x768xf32, #tpu.memory_space<hbm>>
          tpu.enqueue_indirect_dma source(%dma_start3A_985 : memref<512x768xf32, #tpu.memory_space<hbm>>) target(%dma_start3A_981 : memref<32x768xf32, #tpu.memory_space<vmem>>) offsets(%dma_start3A_982 : memref<32xi32, #tpu.memory_space<vmem>>) semaphore(%arg13 : memref<!tpu.dma_semaphore, #tpu.memory_space<semaphore_mem>>)
        } else {
        }
      }
      %scan3A_60 = arith.constant 4 : i32
      %multiple_of3A_61 = arith.constant 512 : i32
      %multiple_of3A_62 = tpu.assume_multiple %multiple_of3A_61, 32 : i32
      %dma_start3A_63 = arith.constant 0 : i32
      %dma_start3A_64 = arith.constant 0 : i32
      %dma_start3A_65 = arith.constant 0 : i32
      %dma_start3A_66 = tpu.memref_slice %arg9[%dma_start3A_63, %dma_start3A_64, %dma_start3A_65] : memref<4x32x768xf32, #tpu.memory_space<vmem>> -> memref<1x32x768xf32, #tpu.memory_space<vmem>>
      %dma_start3A_67 = tpu.memref_squeeze %dma_start3A_66 : memref<1x32x768xf32, #tpu.memory_space<vmem>> -> memref<32x768xf32, #tpu.memory_space<vmem>>
      %dma_start3A_68 = tpu.memref_slice %arg8[%multiple_of3A_62] : memref<544xi32, #tpu.memory_space<vmem>> -> memref<32xi32, #tpu.memory_space<vmem>>
      %dma_start3A_69 = arith.constant 0 : i32
      %dma_start3A_70 = arith.constant 0 : i32
      %dma_start3A_71 = tpu.memref_slice %arg3[%dma_start3A_69, %dma_start3A_70] : memref<256x768xf32, #tpu.memory_space<hbm>> -> memref<256x768xf32, #tpu.memory_space<hbm>>
      tpu.enqueue_indirect_dma source(%dma_start3A_71 : memref<256x768xf32, #tpu.memory_space<hbm>>) target(%dma_start3A_67 : memref<32x768xf32, #tpu.memory_space<vmem>>) offsets(%dma_start3A_68 : memref<32xi32, #tpu.memory_space<vmem>>) semaphore(%arg10 : memref<!tpu.dma_semaphore, #tpu.memory_space<semaphore_mem>>)
      %dma_wait3A = arith.constant 0 : i32
      %dma_wait3A_72 = arith.constant 0 : i32
      %dma_wait3A_73 = arith.constant 0 : i32
      %dma_wait3A_74 = tpu.memref_slice %arg9[%dma_wait3A, %dma_wait3A_72, %dma_wait3A_73] : memref<4x32x768xf32, #tpu.memory_space<vmem>> -> memref<1x32x768xf32, #tpu.memory_space<vmem>>
      %dma_wait3A_75 = tpu.memref_squeeze %dma_wait3A_74 : memref<1x32x768xf32, #tpu.memory_space<vmem>> -> memref<32x768xf32, #tpu.memory_space<vmem>>
      %dma_wait3A_76 = arith.constant 0 : i32
      %dma_wait3A_77 = tpu.memref_slice %arg8[%dma_wait3A_76] : memref<544xi32, #tpu.memory_space<vmem>> -> memref<32xi32, #tpu.memory_space<vmem>>
      %dma_wait3A_78 = arith.constant 0 : i32
      %dma_wait3A_79 = arith.constant 0 : i32
      %dma_wait3A_80 = tpu.memref_slice %arg2[%dma_wait3A_78, %dma_wait3A_79] : memref<512x768xf32, #tpu.memory_space<hbm>> -> memref<512x768xf32, #tpu.memory_space<hbm>>
      tpu.wait_indirect_dma semaphore(%arg10 : memref<!tpu.dma_semaphore, #tpu.memory_space<semaphore_mem>>) src(%dma_wait3A_80 : memref<512x768xf32, #tpu.memory_space<hbm>>) dst(%dma_wait3A_75 : memref<32x768xf32, #tpu.memory_space<vmem>>)
      %jit3A = arith.constant 4 : i32
      %div3A = arith.divsi %add3A, %jit3A : i32
      %sign3A = arith.constant 0 : i32
      %sign3A_81 = arith.cmpi sgt, %add3A, %sign3A : i32
      %sign3A_82 = arith.extui %sign3A_81 : i1 to i32
      %sign3A_83 = arith.constant 0 : i32
      %sign3A_84 = arith.cmpi slt, %add3A, %sign3A_83 : i32
      %sign3A_85 = arith.extui %sign3A_84 : i1 to i32
      %sign3A_86 = arith.subi %sign3A_82, %sign3A_85 : i32
      %sign3A_87 = arith.constant 0 : i32
      %sign3A_88 = arith.cmpi sgt, %jit3A, %sign3A_87 : i32
      %sign3A_89 = arith.extui %sign3A_88 : i1 to i32
      %sign3A_90 = arith.constant 0 : i32
      %sign3A_91 = arith.cmpi slt, %jit3A, %sign3A_90 : i32
      %sign3A_92 = arith.extui %sign3A_91 : i1 to i32
      %sign3A_93 = arith.subi %sign3A_89, %sign3A_92 : i32
      %ne3A = arith.cmpi ne, %sign3A_86, %sign3A_93 : i32
      %rem3A = arith.remsi %add3A, %jit3A : i32
      %ne3A_94 = arith.constant 0 : i32
      %ne3A_95 = arith.cmpi ne, %rem3A, %ne3A_94 : i32
      %and3A = arith.andi %ne3A, %ne3A_95 : i1
      %sub3A = arith.constant 1 : i32
      %sub3A_96 = arith.subi %div3A, %sub3A : i32
      %select_n3A = arith.select %and3A, %sub3A_96, %div3A : i32
      %add3A_97 = arith.constant 8 : i32
      %add3A_98 = arith.addi %add3A_97, %select_n3A : i32
      %jit3A_99 = arith.constant 4 : i32
      %eq3A = arith.constant 0 : i32
      %eq3A_100 = arith.cmpi eq, %jit3A_99, %eq3A : i32
      %jit3A_101 = arith.constant 1 : i32
      %select_n3A_102 = arith.select %eq3A_100, %jit3A_101, %jit3A_99 : i32
      %rem3A_103 = arith.remsi %add3A, %select_n3A_102 : i32
      %ne3A_104 = arith.constant 0 : i32
      %ne3A_105 = arith.cmpi ne, %rem3A_103, %ne3A_104 : i32
      %lt3A_106 = arith.constant 0 : i32
      %lt3A_107 = arith.cmpi slt, %rem3A_103, %lt3A_106 : i32
      %lt3A_108 = arith.constant 0 : i32
      %lt3A_109 = arith.cmpi slt, %select_n3A_102, %lt3A_108 : i32
      %ne3A_110 = arith.xori %lt3A_107, %lt3A_109 : i1
      %and3A_111 = arith.andi %ne3A_110, %ne3A_105 : i1
      %add3A_112 = arith.addi %rem3A_103, %select_n3A_102 : i32
      %select_n3A_113 = arith.select %and3A_111, %add3A_112, %rem3A_103 : i32
      %mul3A_114 = arith.constant 256 : i32
      %mul3A_115 = arith.muli %select_n3A_113, %mul3A_114 : i32
      %multiple_of3A_116 = tpu.assume_multiple %mul3A_115, 256 : i32
      %add3A_117 = arith.constant 0 : i32
      %add3A_118 = arith.addi %multiple_of3A_116, %add3A_117 : i32
      %dma_start3A_119 = arith.constant 0 : i32
      %dma_start3A_120 = arith.constant 0 : i32
      %dma_start3A_121 = arith.constant 0 : i32
      %dma_start3A_122 = tpu.memref_slice %arg9[%dma_start3A_119, %dma_start3A_120, %dma_start3A_121] : memref<4x32x768xf32, #tpu.memory_space<vmem>> -> memref<1x32x768xf32, #tpu.memory_space<vmem>>
      %dma_start3A_123 = tpu.memref_squeeze %dma_start3A_122 : memref<1x32x768xf32, #tpu.memory_space<vmem>> -> memref<32x768xf32, #tpu.memory_space<vmem>>
      %dma_start3A_124 = arith.constant 0 : i32
      %dma_start3A_125 = tpu.memref_slice %arg6[%add3A_98, %add3A_118, %dma_start3A_124] : memref<12x1024x768xf32, #tpu.memory_space<hbm>> -> memref<1x32x768xf32, #tpu.memory_space<hbm>>
      %dma_start3A_126 = tpu.memref_squeeze %dma_start3A_125 : memref<1x32x768xf32, #tpu.memory_space<hbm>> -> memref<32x768xf32, #tpu.memory_space<hbm>>
      %dma_start3A_127 = arith.constant 0 : i32
      %dma_start3A_128 = tpu.memref_slice %arg6[%add3A_98, %add3A_118, %dma_start3A_127] : memref<12x1024x768xf32, #tpu.memory_space<hbm>> -> memref<1x32x768xf32, #tpu.memory_space<hbm>>
      %dma_start3A_129 = tpu.memref_squeeze %dma_start3A_128 : memref<1x32x768xf32, #tpu.memory_space<hbm>> -> memref<32x768xf32, #tpu.memory_space<hbm>>
      %dma_start3A_130 = arith.constant 0 : i32
      %dma_start3A_131 = arith.constant 0 : i32
      %dma_start3A_132 = tpu.memref_slice %arg9[%dma_start3A_119, %dma_start3A_130, %dma_start3A_131] : memref<4x32x768xf32, #tpu.memory_space<vmem>> -> memref<1x32x768xf32, #tpu.memory_space<vmem>>
      %dma_start3A_133 = tpu.memref_squeeze %dma_start3A_132 : memref<1x32x768xf32, #tpu.memory_space<vmem>> -> memref<32x768xf32, #tpu.memory_space<vmem>>
      tpu.enqueue_dma source(%dma_start3A_133 : memref<32x768xf32, #tpu.memory_space<vmem>>) target(%dma_start3A_129 : memref<32x768xf32, #tpu.memory_space<hbm>>) target_semaphore(%arg14 : memref<!tpu.dma_semaphore, #tpu.memory_space<semaphore_mem>>)
      %add3A_134 = arith.constant 32 : i32
      %add3A_135 = arith.addi %multiple_of3A_116, %add3A_134 : i32
      %dma_start3A_136 = arith.constant 0 : i32
      %dma_start3A_137 = arith.constant 0 : i32
      %dma_start3A_138 = arith.constant 0 : i32
      %dma_start3A_139 = tpu.memref_slice %arg9[%dma_start3A_136, %dma_start3A_137, %dma_start3A_138] : memref<4x32x768xf32, #tpu.memory_space<vmem>> -> memref<1x32x768xf32, #tpu.memory_space<vmem>>
      %dma_start3A_140 = tpu.memref_squeeze %dma_start3A_139 : memref<1x32x768xf32, #tpu.memory_space<vmem>> -> memref<32x768xf32, #tpu.memory_space<vmem>>
      %dma_start3A_141 = arith.constant 0 : i32
      %dma_start3A_142 = tpu.memref_slice %arg6[%add3A_98, %add3A_135, %dma_start3A_141] : memref<12x1024x768xf32, #tpu.memory_space<hbm>> -> memref<1x32x768xf32, #tpu.memory_space<hbm>>
      %dma_start3A_143 = tpu.memref_squeeze %dma_start3A_142 : memref<1x32x768xf32, #tpu.memory_space<hbm>> -> memref<32x768xf32, #tpu.memory_space<hbm>>
      %dma_start3A_144 = arith.constant 0 : i32
      %dma_start3A_145 = tpu.memref_slice %arg6[%add3A_98, %add3A_135, %dma_start3A_144] : memref<12x1024x768xf32, #tpu.memory_space<hbm>> -> memref<1x32x768xf32, #tpu.memory_space<hbm>>
      %dma_start3A_146 = tpu.memref_squeeze %dma_start3A_145 : memref<1x32x768xf32, #tpu.memory_space<hbm>> -> memref<32x768xf32, #tpu.memory_space<hbm>>
      %dma_start3A_147 = arith.constant 0 : i32
      %dma_start3A_148 = arith.constant 0 : i32
      %dma_start3A_149 = tpu.memref_slice %arg9[%dma_start3A_136, %dma_start3A_147, %dma_start3A_148] : memref<4x32x768xf32, #tpu.memory_space<vmem>> -> memref<1x32x768xf32, #tpu.memory_space<vmem>>
      %dma_start3A_150 = tpu.memref_squeeze %dma_start3A_149 : memref<1x32x768xf32, #tpu.memory_space<vmem>> -> memref<32x768xf32, #tpu.memory_space<vmem>>
      tpu.enqueue_dma source(%dma_start3A_150 : memref<32x768xf32, #tpu.memory_space<vmem>>) target(%dma_start3A_146 : memref<32x768xf32, #tpu.memory_space<hbm>>) target_semaphore(%arg14 : memref<!tpu.dma_semaphore, #tpu.memory_space<semaphore_mem>>)
      %add3A_151 = arith.constant 64 : i32
      %add3A_152 = arith.addi %multiple_of3A_116, %add3A_151 : i32
      %dma_start3A_153 = arith.constant 0 : i32
      %dma_start3A_154 = arith.constant 0 : i32
      %dma_start3A_155 = arith.constant 0 : i32
      %dma_start3A_156 = tpu.memref_slice %arg9[%dma_start3A_153, %dma_start3A_154, %dma_start3A_155] : memref<4x32x768xf32, #tpu.memory_space<vmem>> -> memref<1x32x768xf32, #tpu.memory_space<vmem>>
      %dma_start3A_157 = tpu.memref_squeeze %dma_start3A_156 : memref<1x32x768xf32, #tpu.memory_space<vmem>> -> memref<32x768xf32, #tpu.memory_space<vmem>>
      %dma_start3A_158 = arith.constant 0 : i32
      %dma_start3A_159 = tpu.memref_slice %arg6[%add3A_98, %add3A_152, %dma_start3A_158] : memref<12x1024x768xf32, #tpu.memory_space<hbm>> -> memref<1x32x768xf32, #tpu.memory_space<hbm>>
      %dma_start3A_160 = tpu.memref_squeeze %dma_start3A_159 : memref<1x32x768xf32, #tpu.memory_space<hbm>> -> memref<32x768xf32, #tpu.memory_space<hbm>>
      %dma_start3A_161 = arith.constant 0 : i32
      %dma_start3A_162 = tpu.memref_slice %arg6[%add3A_98, %add3A_152, %dma_start3A_161] : memref<12x1024x768xf32, #tpu.memory_space<hbm>> -> memref<1x32x768xf32, #tpu.memory_space<hbm>>
      %dma_start3A_163 = tpu.memref_squeeze %dma_start3A_162 : memref<1x32x768xf32, #tpu.memory_space<hbm>> -> memref<32x768xf32, #tpu.memory_space<hbm>>
      %dma_start3A_164 = arith.constant 0 : i32
      %dma_start3A_165 = arith.constant 0 : i32
      %dma_start3A_166 = tpu.memref_slice %arg9[%dma_start3A_153, %dma_start3A_164, %dma_start3A_165] : memref<4x32x768xf32, #tpu.memory_space<vmem>> -> memref<1x32x768xf32, #tpu.memory_space<vmem>>
      %dma_start3A_167 = tpu.memref_squeeze %dma_start3A_166 : memref<1x32x768xf32, #tpu.memory_space<vmem>> -> memref<32x768xf32, #tpu.memory_space<vmem>>
      tpu.enqueue_dma source(%dma_start3A_167 : memref<32x768xf32, #tpu.memory_space<vmem>>) target(%dma_start3A_163 : memref<32x768xf32, #tpu.memory_space<hbm>>) target_semaphore(%arg14 : memref<!tpu.dma_semaphore, #tpu.memory_space<semaphore_mem>>)
      %add3A_168 = arith.constant 96 : i32
      %add3A_169 = arith.addi %multiple_of3A_116, %add3A_168 : i32
      %dma_start3A_170 = arith.constant 0 : i32
      %dma_start3A_171 = arith.constant 0 : i32
      %dma_start3A_172 = arith.constant 0 : i32
      %dma_start3A_173 = tpu.memref_slice %arg9[%dma_start3A_170, %dma_start3A_171, %dma_start3A_172] : memref<4x32x768xf32, #tpu.memory_space<vmem>> -> memref<1x32x768xf32, #tpu.memory_space<vmem>>
      %dma_start3A_174 = tpu.memref_squeeze %dma_start3A_173 : memref<1x32x768xf32, #tpu.memory_space<vmem>> -> memref<32x768xf32, #tpu.memory_space<vmem>>
      %dma_start3A_175 = arith.constant 0 : i32
      %dma_start3A_176 = tpu.memref_slice %arg6[%add3A_98, %add3A_169, %dma_start3A_175] : memref<12x1024x768xf32, #tpu.memory_space<hbm>> -> memref<1x32x768xf32, #tpu.memory_space<hbm>>
      %dma_start3A_177 = tpu.memref_squeeze %dma_start3A_176 : memref<1x32x768xf32, #tpu.memory_space<hbm>> -> memref<32x768xf32, #tpu.memory_space<hbm>>
      %dma_start3A_178 = arith.constant 0 : i32
      %dma_start3A_179 = tpu.memref_slice %arg6[%add3A_98, %add3A_169, %dma_start3A_178] : memref<12x1024x768xf32, #tpu.memory_space<hbm>> -> memref<1x32x768xf32, #tpu.memory_space<hbm>>
      %dma_start3A_180 = tpu.memref_squeeze %dma_start3A_179 : memref<1x32x768xf32, #tpu.memory_space<hbm>> -> memref<32x768xf32, #tpu.memory_space<hbm>>
      %dma_start3A_181 = arith.constant 0 : i32
      %dma_start3A_182 = arith.constant 0 : i32
      %dma_start3A_183 = tpu.memref_slice %arg9[%dma_start3A_170, %dma_start3A_181, %dma_start3A_182] : memref<4x32x768xf32, #tpu.memory_space<vmem>> -> memref<1x32x768xf32, #tpu.memory_space<vmem>>
      %dma_start3A_184 = tpu.memref_squeeze %dma_start3A_183 : memref<1x32x768xf32, #tpu.memory_space<vmem>> -> memref<32x768xf32, #tpu.memory_space<vmem>>
      tpu.enqueue_dma source(%dma_start3A_184 : memref<32x768xf32, #tpu.memory_space<vmem>>) target(%dma_start3A_180 : memref<32x768xf32, #tpu.memory_space<hbm>>) target_semaphore(%arg14 : memref<!tpu.dma_semaphore, #tpu.memory_space<semaphore_mem>>)
      %add3A_185 = arith.constant 128 : i32
      %add3A_186 = arith.addi %multiple_of3A_116, %add3A_185 : i32
      %dma_start3A_187 = arith.constant 0 : i32
      %dma_start3A_188 = arith.constant 0 : i32
      %dma_start3A_189 = arith.constant 0 : i32
      %dma_start3A_190 = tpu.memref_slice %arg9[%dma_start3A_187, %dma_start3A_188, %dma_start3A_189] : memref<4x32x768xf32, #tpu.memory_space<vmem>> -> memref<1x32x768xf32, #tpu.memory_space<vmem>>
      %dma_start3A_191 = tpu.memref_squeeze %dma_start3A_190 : memref<1x32x768xf32, #tpu.memory_space<vmem>> -> memref<32x768xf32, #tpu.memory_space<vmem>>
      %dma_start3A_192 = arith.constant 0 : i32
      %dma_start3A_193 = tpu.memref_slice %arg6[%add3A_98, %add3A_186, %dma_start3A_192] : memref<12x1024x768xf32, #tpu.memory_space<hbm>> -> memref<1x32x768xf32, #tpu.memory_space<hbm>>
      %dma_start3A_194 = tpu.memref_squeeze %dma_start3A_193 : memref<1x32x768xf32, #tpu.memory_space<hbm>> -> memref<32x768xf32, #tpu.memory_space<hbm>>
      %dma_start3A_195 = arith.constant 0 : i32
      %dma_start3A_196 = tpu.memref_slice %arg6[%add3A_98, %add3A_186, %dma_start3A_195] : memref<12x1024x768xf32, #tpu.memory_space<hbm>> -> memref<1x32x768xf32, #tpu.memory_space<hbm>>
      %dma_start3A_197 = tpu.memref_squeeze %dma_start3A_196 : memref<1x32x768xf32, #tpu.memory_space<hbm>> -> memref<32x768xf32, #tpu.memory_space<hbm>>
      %dma_start3A_198 = arith.constant 0 : i32
      %dma_start3A_199 = arith.constant 0 : i32
      %dma_start3A_200 = tpu.memref_slice %arg9[%dma_start3A_187, %dma_start3A_198, %dma_start3A_199] : memref<4x32x768xf32, #tpu.memory_space<vmem>> -> memref<1x32x768xf32, #tpu.memory_space<vmem>>
      %dma_start3A_201 = tpu.memref_squeeze %dma_start3A_200 : memref<1x32x768xf32, #tpu.memory_space<vmem>> -> memref<32x768xf32, #tpu.memory_space<vmem>>
      tpu.enqueue_dma source(%dma_start3A_201 : memref<32x768xf32, #tpu.memory_space<vmem>>) target(%dma_start3A_197 : memref<32x768xf32, #tpu.memory_space<hbm>>) target_semaphore(%arg14 : memref<!tpu.dma_semaphore, #tpu.memory_space<semaphore_mem>>)
      %add3A_202 = arith.constant 160 : i32
      %add3A_203 = arith.addi %multiple_of3A_116, %add3A_202 : i32
      %dma_start3A_204 = arith.constant 0 : i32
      %dma_start3A_205 = arith.constant 0 : i32
      %dma_start3A_206 = arith.constant 0 : i32
      %dma_start3A_207 = tpu.memref_slice %arg9[%dma_start3A_204, %dma_start3A_205, %dma_start3A_206] : memref<4x32x768xf32, #tpu.memory_space<vmem>> -> memref<1x32x768xf32, #tpu.memory_space<vmem>>
      %dma_start3A_208 = tpu.memref_squeeze %dma_start3A_207 : memref<1x32x768xf32, #tpu.memory_space<vmem>> -> memref<32x768xf32, #tpu.memory_space<vmem>>
      %dma_start3A_209 = arith.constant 0 : i32
      %dma_start3A_210 = tpu.memref_slice %arg6[%add3A_98, %add3A_203, %dma_start3A_209] : memref<12x1024x768xf32, #tpu.memory_space<hbm>> -> memref<1x32x768xf32, #tpu.memory_space<hbm>>
      %dma_start3A_211 = tpu.memref_squeeze %dma_start3A_210 : memref<1x32x768xf32, #tpu.memory_space<hbm>> -> memref<32x768xf32, #tpu.memory_space<hbm>>
      %dma_start3A_212 = arith.constant 0 : i32
      %dma_start3A_213 = tpu.memref_slice %arg6[%add3A_98, %add3A_203, %dma_start3A_212] : memref<12x1024x768xf32, #tpu.memory_space<hbm>> -> memref<1x32x768xf32, #tpu.memory_space<hbm>>
      %dma_start3A_214 = tpu.memref_squeeze %dma_start3A_213 : memref<1x32x768xf32, #tpu.memory_space<hbm>> -> memref<32x768xf32, #tpu.memory_space<hbm>>
      %dma_start3A_215 = arith.constant 0 : i32
      %dma_start3A_216 = arith.constant 0 : i32
      %dma_start3A_217 = tpu.memref_slice %arg9[%dma_start3A_204, %dma_start3A_215, %dma_start3A_216] : memref<4x32x768xf32, #tpu.memory_space<vmem>> -> memref<1x32x768xf32, #tpu.memory_space<vmem>>
      %dma_start3A_218 = tpu.memref_squeeze %dma_start3A_217 : memref<1x32x768xf32, #tpu.memory_space<vmem>> -> memref<32x768xf32, #tpu.memory_space<vmem>>
      tpu.enqueue_dma source(%dma_start3A_218 : memref<32x768xf32, #tpu.memory_space<vmem>>) target(%dma_start3A_214 : memref<32x768xf32, #tpu.memory_space<hbm>>) target_semaphore(%arg14 : memref<!tpu.dma_semaphore, #tpu.memory_space<semaphore_mem>>)
      %add3A_219 = arith.constant 192 : i32
      %add3A_220 = arith.addi %multiple_of3A_116, %add3A_219 : i32
      %dma_start3A_221 = arith.constant 0 : i32
      %dma_start3A_222 = arith.constant 0 : i32
      %dma_start3A_223 = arith.constant 0 : i32
      %dma_start3A_224 = tpu.memref_slice %arg9[%dma_start3A_221, %dma_start3A_222, %dma_start3A_223] : memref<4x32x768xf32, #tpu.memory_space<vmem>> -> memref<1x32x768xf32, #tpu.memory_space<vmem>>
      %dma_start3A_225 = tpu.memref_squeeze %dma_start3A_224 : memref<1x32x768xf32, #tpu.memory_space<vmem>> -> memref<32x768xf32, #tpu.memory_space<vmem>>
      %dma_start3A_226 = arith.constant 0 : i32
      %dma_start3A_227 = tpu.memref_slice %arg6[%add3A_98, %add3A_220, %dma_start3A_226] : memref<12x1024x768xf32, #tpu.memory_space<hbm>> -> memref<1x32x768xf32, #tpu.memory_space<hbm>>
      %dma_start3A_228 = tpu.memref_squeeze %dma_start3A_227 : memref<1x32x768xf32, #tpu.memory_space<hbm>> -> memref<32x768xf32, #tpu.memory_space<hbm>>
      %dma_start3A_229 = arith.constant 0 : i32
      %dma_start3A_230 = tpu.memref_slice %arg6[%add3A_98, %add3A_220, %dma_start3A_229] : memref<12x1024x768xf32, #tpu.memory_space<hbm>> -> memref<1x32x768xf32, #tpu.memory_space<hbm>>
      %dma_start3A_231 = tpu.memref_squeeze %dma_start3A_230 : memref<1x32x768xf32, #tpu.memory_space<hbm>> -> memref<32x768xf32, #tpu.memory_space<hbm>>
      %dma_start3A_232 = arith.constant 0 : i32
      %dma_start3A_233 = arith.constant 0 : i32
      %dma_start3A_234 = tpu.memref_slice %arg9[%dma_start3A_221, %dma_start3A_232, %dma_start3A_233] : memref<4x32x768xf32, #tpu.memory_space<vmem>> -> memref<1x32x768xf32, #tpu.memory_space<vmem>>
      %dma_start3A_235 = tpu.memref_squeeze %dma_start3A_234 : memref<1x32x768xf32, #tpu.memory_space<vmem>> -> memref<32x768xf32, #tpu.memory_space<vmem>>
      tpu.enqueue_dma source(%dma_start3A_235 : memref<32x768xf32, #tpu.memory_space<vmem>>) target(%dma_start3A_231 : memref<32x768xf32, #tpu.memory_space<hbm>>) target_semaphore(%arg14 : memref<!tpu.dma_semaphore, #tpu.memory_space<semaphore_mem>>)
      %add3A_236 = arith.constant 224 : i32
      %add3A_237 = arith.addi %multiple_of3A_116, %add3A_236 : i32
      %dma_start3A_238 = arith.constant 0 : i32
      %dma_start3A_239 = arith.constant 0 : i32
      %dma_start3A_240 = arith.constant 0 : i32
      %dma_start3A_241 = tpu.memref_slice %arg9[%dma_start3A_238, %dma_start3A_239, %dma_start3A_240] : memref<4x32x768xf32, #tpu.memory_space<vmem>> -> memref<1x32x768xf32, #tpu.memory_space<vmem>>
      %dma_start3A_242 = tpu.memref_squeeze %dma_start3A_241 : memref<1x32x768xf32, #tpu.memory_space<vmem>> -> memref<32x768xf32, #tpu.memory_space<vmem>>
      %dma_start3A_243 = arith.constant 0 : i32
      %dma_start3A_244 = tpu.memref_slice %arg6[%add3A_98, %add3A_237, %dma_start3A_243] : memref<12x1024x768xf32, #tpu.memory_space<hbm>> -> memref<1x32x768xf32, #tpu.memory_space<hbm>>
      %dma_start3A_245 = tpu.memref_squeeze %dma_start3A_244 : memref<1x32x768xf32, #tpu.memory_space<hbm>> -> memref<32x768xf32, #tpu.memory_space<hbm>>
      %dma_start3A_246 = arith.constant 0 : i32
      %dma_start3A_247 = tpu.memref_slice %arg6[%add3A_98, %add3A_237, %dma_start3A_246] : memref<12x1024x768xf32, #tpu.memory_space<hbm>> -> memref<1x32x768xf32, #tpu.memory_space<hbm>>
      %dma_start3A_248 = tpu.memref_squeeze %dma_start3A_247 : memref<1x32x768xf32, #tpu.memory_space<hbm>> -> memref<32x768xf32, #tpu.memory_space<hbm>>
      %dma_start3A_249 = arith.constant 0 : i32
      %dma_start3A_250 = arith.constant 0 : i32
      %dma_start3A_251 = tpu.memref_slice %arg9[%dma_start3A_238, %dma_start3A_249, %dma_start3A_250] : memref<4x32x768xf32, #tpu.memory_space<vmem>> -> memref<1x32x768xf32, #tpu.memory_space<vmem>>
      %dma_start3A_252 = tpu.memref_squeeze %dma_start3A_251 : memref<1x32x768xf32, #tpu.memory_space<vmem>> -> memref<32x768xf32, #tpu.memory_space<vmem>>
      tpu.enqueue_dma source(%dma_start3A_252 : memref<32x768xf32, #tpu.memory_space<vmem>>) target(%dma_start3A_248 : memref<32x768xf32, #tpu.memory_space<hbm>>) target_semaphore(%arg14 : memref<!tpu.dma_semaphore, #tpu.memory_space<semaphore_mem>>)
      %dma_wait3A_253 = arith.constant 0 : i32
      %dma_wait3A_254 = arith.constant 0 : i32
      %dma_wait3A_255 = arith.constant 0 : i32
      %dma_wait3A_256 = arith.constant 0 : i32
      %dma_wait3A_257 = tpu.memref_slice %arg9[%dma_wait3A_253, %dma_wait3A_255, %dma_wait3A_256] : memref<4x32x768xf32, #tpu.memory_space<vmem>> -> memref<1x32x768xf32, #tpu.memory_space<vmem>>
      %dma_wait3A_258 = tpu.memref_squeeze %dma_wait3A_257 : memref<1x32x768xf32, #tpu.memory_space<vmem>> -> memref<32x768xf32, #tpu.memory_space<vmem>>
      %dma_wait3A_259 = arith.constant 0 : i32
      %dma_wait3A_260 = arith.constant 0 : i32
      %dma_wait3A_261 = tpu.memref_slice %arg6[%dma_wait3A_254, %dma_wait3A_259, %dma_wait3A_260] : memref<12x1024x768xf32, #tpu.memory_space<hbm>> -> memref<1x32x768xf32, #tpu.memory_space<hbm>>
      %dma_wait3A_262 = tpu.memref_squeeze %dma_wait3A_261 : memref<1x32x768xf32, #tpu.memory_space<hbm>> -> memref<32x768xf32, #tpu.memory_space<hbm>>
      %dma_wait3A_263 = arith.constant 0 : i32
      %dma_wait3A_264 = arith.constant 0 : i32
      %dma_wait3A_265 = tpu.memref_slice %arg6[%dma_wait3A_254, %dma_wait3A_263, %dma_wait3A_264] : memref<12x1024x768xf32, #tpu.memory_space<hbm>> -> memref<1x32x768xf32, #tpu.memory_space<hbm>>
      %dma_wait3A_266 = tpu.memref_squeeze %dma_wait3A_265 : memref<1x32x768xf32, #tpu.memory_space<hbm>> -> memref<32x768xf32, #tpu.memory_space<hbm>>
      %dma_wait3A_267 = arith.constant 0 : i32
      %dma_wait3A_268 = arith.constant 0 : i32
      %dma_wait3A_269 = tpu.memref_slice %arg9[%dma_wait3A_253, %dma_wait3A_267, %dma_wait3A_268] : memref<4x32x768xf32, #tpu.memory_space<vmem>> -> memref<1x32x768xf32, #tpu.memory_space<vmem>>
      %dma_wait3A_270 = tpu.memref_squeeze %dma_wait3A_269 : memref<1x32x768xf32, #tpu.memory_space<vmem>> -> memref<32x768xf32, #tpu.memory_space<vmem>>
      tpu.wait_dma2 semaphore(%arg14 : memref<!tpu.dma_semaphore, #tpu.memory_space<semaphore_mem>>) src(%dma_wait3A_270 : memref<32x768xf32, #tpu.memory_space<vmem>>) dst(%dma_wait3A_266 : memref<32x768xf32, #tpu.memory_space<hbm>>)
      %dma_wait3A_271 = arith.constant 0 : i32
      %dma_wait3A_272 = arith.constant 0 : i32
      %dma_wait3A_273 = arith.constant 0 : i32
      %dma_wait3A_274 = arith.constant 0 : i32
      %dma_wait3A_275 = tpu.memref_slice %arg9[%dma_wait3A_271, %dma_wait3A_273, %dma_wait3A_274] : memref<4x32x768xf32, #tpu.memory_space<vmem>> -> memref<1x32x768xf32, #tpu.memory_space<vmem>>
      %dma_wait3A_276 = tpu.memref_squeeze %dma_wait3A_275 : memref<1x32x768xf32, #tpu.memory_space<vmem>> -> memref<32x768xf32, #tpu.memory_space<vmem>>
      %dma_wait3A_277 = arith.constant 0 : i32
      %dma_wait3A_278 = arith.constant 0 : i32
      %dma_wait3A_279 = tpu.memref_slice %arg6[%dma_wait3A_272, %dma_wait3A_277, %dma_wait3A_278] : memref<12x1024x768xf32, #tpu.memory_space<hbm>> -> memref<1x32x768xf32, #tpu.memory_space<hbm>>
      %dma_wait3A_280 = tpu.memref_squeeze %dma_wait3A_279 : memref<1x32x768xf32, #tpu.memory_space<hbm>> -> memref<32x768xf32, #tpu.memory_space<hbm>>
      %dma_wait3A_281 = arith.constant 0 : i32
      %dma_wait3A_282 = arith.constant 0 : i32
      %dma_wait3A_283 = tpu.memref_slice %arg6[%dma_wait3A_272, %dma_wait3A_281, %dma_wait3A_282] : memref<12x1024x768xf32, #tpu.memory_space<hbm>> -> memref<1x32x768xf32, #tpu.memory_space<hbm>>
      %dma_wait3A_284 = tpu.memref_squeeze %dma_wait3A_283 : memref<1x32x768xf32, #tpu.memory_space<hbm>> -> memref<32x768xf32, #tpu.memory_space<hbm>>
      %dma_wait3A_285 = arith.constant 0 : i32
      %dma_wait3A_286 = arith.constant 0 : i32
      %dma_wait3A_287 = tpu.memref_slice %arg9[%dma_wait3A_271, %dma_wait3A_285, %dma_wait3A_286] : memref<4x32x768xf32, #tpu.memory_space<vmem>> -> memref<1x32x768xf32, #tpu.memory_space<vmem>>
      %dma_wait3A_288 = tpu.memref_squeeze %dma_wait3A_287 : memref<1x32x768xf32, #tpu.memory_space<vmem>> -> memref<32x768xf32, #tpu.memory_space<vmem>>
      tpu.wait_dma2 semaphore(%arg14 : memref<!tpu.dma_semaphore, #tpu.memory_space<semaphore_mem>>) src(%dma_wait3A_288 : memref<32x768xf32, #tpu.memory_space<vmem>>) dst(%dma_wait3A_284 : memref<32x768xf32, #tpu.memory_space<hbm>>)
      %dma_wait3A_289 = arith.constant 0 : i32
      %dma_wait3A_290 = arith.constant 0 : i32
      %dma_wait3A_291 = arith.constant 0 : i32
      %dma_wait3A_292 = arith.constant 0 : i32
      %dma_wait3A_293 = tpu.memref_slice %arg9[%dma_wait3A_289, %dma_wait3A_291, %dma_wait3A_292] : memref<4x32x768xf32, #tpu.memory_space<vmem>> -> memref<1x32x768xf32, #tpu.memory_space<vmem>>
      %dma_wait3A_294 = tpu.memref_squeeze %dma_wait3A_293 : memref<1x32x768xf32, #tpu.memory_space<vmem>> -> memref<32x768xf32, #tpu.memory_space<vmem>>
      %dma_wait3A_295 = arith.constant 0 : i32
      %dma_wait3A_296 = arith.constant 0 : i32
      %dma_wait3A_297 = tpu.memref_slice %arg6[%dma_wait3A_290, %dma_wait3A_295, %dma_wait3A_296] : memref<12x1024x768xf32, #tpu.memory_space<hbm>> -> memref<1x32x768xf32, #tpu.memory_space<hbm>>
      %dma_wait3A_298 = tpu.memref_squeeze %dma_wait3A_297 : memref<1x32x768xf32, #tpu.memory_space<hbm>> -> memref<32x768xf32, #tpu.memory_space<hbm>>
      %dma_wait3A_299 = arith.constant 0 : i32
      %dma_wait3A_300 = arith.constant 0 : i32
      %dma_wait3A_301 = tpu.memref_slice %arg6[%dma_wait3A_290, %dma_wait3A_299, %dma_wait3A_300] : memref<12x1024x768xf32, #tpu.memory_space<hbm>> -> memref<1x32x768xf32, #tpu.memory_space<hbm>>
      %dma_wait3A_302 = tpu.memref_squeeze %dma_wait3A_301 : memref<1x32x768xf32, #tpu.memory_space<hbm>> -> memref<32x768xf32, #tpu.memory_space<hbm>>
      %dma_wait3A_303 = arith.constant 0 : i32
      %dma_wait3A_304 = arith.constant 0 : i32
      %dma_wait3A_305 = tpu.memref_slice %arg9[%dma_wait3A_289, %dma_wait3A_303, %dma_wait3A_304] : memref<4x32x768xf32, #tpu.memory_space<vmem>> -> memref<1x32x768xf32, #tpu.memory_space<vmem>>
      %dma_wait3A_306 = tpu.memref_squeeze %dma_wait3A_305 : memref<1x32x768xf32, #tpu.memory_space<vmem>> -> memref<32x768xf32, #tpu.memory_space<vmem>>
      tpu.wait_dma2 semaphore(%arg14 : memref<!tpu.dma_semaphore, #tpu.memory_space<semaphore_mem>>) src(%dma_wait3A_306 : memref<32x768xf32, #tpu.memory_space<vmem>>) dst(%dma_wait3A_302 : memref<32x768xf32, #tpu.memory_space<hbm>>)
      %dma_wait3A_307 = arith.constant 0 : i32
      %dma_wait3A_308 = arith.constant 0 : i32
      %dma_wait3A_309 = arith.constant 0 : i32
      %dma_wait3A_310 = arith.constant 0 : i32
      %dma_wait3A_311 = tpu.memref_slice %arg9[%dma_wait3A_307, %dma_wait3A_309, %dma_wait3A_310] : memref<4x32x768xf32, #tpu.memory_space<vmem>> -> memref<1x32x768xf32, #tpu.memory_space<vmem>>
      %dma_wait3A_312 = tpu.memref_squeeze %dma_wait3A_311 : memref<1x32x768xf32, #tpu.memory_space<vmem>> -> memref<32x768xf32, #tpu.memory_space<vmem>>
      %dma_wait3A_313 = arith.constant 0 : i32
      %dma_wait3A_314 = arith.constant 0 : i32
      %dma_wait3A_315 = tpu.memref_slice %arg6[%dma_wait3A_308, %dma_wait3A_313, %dma_wait3A_314] : memref<12x1024x768xf32, #tpu.memory_space<hbm>> -> memref<1x32x768xf32, #tpu.memory_space<hbm>>
      %dma_wait3A_316 = tpu.memref_squeeze %dma_wait3A_315 : memref<1x32x768xf32, #tpu.memory_space<hbm>> -> memref<32x768xf32, #tpu.memory_space<hbm>>
      %dma_wait3A_317 = arith.constant 0 : i32
      %dma_wait3A_318 = arith.constant 0 : i32
      %dma_wait3A_319 = tpu.memref_slice %arg6[%dma_wait3A_308, %dma_wait3A_317, %dma_wait3A_318] : memref<12x1024x768xf32, #tpu.memory_space<hbm>> -> memref<1x32x768xf32, #tpu.memory_space<hbm>>
      %dma_wait3A_320 = tpu.memref_squeeze %dma_wait3A_319 : memref<1x32x768xf32, #tpu.memory_space<hbm>> -> memref<32x768xf32, #tpu.memory_space<hbm>>
      %dma_wait3A_321 = arith.constant 0 : i32
      %dma_wait3A_322 = arith.constant 0 : i32
      %dma_wait3A_323 = tpu.memref_slice %arg9[%dma_wait3A_307, %dma_wait3A_321, %dma_wait3A_322] : memref<4x32x768xf32, #tpu.memory_space<vmem>> -> memref<1x32x768xf32, #tpu.memory_space<vmem>>
      %dma_wait3A_324 = tpu.memref_squeeze %dma_wait3A_323 : memref<1x32x768xf32, #tpu.memory_space<vmem>> -> memref<32x768xf32, #tpu.memory_space<vmem>>
      tpu.wait_dma2 semaphore(%arg14 : memref<!tpu.dma_semaphore, #tpu.memory_space<semaphore_mem>>) src(%dma_wait3A_324 : memref<32x768xf32, #tpu.memory_space<vmem>>) dst(%dma_wait3A_320 : memref<32x768xf32, #tpu.memory_space<hbm>>)
      %dma_wait3A_325 = arith.constant 0 : i32
      %dma_wait3A_326 = arith.constant 0 : i32
      %dma_wait3A_327 = arith.constant 0 : i32
      %dma_wait3A_328 = arith.constant 0 : i32
      %dma_wait3A_329 = tpu.memref_slice %arg9[%dma_wait3A_325, %dma_wait3A_327, %dma_wait3A_328] : memref<4x32x768xf32, #tpu.memory_space<vmem>> -> memref<1x32x768xf32, #tpu.memory_space<vmem>>
      %dma_wait3A_330 = tpu.memref_squeeze %dma_wait3A_329 : memref<1x32x768xf32, #tpu.memory_space<vmem>> -> memref<32x768xf32, #tpu.memory_space<vmem>>
      %dma_wait3A_331 = arith.constant 0 : i32
      %dma_wait3A_332 = arith.constant 0 : i32
      %dma_wait3A_333 = tpu.memref_slice %arg6[%dma_wait3A_326, %dma_wait3A_331, %dma_wait3A_332] : memref<12x1024x768xf32, #tpu.memory_space<hbm>> -> memref<1x32x768xf32, #tpu.memory_space<hbm>>
      %dma_wait3A_334 = tpu.memref_squeeze %dma_wait3A_333 : memref<1x32x768xf32, #tpu.memory_space<hbm>> -> memref<32x768xf32, #tpu.memory_space<hbm>>
      %dma_wait3A_335 = arith.constant 0 : i32
      %dma_wait3A_336 = arith.constant 0 : i32
      %dma_wait3A_337 = tpu.memref_slice %arg6[%dma_wait3A_326, %dma_wait3A_335, %dma_wait3A_336] : memref<12x1024x768xf32, #tpu.memory_space<hbm>> -> memref<1x32x768xf32, #tpu.memory_space<hbm>>
      %dma_wait3A_338 = tpu.memref_squeeze %dma_wait3A_337 : memref<1x32x768xf32, #tpu.memory_space<hbm>> -> memref<32x768xf32, #tpu.memory_space<hbm>>
      %dma_wait3A_339 = arith.constant 0 : i32
      %dma_wait3A_340 = arith.constant 0 : i32
      %dma_wait3A_341 = tpu.memref_slice %arg9[%dma_wait3A_325, %dma_wait3A_339, %dma_wait3A_340] : memref<4x32x768xf32, #tpu.memory_space<vmem>> -> memref<1x32x768xf32, #tpu.memory_space<vmem>>
      %dma_wait3A_342 = tpu.memref_squeeze %dma_wait3A_341 : memref<1x32x768xf32, #tpu.memory_space<vmem>> -> memref<32x768xf32, #tpu.memory_space<vmem>>
      tpu.wait_dma2 semaphore(%arg14 : memref<!tpu.dma_semaphore, #tpu.memory_space<semaphore_mem>>) src(%dma_wait3A_342 : memref<32x768xf32, #tpu.memory_space<vmem>>) dst(%dma_wait3A_338 : memref<32x768xf32, #tpu.memory_space<hbm>>)
      %dma_wait3A_343 = arith.constant 0 : i32
      %dma_wait3A_344 = arith.constant 0 : i32
      %dma_wait3A_345 = arith.constant 0 : i32
      %dma_wait3A_346 = arith.constant 0 : i32
      %dma_wait3A_347 = tpu.memref_slice %arg9[%dma_wait3A_343, %dma_wait3A_345, %dma_wait3A_346] : memref<4x32x768xf32, #tpu.memory_space<vmem>> -> memref<1x32x768xf32, #tpu.memory_space<vmem>>
      %dma_wait3A_348 = tpu.memref_squeeze %dma_wait3A_347 : memref<1x32x768xf32, #tpu.memory_space<vmem>> -> memref<32x768xf32, #tpu.memory_space<vmem>>
      %dma_wait3A_349 = arith.constant 0 : i32
      %dma_wait3A_350 = arith.constant 0 : i32
      %dma_wait3A_351 = tpu.memref_slice %arg6[%dma_wait3A_344, %dma_wait3A_349, %dma_wait3A_350] : memref<12x1024x768xf32, #tpu.memory_space<hbm>> -> memref<1x32x768xf32, #tpu.memory_space<hbm>>
      %dma_wait3A_352 = tpu.memref_squeeze %dma_wait3A_351 : memref<1x32x768xf32, #tpu.memory_space<hbm>> -> memref<32x768xf32, #tpu.memory_space<hbm>>
      %dma_wait3A_353 = arith.constant 0 : i32
      %dma_wait3A_354 = arith.constant 0 : i32
      %dma_wait3A_355 = tpu.memref_slice %arg6[%dma_wait3A_344, %dma_wait3A_353, %dma_wait3A_354] : memref<12x1024x768xf32, #tpu.memory_space<hbm>> -> memref<1x32x768xf32, #tpu.memory_space<hbm>>
      %dma_wait3A_356 = tpu.memref_squeeze %dma_wait3A_355 : memref<1x32x768xf32, #tpu.memory_space<hbm>> -> memref<32x768xf32, #tpu.memory_space<hbm>>
      %dma_wait3A_357 = arith.constant 0 : i32
      %dma_wait3A_358 = arith.constant 0 : i32
      %dma_wait3A_359 = tpu.memref_slice %arg9[%dma_wait3A_343, %dma_wait3A_357, %dma_wait3A_358] : memref<4x32x768xf32, #tpu.memory_space<vmem>> -> memref<1x32x768xf32, #tpu.memory_space<vmem>>
      %dma_wait3A_360 = tpu.memref_squeeze %dma_wait3A_359 : memref<1x32x768xf32, #tpu.memory_space<vmem>> -> memref<32x768xf32, #tpu.memory_space<vmem>>
      tpu.wait_dma2 semaphore(%arg14 : memref<!tpu.dma_semaphore, #tpu.memory_space<semaphore_mem>>) src(%dma_wait3A_360 : memref<32x768xf32, #tpu.memory_space<vmem>>) dst(%dma_wait3A_356 : memref<32x768xf32, #tpu.memory_space<hbm>>)
      %dma_wait3A_361 = arith.constant 0 : i32
      %dma_wait3A_362 = arith.constant 0 : i32
      %dma_wait3A_363 = arith.constant 0 : i32
      %dma_wait3A_364 = arith.constant 0 : i32
      %dma_wait3A_365 = tpu.memref_slice %arg9[%dma_wait3A_361, %dma_wait3A_363, %dma_wait3A_364] : memref<4x32x768xf32, #tpu.memory_space<vmem>> -> memref<1x32x768xf32, #tpu.memory_space<vmem>>
      %dma_wait3A_366 = tpu.memref_squeeze %dma_wait3A_365 : memref<1x32x768xf32, #tpu.memory_space<vmem>> -> memref<32x768xf32, #tpu.memory_space<vmem>>
      %dma_wait3A_367 = arith.constant 0 : i32
      %dma_wait3A_368 = arith.constant 0 : i32
      %dma_wait3A_369 = tpu.memref_slice %arg6[%dma_wait3A_362, %dma_wait3A_367, %dma_wait3A_368] : memref<12x1024x768xf32, #tpu.memory_space<hbm>> -> memref<1x32x768xf32, #tpu.memory_space<hbm>>
      %dma_wait3A_370 = tpu.memref_squeeze %dma_wait3A_369 : memref<1x32x768xf32, #tpu.memory_space<hbm>> -> memref<32x768xf32, #tpu.memory_space<hbm>>
      %dma_wait3A_371 = arith.constant 0 : i32
      %dma_wait3A_372 = arith.constant 0 : i32
      %dma_wait3A_373 = tpu.memref_slice %arg6[%dma_wait3A_362, %dma_wait3A_371, %dma_wait3A_372] : memref<12x1024x768xf32, #tpu.memory_space<hbm>> -> memref<1x32x768xf32, #tpu.memory_space<hbm>>
      %dma_wait3A_374 = tpu.memref_squeeze %dma_wait3A_373 : memref<1x32x768xf32, #tpu.memory_space<hbm>> -> memref<32x768xf32, #tpu.memory_space<hbm>>
      %dma_wait3A_375 = arith.constant 0 : i32
      %dma_wait3A_376 = arith.constant 0 : i32
      %dma_wait3A_377 = tpu.memref_slice %arg9[%dma_wait3A_361, %dma_wait3A_375, %dma_wait3A_376] : memref<4x32x768xf32, #tpu.memory_space<vmem>> -> memref<1x32x768xf32, #tpu.memory_space<vmem>>
      %dma_wait3A_378 = tpu.memref_squeeze %dma_wait3A_377 : memref<1x32x768xf32, #tpu.memory_space<vmem>> -> memref<32x768xf32, #tpu.memory_space<vmem>>
      tpu.wait_dma2 semaphore(%arg14 : memref<!tpu.dma_semaphore, #tpu.memory_space<semaphore_mem>>) src(%dma_wait3A_378 : memref<32x768xf32, #tpu.memory_space<vmem>>) dst(%dma_wait3A_374 : memref<32x768xf32, #tpu.memory_space<hbm>>)
      %dma_wait3A_379 = arith.constant 0 : i32
      %dma_wait3A_380 = arith.constant 0 : i32
      %dma_wait3A_381 = arith.constant 0 : i32
      %dma_wait3A_382 = arith.constant 0 : i32
      %dma_wait3A_383 = tpu.memref_slice %arg9[%dma_wait3A_379, %dma_wait3A_381, %dma_wait3A_382] : memref<4x32x768xf32, #tpu.memory_space<vmem>> -> memref<1x32x768xf32, #tpu.memory_space<vmem>>
      %dma_wait3A_384 = tpu.memref_squeeze %dma_wait3A_383 : memref<1x32x768xf32, #tpu.memory_space<vmem>> -> memref<32x768xf32, #tpu.memory_space<vmem>>
      %dma_wait3A_385 = arith.constant 0 : i32
      %dma_wait3A_386 = arith.constant 0 : i32
      %dma_wait3A_387 = tpu.memref_slice %arg6[%dma_wait3A_380, %dma_wait3A_385, %dma_wait3A_386] : memref<12x1024x768xf32, #tpu.memory_space<hbm>> -> memref<1x32x768xf32, #tpu.memory_space<hbm>>
      %dma_wait3A_388 = tpu.memref_squeeze %dma_wait3A_387 : memref<1x32x768xf32, #tpu.memory_space<hbm>> -> memref<32x768xf32, #tpu.memory_space<hbm>>
      %dma_wait3A_389 = arith.constant 0 : i32
      %dma_wait3A_390 = arith.constant 0 : i32
      %dma_wait3A_391 = tpu.memref_slice %arg6[%dma_wait3A_380, %dma_wait3A_389, %dma_wait3A_390] : memref<12x1024x768xf32, #tpu.memory_space<hbm>> -> memref<1x32x768xf32, #tpu.memory_space<hbm>>
      %dma_wait3A_392 = tpu.memref_squeeze %dma_wait3A_391 : memref<1x32x768xf32, #tpu.memory_space<hbm>> -> memref<32x768xf32, #tpu.memory_space<hbm>>
      %dma_wait3A_393 = arith.constant 0 : i32
      %dma_wait3A_394 = arith.constant 0 : i32
      %dma_wait3A_395 = tpu.memref_slice %arg9[%dma_wait3A_379, %dma_wait3A_393, %dma_wait3A_394] : memref<4x32x768xf32, #tpu.memory_space<vmem>> -> memref<1x32x768xf32, #tpu.memory_space<vmem>>
      %dma_wait3A_396 = tpu.memref_squeeze %dma_wait3A_395 : memref<1x32x768xf32, #tpu.memory_space<vmem>> -> memref<32x768xf32, #tpu.memory_space<vmem>>
      tpu.wait_dma2 semaphore(%arg14 : memref<!tpu.dma_semaphore, #tpu.memory_space<semaphore_mem>>) src(%dma_wait3A_396 : memref<32x768xf32, #tpu.memory_space<vmem>>) dst(%dma_wait3A_392 : memref<32x768xf32, #tpu.memory_space<hbm>>)
    } else {
    }
    %ge3A = arith.constant 16 : i32
    %ge3A_3 = arith.cmpi sge, %add3A, %ge3A : i32
    %convert_element_type3A_4 = arith.extui %ge3A_3 : i1 to i32
    %cond3A_5 = arith.constant 0 : i32
    %cond3A_6 = arith.cmpi ne, %convert_element_type3A_4, %cond3A_5 : i32
    scf.if %cond3A_6 {
      %sub3A = arith.constant 16 : i32
      %sub3A_7 = arith.subi %add3A, %sub3A : i32
      %mul3A_8 = arith.constant 512 : i32
      %mul3A_9 = arith.muli %sub3A_7, %mul3A_8 : i32
      %multiple_of3A = tpu.assume_multiple %mul3A_9, 32 : i32
      "tpu.region"() ({
        %run_scoped3A = tpu.sem_alloc : memref<!tpu.dma_semaphore, #tpu.memory_space<semaphore_mem>>
        %dma_start3A_399 = arith.constant 0 : i32
        %dma_start3A_400 = tpu.memref_slice %arg8[%dma_start3A_399] : memref<544xi32, #tpu.memory_space<vmem>> -> memref<512xi32, #tpu.memory_space<vmem>>
        %dma_start3A_401 = tpu.memref_slice %arg5[%multiple_of3A] : memref<12288xi32, #tpu.memory_space<hbm>> -> memref<512xi32, #tpu.memory_space<hbm>>
        %dma_start3A_402 = arith.constant 0 : i32
        %dma_start3A_403 = tpu.memref_slice %arg8[%dma_start3A_402] : memref<544xi32, #tpu.memory_space<vmem>> -> memref<512xi32, #tpu.memory_space<vmem>>
        %dma_start3A_404 = tpu.memref_slice %arg5[%multiple_of3A] : memref<12288xi32, #tpu.memory_space<hbm>> -> memref<512xi32, #tpu.memory_space<hbm>>
        tpu.enqueue_dma source(%dma_start3A_404 : memref<512xi32, #tpu.memory_space<hbm>>) target(%dma_start3A_403 : memref<512xi32, #tpu.memory_space<vmem>>) target_semaphore(%run_scoped3A : memref<!tpu.dma_semaphore, #tpu.memory_space<semaphore_mem>>)
        %dma_wait3A_405 = arith.constant 0 : i32
        %dma_wait3A_406 = tpu.memref_slice %arg8[%dma_wait3A_405] : memref<544xi32, #tpu.memory_space<vmem>> -> memref<512xi32, #tpu.memory_space<vmem>>
        %dma_wait3A_407 = tpu.memref_slice %arg5[%multiple_of3A] : memref<12288xi32, #tpu.memory_space<hbm>> -> memref<512xi32, #tpu.memory_space<hbm>>
        %dma_wait3A_408 = arith.constant 0 : i32
        %dma_wait3A_409 = tpu.memref_slice %arg8[%dma_wait3A_408] : memref<544xi32, #tpu.memory_space<vmem>> -> memref<512xi32, #tpu.memory_space<vmem>>
        %dma_wait3A_410 = tpu.memref_slice %arg5[%multiple_of3A] : memref<12288xi32, #tpu.memory_space<hbm>> -> memref<512xi32, #tpu.memory_space<hbm>>
        tpu.wait_dma2 semaphore(%run_scoped3A : memref<!tpu.dma_semaphore, #tpu.memory_space<semaphore_mem>>) src(%dma_wait3A_410 : memref<512xi32, #tpu.memory_space<hbm>>) dst(%dma_wait3A_409 : memref<512xi32, #tpu.memory_space<vmem>>)
        tpu.yield
      }) : () -> ()
      %mul3A_10 = arith.constant 256 : i32
      %mul3A_11 = arith.muli %sub3A_7, %mul3A_10 : i32
      %add3A_12 = arith.constant 8192 : i32
      %add3A_13 = arith.addi %add3A_12, %mul3A_11 : i32
      %multiple_of3A_14 = tpu.assume_multiple %add3A_13, 32 : i32
      "tpu.region"() ({
        %run_scoped3A = tpu.sem_alloc : memref<!tpu.dma_semaphore, #tpu.memory_space<semaphore_mem>>
        %dma_start3A_399 = arith.constant 512 : i32
        %dma_start3A_400 = tpu.memref_slice %arg8[%dma_start3A_399] : memref<544xi32, #tpu.memory_space<vmem>> -> memref<32xi32, #tpu.memory_space<vmem>>
        %dma_start3A_401 = tpu.memref_slice %arg5[%multiple_of3A_14] : memref<12288xi32, #tpu.memory_space<hbm>> -> memref<32xi32, #tpu.memory_space<hbm>>
        %dma_start3A_402 = arith.constant 512 : i32
        %dma_start3A_403 = tpu.memref_slice %arg8[%dma_start3A_402] : memref<544xi32, #tpu.memory_space<vmem>> -> memref<32xi32, #tpu.memory_space<vmem>>
        %dma_start3A_404 = tpu.memref_slice %arg5[%multiple_of3A_14] : memref<12288xi32, #tpu.memory_space<hbm>> -> memref<32xi32, #tpu.memory_space<hbm>>
        tpu.enqueue_dma source(%dma_start3A_404 : memref<32xi32, #tpu.memory_space<hbm>>) target(%dma_start3A_403 : memref<32xi32, #tpu.memory_space<vmem>>) target_semaphore(%run_scoped3A : memref<!tpu.dma_semaphore, #tpu.memory_space<semaphore_mem>>)
        %dma_wait3A_405 = arith.constant 512 : i32
        %dma_wait3A_406 = tpu.memref_slice %arg8[%dma_wait3A_405] : memref<544xi32, #tpu.memory_space<vmem>> -> memref<32xi32, #tpu.memory_space<vmem>>
        %dma_wait3A_407 = tpu.memref_slice %arg5[%multiple_of3A_14] : memref<12288xi32, #tpu.memory_space<hbm>> -> memref<32xi32, #tpu.memory_space<hbm>>
        %dma_wait3A_408 = arith.constant 512 : i32
        %dma_wait3A_409 = tpu.memref_slice %arg8[%dma_wait3A_408] : memref<544xi32, #tpu.memory_space<vmem>> -> memref<32xi32, #tpu.memory_space<vmem>>
        %dma_wait3A_410 = tpu.memref_slice %arg5[%multiple_of3A_14] : memref<12288xi32, #tpu.memory_space<hbm>> -> memref<32xi32, #tpu.memory_space<hbm>>
        tpu.wait_dma2 semaphore(%run_scoped3A : memref<!tpu.dma_semaphore, #tpu.memory_space<semaphore_mem>>) src(%dma_wait3A_410 : memref<32xi32, #tpu.memory_space<hbm>>) dst(%dma_wait3A_409 : memref<32xi32, #tpu.memory_space<vmem>>)
        tpu.yield
      }) : () -> ()
      %multiple_of3A_15 = arith.constant 0 : i32
      %multiple_of3A_16 = tpu.assume_multiple %multiple_of3A_15, 32 : i32
      %dma_start3A = arith.constant 0 : i32
      %dma_start3A_17 = arith.constant 0 : i32
      %dma_start3A_18 = arith.constant 0 : i32
      %dma_start3A_19 = tpu.memref_slice %arg9[%dma_start3A, %dma_start3A_17, %dma_start3A_18] : memref<4x32x768xf32, #tpu.memory_space<vmem>> -> memref<1x32x768xf32, #tpu.memory_space<vmem>>
      %dma_start3A_20 = tpu.memref_squeeze %dma_start3A_19 : memref<1x32x768xf32, #tpu.memory_space<vmem>> -> memref<32x768xf32, #tpu.memory_space<vmem>>
      %dma_start3A_21 = tpu.memref_slice %arg8[%multiple_of3A_16] : memref<544xi32, #tpu.memory_space<vmem>> -> memref<32xi32, #tpu.memory_space<vmem>>
      %dma_start3A_22 = arith.constant 0 : i32
      %dma_start3A_23 = arith.constant 0 : i32
      %dma_start3A_24 = tpu.memref_slice %arg2[%dma_start3A_22, %dma_start3A_23] : memref<512x768xf32, #tpu.memory_space<hbm>> -> memref<512x768xf32, #tpu.memory_space<hbm>>
      tpu.enqueue_indirect_dma source(%dma_start3A_24 : memref<512x768xf32, #tpu.memory_space<hbm>>) target(%dma_start3A_20 : memref<32x768xf32, #tpu.memory_space<vmem>>) offsets(%dma_start3A_21 : memref<32xi32, #tpu.memory_space<vmem>>) semaphore(%arg10 : memref<!tpu.dma_semaphore, #tpu.memory_space<semaphore_mem>>)
      %multiple_of3A_25 = arith.constant 32 : i32
      %multiple_of3A_26 = tpu.assume_multiple %multiple_of3A_25, 32 : i32
      %dma_start3A_27 = arith.constant 1 : i32
      %dma_start3A_28 = arith.constant 0 : i32
      %dma_start3A_29 = arith.constant 0 : i32
      %dma_start3A_30 = tpu.memref_slice %arg9[%dma_start3A_27, %dma_start3A_28, %dma_start3A_29] : memref<4x32x768xf32, #tpu.memory_space<vmem>> -> memref<1x32x768xf32, #tpu.memory_space<vmem>>
      %dma_start3A_31 = tpu.memref_squeeze %dma_start3A_30 : memref<1x32x768xf32, #tpu.memory_space<vmem>> -> memref<32x768xf32, #tpu.memory_space<vmem>>
      %dma_start3A_32 = tpu.memref_slice %arg8[%multiple_of3A_26] : memref<544xi32, #tpu.memory_space<vmem>> -> memref<32xi32, #tpu.memory_space<vmem>>
      %dma_start3A_33 = arith.constant 0 : i32
      %dma_start3A_34 = arith.constant 0 : i32
      %dma_start3A_35 = tpu.memref_slice %arg2[%dma_start3A_33, %dma_start3A_34] : memref<512x768xf32, #tpu.memory_space<hbm>> -> memref<512x768xf32, #tpu.memory_space<hbm>>
      tpu.enqueue_indirect_dma source(%dma_start3A_35 : memref<512x768xf32, #tpu.memory_space<hbm>>) target(%dma_start3A_31 : memref<32x768xf32, #tpu.memory_space<vmem>>) offsets(%dma_start3A_32 : memref<32xi32, #tpu.memory_space<vmem>>) semaphore(%arg11 : memref<!tpu.dma_semaphore, #tpu.memory_space<semaphore_mem>>)
      %multiple_of3A_36 = arith.constant 64 : i32
      %multiple_of3A_37 = tpu.assume_multiple %multiple_of3A_36, 32 : i32
      %dma_start3A_38 = arith.constant 2 : i32
      %dma_start3A_39 = arith.constant 0 : i32
      %dma_start3A_40 = arith.constant 0 : i32
      %dma_start3A_41 = tpu.memref_slice %arg9[%dma_start3A_38, %dma_start3A_39, %dma_start3A_40] : memref<4x32x768xf32, #tpu.memory_space<vmem>> -> memref<1x32x768xf32, #tpu.memory_space<vmem>>
      %dma_start3A_42 = tpu.memref_squeeze %dma_start3A_41 : memref<1x32x768xf32, #tpu.memory_space<vmem>> -> memref<32x768xf32, #tpu.memory_space<vmem>>
      %dma_start3A_43 = tpu.memref_slice %arg8[%multiple_of3A_37] : memref<544xi32, #tpu.memory_space<vmem>> -> memref<32xi32, #tpu.memory_space<vmem>>
      %dma_start3A_44 = arith.constant 0 : i32
      %dma_start3A_45 = arith.constant 0 : i32
      %dma_start3A_46 = tpu.memref_slice %arg2[%dma_start3A_44, %dma_start3A_45] : memref<512x768xf32, #tpu.memory_space<hbm>> -> memref<512x768xf32, #tpu.memory_space<hbm>>
      tpu.enqueue_indirect_dma source(%dma_start3A_46 : memref<512x768xf32, #tpu.memory_space<hbm>>) target(%dma_start3A_42 : memref<32x768xf32, #tpu.memory_space<vmem>>) offsets(%dma_start3A_43 : memref<32xi32, #tpu.memory_space<vmem>>) semaphore(%arg12 : memref<!tpu.dma_semaphore, #tpu.memory_space<semaphore_mem>>)
      %multiple_of3A_47 = arith.constant 96 : i32
      %multiple_of3A_48 = tpu.assume_multiple %multiple_of3A_47, 32 : i32
      %dma_start3A_49 = arith.constant 3 : i32
      %dma_start3A_50 = arith.constant 0 : i32
      %dma_start3A_51 = arith.constant 0 : i32
      %dma_start3A_52 = tpu.memref_slice %arg9[%dma_start3A_49, %dma_start3A_50, %dma_start3A_51] : memref<4x32x768xf32, #tpu.memory_space<vmem>> -> memref<1x32x768xf32, #tpu.memory_space<vmem>>
      %dma_start3A_53 = tpu.memref_squeeze %dma_start3A_52 : memref<1x32x768xf32, #tpu.memory_space<vmem>> -> memref<32x768xf32, #tpu.memory_space<vmem>>
      %dma_start3A_54 = tpu.memref_slice %arg8[%multiple_of3A_48] : memref<544xi32, #tpu.memory_space<vmem>> -> memref<32xi32, #tpu.memory_space<vmem>>
      %dma_start3A_55 = arith.constant 0 : i32
      %dma_start3A_56 = arith.constant 0 : i32
      %dma_start3A_57 = tpu.memref_slice %arg2[%dma_start3A_55, %dma_start3A_56] : memref<512x768xf32, #tpu.memory_space<hbm>> -> memref<512x768xf32, #tpu.memory_space<hbm>>
      tpu.enqueue_indirect_dma source(%dma_start3A_57 : memref<512x768xf32, #tpu.memory_space<hbm>>) target(%dma_start3A_53 : memref<32x768xf32, #tpu.memory_space<vmem>>) offsets(%dma_start3A_54 : memref<32xi32, #tpu.memory_space<vmem>>) semaphore(%arg13 : memref<!tpu.dma_semaphore, #tpu.memory_space<semaphore_mem>>)
      %scan3A = arith.constant 0 : i32
      %scan3A_58 = arith.constant 4 : i32
      %scan3A_59 = arith.addi %scan3A, %scan3A_58 : i32
      %scan3A_60 = arith.constant 1 : i32
      scf.for %scan3A_399 = %scan3A to %scan3A_59 step %scan3A_60  : i32 {
        %mul3A_400 = arith.constant 4 : i32
        %mul3A_401 = arith.muli %scan3A_399, %mul3A_400 : i32
        %add3A_402 = arith.constant 0 : i32
        %add3A_403 = arith.addi %add3A_402, %mul3A_401 : i32
        %dma_wait3A_404 = arith.constant 0 : i32
        %dma_wait3A_405 = arith.constant 0 : i32
        %dma_wait3A_406 = arith.constant 0 : i32
        %dma_wait3A_407 = tpu.memref_slice %arg9[%dma_wait3A_404, %dma_wait3A_405, %dma_wait3A_406] : memref<4x32x768xf32, #tpu.memory_space<vmem>> -> memref<1x32x768xf32, #tpu.memory_space<vmem>>
        %dma_wait3A_408 = tpu.memref_squeeze %dma_wait3A_407 : memref<1x32x768xf32, #tpu.memory_space<vmem>> -> memref<32x768xf32, #tpu.memory_space<vmem>>
        %dma_wait3A_409 = arith.constant 0 : i32
        %dma_wait3A_410 = tpu.memref_slice %arg8[%dma_wait3A_409] : memref<544xi32, #tpu.memory_space<vmem>> -> memref<32xi32, #tpu.memory_space<vmem>>
        %dma_wait3A_411 = arith.constant 0 : i32
        %dma_wait3A_412 = arith.constant 0 : i32
        %dma_wait3A_413 = tpu.memref_slice %arg2[%dma_wait3A_411, %dma_wait3A_412] : memref<512x768xf32, #tpu.memory_space<hbm>> -> memref<512x768xf32, #tpu.memory_space<hbm>>
        tpu.wait_indirect_dma semaphore(%arg10 : memref<!tpu.dma_semaphore, #tpu.memory_space<semaphore_mem>>) src(%dma_wait3A_413 : memref<512x768xf32, #tpu.memory_space<hbm>>) dst(%dma_wait3A_408 : memref<32x768xf32, #tpu.memory_space<vmem>>)
        %add3A_414 = arith.constant 0 : i32
        %add3A_415 = arith.addi %add3A_403, %add3A_414 : i32
        %mul3A_416 = arith.constant 2 : i32
        %mul3A_417 = arith.muli %mul3A_416, %sub3A_7 : i32
        %jit3A_418 = arith.constant 8 : i32
        %div3A_419 = arith.divsi %add3A_415, %jit3A_418 : i32
        %sign3A_420 = arith.constant 0 : i32
        %sign3A_421 = arith.cmpi sgt, %add3A_415, %sign3A_420 : i32
        %sign3A_422 = arith.extui %sign3A_421 : i1 to i32
        %sign3A_423 = arith.constant 0 : i32
        %sign3A_424 = arith.cmpi slt, %add3A_415, %sign3A_423 : i32
        %sign3A_425 = arith.extui %sign3A_424 : i1 to i32
        %sign3A_426 = arith.subi %sign3A_422, %sign3A_425 : i32
        %sign3A_427 = arith.constant 0 : i32
        %sign3A_428 = arith.cmpi sgt, %jit3A_418, %sign3A_427 : i32
        %sign3A_429 = arith.extui %sign3A_428 : i1 to i32
        %sign3A_430 = arith.constant 0 : i32
        %sign3A_431 = arith.cmpi slt, %jit3A_418, %sign3A_430 : i32
        %sign3A_432 = arith.extui %sign3A_431 : i1 to i32
        %sign3A_433 = arith.subi %sign3A_429, %sign3A_432 : i32
        %ne3A_434 = arith.cmpi ne, %sign3A_426, %sign3A_433 : i32
        %rem3A_435 = arith.remsi %add3A_415, %jit3A_418 : i32
        %ne3A_436 = arith.constant 0 : i32
        %ne3A_437 = arith.cmpi ne, %rem3A_435, %ne3A_436 : i32
        %and3A_438 = arith.andi %ne3A_434, %ne3A_437 : i1
        %sub3A_439 = arith.constant 1 : i32
        %sub3A_440 = arith.subi %div3A_419, %sub3A_439 : i32
        %select_n3A_441 = arith.select %and3A_438, %sub3A_440, %div3A_419 : i32
        %add3A_442 = arith.addi %mul3A_417, %select_n3A_441 : i32
        %jit3A_443 = arith.constant 4 : i32
        %div3A_444 = arith.divsi %add3A_442, %jit3A_443 : i32
        %sign3A_445 = arith.constant 0 : i32
        %sign3A_446 = arith.cmpi sgt, %add3A_442, %sign3A_445 : i32
        %sign3A_447 = arith.extui %sign3A_446 : i1 to i32
        %sign3A_448 = arith.constant 0 : i32
        %sign3A_449 = arith.cmpi slt, %add3A_442, %sign3A_448 : i32
        %sign3A_450 = arith.extui %sign3A_449 : i1 to i32
        %sign3A_451 = arith.subi %sign3A_447, %sign3A_450 : i32
        %sign3A_452 = arith.constant 0 : i32
        %sign3A_453 = arith.cmpi sgt, %jit3A_443, %sign3A_452 : i32
        %sign3A_454 = arith.extui %sign3A_453 : i1 to i32
        %sign3A_455 = arith.constant 0 : i32
        %sign3A_456 = arith.cmpi slt, %jit3A_443, %sign3A_455 : i32
        %sign3A_457 = arith.extui %sign3A_456 : i1 to i32
        %sign3A_458 = arith.subi %sign3A_454, %sign3A_457 : i32
        %ne3A_459 = arith.cmpi ne, %sign3A_451, %sign3A_458 : i32
        %rem3A_460 = arith.remsi %add3A_442, %jit3A_443 : i32
        %ne3A_461 = arith.constant 0 : i32
        %ne3A_462 = arith.cmpi ne, %rem3A_460, %ne3A_461 : i32
        %and3A_463 = arith.andi %ne3A_459, %ne3A_462 : i1
        %sub3A_464 = arith.constant 1 : i32
        %sub3A_465 = arith.subi %div3A_444, %sub3A_464 : i32
        %select_n3A_466 = arith.select %and3A_463, %sub3A_465, %div3A_444 : i32
        %jit3A_467 = arith.constant 4 : i32
        %eq3A_468 = arith.constant 0 : i32
        %eq3A_469 = arith.cmpi eq, %jit3A_467, %eq3A_468 : i32
        %jit3A_470 = arith.constant 1 : i32
        %select_n3A_471 = arith.select %eq3A_469, %jit3A_470, %jit3A_467 : i32
        %rem3A_472 = arith.remsi %add3A_442, %select_n3A_471 : i32
        %ne3A_473 = arith.constant 0 : i32
        %ne3A_474 = arith.cmpi ne, %rem3A_472, %ne3A_473 : i32
        %lt3A_475 = arith.constant 0 : i32
        %lt3A_476 = arith.cmpi slt, %rem3A_472, %lt3A_475 : i32
        %lt3A_477 = arith.constant 0 : i32
        %lt3A_478 = arith.cmpi slt, %select_n3A_471, %lt3A_477 : i32
        %ne3A_479 = arith.xori %lt3A_476, %lt3A_478 : i1
        %and3A_480 = arith.andi %ne3A_479, %ne3A_474 : i1
        %add3A_481 = arith.addi %rem3A_472, %select_n3A_471 : i32
        %select_n3A_482 = arith.select %and3A_480, %add3A_481, %rem3A_472 : i32
        %mul3A_483 = arith.constant 256 : i32
        %mul3A_484 = arith.muli %select_n3A_482, %mul3A_483 : i32
        %jit3A_485 = arith.constant 8 : i32
        %eq3A_486 = arith.constant 0 : i32
        %eq3A_487 = arith.cmpi eq, %jit3A_485, %eq3A_486 : i32
        %jit3A_488 = arith.constant 1 : i32
        %select_n3A_489 = arith.select %eq3A_487, %jit3A_488, %jit3A_485 : i32
        %rem3A_490 = arith.remsi %add3A_415, %select_n3A_489 : i32
        %ne3A_491 = arith.constant 0 : i32
        %ne3A_492 = arith.cmpi ne, %rem3A_490, %ne3A_491 : i32
        %lt3A_493 = arith.constant 0 : i32
        %lt3A_494 = arith.cmpi slt, %rem3A_490, %lt3A_493 : i32
        %lt3A_495 = arith.constant 0 : i32
        %lt3A_496 = arith.cmpi slt, %select_n3A_489, %lt3A_495 : i32
        %ne3A_497 = arith.xori %lt3A_494, %lt3A_496 : i1
        %and3A_498 = arith.andi %ne3A_497, %ne3A_492 : i1
        %add3A_499 = arith.addi %rem3A_490, %select_n3A_489 : i32
        %select_n3A_500 = arith.select %and3A_498, %add3A_499, %rem3A_490 : i32
        %mul3A_501 = arith.constant 32 : i32
        %mul3A_502 = arith.muli %select_n3A_500, %mul3A_501 : i32
        %add3A_503 = arith.addi %mul3A_484, %mul3A_502 : i32
        %multiple_of3A_504 = tpu.assume_multiple %add3A_503, 32 : i32
        %dma_start3A_505 = arith.constant 0 : i32
        %dma_start3A_506 = arith.constant 0 : i32
        %dma_start3A_507 = arith.constant 0 : i32
        %dma_start3A_508 = tpu.memref_slice %arg9[%dma_start3A_505, %dma_start3A_506, %dma_start3A_507] : memref<4x32x768xf32, #tpu.memory_space<vmem>> -> memref<1x32x768xf32, #tpu.memory_space<vmem>>
        %dma_start3A_509 = tpu.memref_squeeze %dma_start3A_508 : memref<1x32x768xf32, #tpu.memory_space<vmem>> -> memref<32x768xf32, #tpu.memory_space<vmem>>
        %dma_start3A_510 = arith.constant 0 : i32
        %dma_start3A_511 = tpu.memref_slice %arg7[%select_n3A_466, %multiple_of3A_504, %dma_start3A_510] : memref<12x1024x768xf32, #tpu.memory_space<hbm>> -> memref<1x32x768xf32, #tpu.memory_space<hbm>>
        %dma_start3A_512 = tpu.memref_squeeze %dma_start3A_511 : memref<1x32x768xf32, #tpu.memory_space<hbm>> -> memref<32x768xf32, #tpu.memory_space<hbm>>
        %dma_start3A_513 = arith.constant 0 : i32
        %dma_start3A_514 = tpu.memref_slice %arg7[%select_n3A_466, %multiple_of3A_504, %dma_start3A_513] : memref<12x1024x768xf32, #tpu.memory_space<hbm>> -> memref<1x32x768xf32, #tpu.memory_space<hbm>>
        %dma_start3A_515 = tpu.memref_squeeze %dma_start3A_514 : memref<1x32x768xf32, #tpu.memory_space<hbm>> -> memref<32x768xf32, #tpu.memory_space<hbm>>
        %dma_start3A_516 = arith.constant 0 : i32
        %dma_start3A_517 = arith.constant 0 : i32
        %dma_start3A_518 = tpu.memref_slice %arg9[%dma_start3A_505, %dma_start3A_516, %dma_start3A_517] : memref<4x32x768xf32, #tpu.memory_space<vmem>> -> memref<1x32x768xf32, #tpu.memory_space<vmem>>
        %dma_start3A_519 = tpu.memref_squeeze %dma_start3A_518 : memref<1x32x768xf32, #tpu.memory_space<vmem>> -> memref<32x768xf32, #tpu.memory_space<vmem>>
        tpu.enqueue_dma source(%dma_start3A_519 : memref<32x768xf32, #tpu.memory_space<vmem>>) target(%dma_start3A_515 : memref<32x768xf32, #tpu.memory_space<hbm>>) target_semaphore(%arg14 : memref<!tpu.dma_semaphore, #tpu.memory_space<semaphore_mem>>)
        %dma_wait3A_520 = arith.constant 1 : i32
        %dma_wait3A_521 = arith.constant 0 : i32
        %dma_wait3A_522 = arith.constant 0 : i32
        %dma_wait3A_523 = tpu.memref_slice %arg9[%dma_wait3A_520, %dma_wait3A_521, %dma_wait3A_522] : memref<4x32x768xf32, #tpu.memory_space<vmem>> -> memref<1x32x768xf32, #tpu.memory_space<vmem>>
        %dma_wait3A_524 = tpu.memref_squeeze %dma_wait3A_523 : memref<1x32x768xf32, #tpu.memory_space<vmem>> -> memref<32x768xf32, #tpu.memory_space<vmem>>
        %dma_wait3A_525 = arith.constant 0 : i32
        %dma_wait3A_526 = tpu.memref_slice %arg8[%dma_wait3A_525] : memref<544xi32, #tpu.memory_space<vmem>> -> memref<32xi32, #tpu.memory_space<vmem>>
        %dma_wait3A_527 = arith.constant 0 : i32
        %dma_wait3A_528 = arith.constant 0 : i32
        %dma_wait3A_529 = tpu.memref_slice %arg2[%dma_wait3A_527, %dma_wait3A_528] : memref<512x768xf32, #tpu.memory_space<hbm>> -> memref<512x768xf32, #tpu.memory_space<hbm>>
        tpu.wait_indirect_dma semaphore(%arg11 : memref<!tpu.dma_semaphore, #tpu.memory_space<semaphore_mem>>) src(%dma_wait3A_529 : memref<512x768xf32, #tpu.memory_space<hbm>>) dst(%dma_wait3A_524 : memref<32x768xf32, #tpu.memory_space<vmem>>)
        %add3A_530 = arith.constant 1 : i32
        %add3A_531 = arith.addi %add3A_403, %add3A_530 : i32
        %mul3A_532 = arith.constant 2 : i32
        %mul3A_533 = arith.muli %mul3A_532, %sub3A_7 : i32
        %jit3A_534 = arith.constant 8 : i32
        %div3A_535 = arith.divsi %add3A_531, %jit3A_534 : i32
        %sign3A_536 = arith.constant 0 : i32
        %sign3A_537 = arith.cmpi sgt, %add3A_531, %sign3A_536 : i32
        %sign3A_538 = arith.extui %sign3A_537 : i1 to i32
        %sign3A_539 = arith.constant 0 : i32
        %sign3A_540 = arith.cmpi slt, %add3A_531, %sign3A_539 : i32
        %sign3A_541 = arith.extui %sign3A_540 : i1 to i32
        %sign3A_542 = arith.subi %sign3A_538, %sign3A_541 : i32
        %sign3A_543 = arith.constant 0 : i32
        %sign3A_544 = arith.cmpi sgt, %jit3A_534, %sign3A_543 : i32
        %sign3A_545 = arith.extui %sign3A_544 : i1 to i32
        %sign3A_546 = arith.constant 0 : i32
        %sign3A_547 = arith.cmpi slt, %jit3A_534, %sign3A_546 : i32
        %sign3A_548 = arith.extui %sign3A_547 : i1 to i32
        %sign3A_549 = arith.subi %sign3A_545, %sign3A_548 : i32
        %ne3A_550 = arith.cmpi ne, %sign3A_542, %sign3A_549 : i32
        %rem3A_551 = arith.remsi %add3A_531, %jit3A_534 : i32
        %ne3A_552 = arith.constant 0 : i32
        %ne3A_553 = arith.cmpi ne, %rem3A_551, %ne3A_552 : i32
        %and3A_554 = arith.andi %ne3A_550, %ne3A_553 : i1
        %sub3A_555 = arith.constant 1 : i32
        %sub3A_556 = arith.subi %div3A_535, %sub3A_555 : i32
        %select_n3A_557 = arith.select %and3A_554, %sub3A_556, %div3A_535 : i32
        %add3A_558 = arith.addi %mul3A_533, %select_n3A_557 : i32
        %jit3A_559 = arith.constant 4 : i32
        %div3A_560 = arith.divsi %add3A_558, %jit3A_559 : i32
        %sign3A_561 = arith.constant 0 : i32
        %sign3A_562 = arith.cmpi sgt, %add3A_558, %sign3A_561 : i32
        %sign3A_563 = arith.extui %sign3A_562 : i1 to i32
        %sign3A_564 = arith.constant 0 : i32
        %sign3A_565 = arith.cmpi slt, %add3A_558, %sign3A_564 : i32
        %sign3A_566 = arith.extui %sign3A_565 : i1 to i32
        %sign3A_567 = arith.subi %sign3A_563, %sign3A_566 : i32
        %sign3A_568 = arith.constant 0 : i32
        %sign3A_569 = arith.cmpi sgt, %jit3A_559, %sign3A_568 : i32
        %sign3A_570 = arith.extui %sign3A_569 : i1 to i32
        %sign3A_571 = arith.constant 0 : i32
        %sign3A_572 = arith.cmpi slt, %jit3A_559, %sign3A_571 : i32
        %sign3A_573 = arith.extui %sign3A_572 : i1 to i32
        %sign3A_574 = arith.subi %sign3A_570, %sign3A_573 : i32
        %ne3A_575 = arith.cmpi ne, %sign3A_567, %sign3A_574 : i32
        %rem3A_576 = arith.remsi %add3A_558, %jit3A_559 : i32
        %ne3A_577 = arith.constant 0 : i32
        %ne3A_578 = arith.cmpi ne, %rem3A_576, %ne3A_577 : i32
        %and3A_579 = arith.andi %ne3A_575, %ne3A_578 : i1
        %sub3A_580 = arith.constant 1 : i32
        %sub3A_581 = arith.subi %div3A_560, %sub3A_580 : i32
        %select_n3A_582 = arith.select %and3A_579, %sub3A_581, %div3A_560 : i32
        %jit3A_583 = arith.constant 4 : i32
        %eq3A_584 = arith.constant 0 : i32
        %eq3A_585 = arith.cmpi eq, %jit3A_583, %eq3A_584 : i32
        %jit3A_586 = arith.constant 1 : i32
        %select_n3A_587 = arith.select %eq3A_585, %jit3A_586, %jit3A_583 : i32
        %rem3A_588 = arith.remsi %add3A_558, %select_n3A_587 : i32
        %ne3A_589 = arith.constant 0 : i32
        %ne3A_590 = arith.cmpi ne, %rem3A_588, %ne3A_589 : i32
        %lt3A_591 = arith.constant 0 : i32
        %lt3A_592 = arith.cmpi slt, %rem3A_588, %lt3A_591 : i32
        %lt3A_593 = arith.constant 0 : i32
        %lt3A_594 = arith.cmpi slt, %select_n3A_587, %lt3A_593 : i32
        %ne3A_595 = arith.xori %lt3A_592, %lt3A_594 : i1
        %and3A_596 = arith.andi %ne3A_595, %ne3A_590 : i1
        %add3A_597 = arith.addi %rem3A_588, %select_n3A_587 : i32
        %select_n3A_598 = arith.select %and3A_596, %add3A_597, %rem3A_588 : i32
        %mul3A_599 = arith.constant 256 : i32
        %mul3A_600 = arith.muli %select_n3A_598, %mul3A_599 : i32
        %jit3A_601 = arith.constant 8 : i32
        %eq3A_602 = arith.constant 0 : i32
        %eq3A_603 = arith.cmpi eq, %jit3A_601, %eq3A_602 : i32
        %jit3A_604 = arith.constant 1 : i32
        %select_n3A_605 = arith.select %eq3A_603, %jit3A_604, %jit3A_601 : i32
        %rem3A_606 = arith.remsi %add3A_531, %select_n3A_605 : i32
        %ne3A_607 = arith.constant 0 : i32
        %ne3A_608 = arith.cmpi ne, %rem3A_606, %ne3A_607 : i32
        %lt3A_609 = arith.constant 0 : i32
        %lt3A_610 = arith.cmpi slt, %rem3A_606, %lt3A_609 : i32
        %lt3A_611 = arith.constant 0 : i32
        %lt3A_612 = arith.cmpi slt, %select_n3A_605, %lt3A_611 : i32
        %ne3A_613 = arith.xori %lt3A_610, %lt3A_612 : i1
        %and3A_614 = arith.andi %ne3A_613, %ne3A_608 : i1
        %add3A_615 = arith.addi %rem3A_606, %select_n3A_605 : i32
        %select_n3A_616 = arith.select %and3A_614, %add3A_615, %rem3A_606 : i32
        %mul3A_617 = arith.constant 32 : i32
        %mul3A_618 = arith.muli %select_n3A_616, %mul3A_617 : i32
        %add3A_619 = arith.addi %mul3A_600, %mul3A_618 : i32
        %multiple_of3A_620 = tpu.assume_multiple %add3A_619, 32 : i32
        %dma_start3A_621 = arith.constant 1 : i32
        %dma_start3A_622 = arith.constant 0 : i32
        %dma_start3A_623 = arith.constant 0 : i32
        %dma_start3A_624 = tpu.memref_slice %arg9[%dma_start3A_621, %dma_start3A_622, %dma_start3A_623] : memref<4x32x768xf32, #tpu.memory_space<vmem>> -> memref<1x32x768xf32, #tpu.memory_space<vmem>>
        %dma_start3A_625 = tpu.memref_squeeze %dma_start3A_624 : memref<1x32x768xf32, #tpu.memory_space<vmem>> -> memref<32x768xf32, #tpu.memory_space<vmem>>
        %dma_start3A_626 = arith.constant 0 : i32
        %dma_start3A_627 = tpu.memref_slice %arg7[%select_n3A_582, %multiple_of3A_620, %dma_start3A_626] : memref<12x1024x768xf32, #tpu.memory_space<hbm>> -> memref<1x32x768xf32, #tpu.memory_space<hbm>>
        %dma_start3A_628 = tpu.memref_squeeze %dma_start3A_627 : memref<1x32x768xf32, #tpu.memory_space<hbm>> -> memref<32x768xf32, #tpu.memory_space<hbm>>
        %dma_start3A_629 = arith.constant 0 : i32
        %dma_start3A_630 = tpu.memref_slice %arg7[%select_n3A_582, %multiple_of3A_620, %dma_start3A_629] : memref<12x1024x768xf32, #tpu.memory_space<hbm>> -> memref<1x32x768xf32, #tpu.memory_space<hbm>>
        %dma_start3A_631 = tpu.memref_squeeze %dma_start3A_630 : memref<1x32x768xf32, #tpu.memory_space<hbm>> -> memref<32x768xf32, #tpu.memory_space<hbm>>
        %dma_start3A_632 = arith.constant 0 : i32
        %dma_start3A_633 = arith.constant 0 : i32
        %dma_start3A_634 = tpu.memref_slice %arg9[%dma_start3A_621, %dma_start3A_632, %dma_start3A_633] : memref<4x32x768xf32, #tpu.memory_space<vmem>> -> memref<1x32x768xf32, #tpu.memory_space<vmem>>
        %dma_start3A_635 = tpu.memref_squeeze %dma_start3A_634 : memref<1x32x768xf32, #tpu.memory_space<vmem>> -> memref<32x768xf32, #tpu.memory_space<vmem>>
        tpu.enqueue_dma source(%dma_start3A_635 : memref<32x768xf32, #tpu.memory_space<vmem>>) target(%dma_start3A_631 : memref<32x768xf32, #tpu.memory_space<hbm>>) target_semaphore(%arg15 : memref<!tpu.dma_semaphore, #tpu.memory_space<semaphore_mem>>)
        %dma_wait3A_636 = arith.constant 2 : i32
        %dma_wait3A_637 = arith.constant 0 : i32
        %dma_wait3A_638 = arith.constant 0 : i32
        %dma_wait3A_639 = tpu.memref_slice %arg9[%dma_wait3A_636, %dma_wait3A_637, %dma_wait3A_638] : memref<4x32x768xf32, #tpu.memory_space<vmem>> -> memref<1x32x768xf32, #tpu.memory_space<vmem>>
        %dma_wait3A_640 = tpu.memref_squeeze %dma_wait3A_639 : memref<1x32x768xf32, #tpu.memory_space<vmem>> -> memref<32x768xf32, #tpu.memory_space<vmem>>
        %dma_wait3A_641 = arith.constant 0 : i32
        %dma_wait3A_642 = tpu.memref_slice %arg8[%dma_wait3A_641] : memref<544xi32, #tpu.memory_space<vmem>> -> memref<32xi32, #tpu.memory_space<vmem>>
        %dma_wait3A_643 = arith.constant 0 : i32
        %dma_wait3A_644 = arith.constant 0 : i32
        %dma_wait3A_645 = tpu.memref_slice %arg2[%dma_wait3A_643, %dma_wait3A_644] : memref<512x768xf32, #tpu.memory_space<hbm>> -> memref<512x768xf32, #tpu.memory_space<hbm>>
        tpu.wait_indirect_dma semaphore(%arg12 : memref<!tpu.dma_semaphore, #tpu.memory_space<semaphore_mem>>) src(%dma_wait3A_645 : memref<512x768xf32, #tpu.memory_space<hbm>>) dst(%dma_wait3A_640 : memref<32x768xf32, #tpu.memory_space<vmem>>)
        %add3A_646 = arith.constant 2 : i32
        %add3A_647 = arith.addi %add3A_403, %add3A_646 : i32
        %mul3A_648 = arith.constant 2 : i32
        %mul3A_649 = arith.muli %mul3A_648, %sub3A_7 : i32
        %jit3A_650 = arith.constant 8 : i32
        %div3A_651 = arith.divsi %add3A_647, %jit3A_650 : i32
        %sign3A_652 = arith.constant 0 : i32
        %sign3A_653 = arith.cmpi sgt, %add3A_647, %sign3A_652 : i32
        %sign3A_654 = arith.extui %sign3A_653 : i1 to i32
        %sign3A_655 = arith.constant 0 : i32
        %sign3A_656 = arith.cmpi slt, %add3A_647, %sign3A_655 : i32
        %sign3A_657 = arith.extui %sign3A_656 : i1 to i32
        %sign3A_658 = arith.subi %sign3A_654, %sign3A_657 : i32
        %sign3A_659 = arith.constant 0 : i32
        %sign3A_660 = arith.cmpi sgt, %jit3A_650, %sign3A_659 : i32
        %sign3A_661 = arith.extui %sign3A_660 : i1 to i32
        %sign3A_662 = arith.constant 0 : i32
        %sign3A_663 = arith.cmpi slt, %jit3A_650, %sign3A_662 : i32
        %sign3A_664 = arith.extui %sign3A_663 : i1 to i32
        %sign3A_665 = arith.subi %sign3A_661, %sign3A_664 : i32
        %ne3A_666 = arith.cmpi ne, %sign3A_658, %sign3A_665 : i32
        %rem3A_667 = arith.remsi %add3A_647, %jit3A_650 : i32
        %ne3A_668 = arith.constant 0 : i32
        %ne3A_669 = arith.cmpi ne, %rem3A_667, %ne3A_668 : i32
        %and3A_670 = arith.andi %ne3A_666, %ne3A_669 : i1
        %sub3A_671 = arith.constant 1 : i32
        %sub3A_672 = arith.subi %div3A_651, %sub3A_671 : i32
        %select_n3A_673 = arith.select %and3A_670, %sub3A_672, %div3A_651 : i32
        %add3A_674 = arith.addi %mul3A_649, %select_n3A_673 : i32
        %jit3A_675 = arith.constant 4 : i32
        %div3A_676 = arith.divsi %add3A_674, %jit3A_675 : i32
        %sign3A_677 = arith.constant 0 : i32
        %sign3A_678 = arith.cmpi sgt, %add3A_674, %sign3A_677 : i32
        %sign3A_679 = arith.extui %sign3A_678 : i1 to i32
        %sign3A_680 = arith.constant 0 : i32
        %sign3A_681 = arith.cmpi slt, %add3A_674, %sign3A_680 : i32
        %sign3A_682 = arith.extui %sign3A_681 : i1 to i32
        %sign3A_683 = arith.subi %sign3A_679, %sign3A_682 : i32
        %sign3A_684 = arith.constant 0 : i32
        %sign3A_685 = arith.cmpi sgt, %jit3A_675, %sign3A_684 : i32
        %sign3A_686 = arith.extui %sign3A_685 : i1 to i32
        %sign3A_687 = arith.constant 0 : i32
        %sign3A_688 = arith.cmpi slt, %jit3A_675, %sign3A_687 : i32
        %sign3A_689 = arith.extui %sign3A_688 : i1 to i32
        %sign3A_690 = arith.subi %sign3A_686, %sign3A_689 : i32
        %ne3A_691 = arith.cmpi ne, %sign3A_683, %sign3A_690 : i32
        %rem3A_692 = arith.remsi %add3A_674, %jit3A_675 : i32
        %ne3A_693 = arith.constant 0 : i32
        %ne3A_694 = arith.cmpi ne, %rem3A_692, %ne3A_693 : i32
        %and3A_695 = arith.andi %ne3A_691, %ne3A_694 : i1
        %sub3A_696 = arith.constant 1 : i32
        %sub3A_697 = arith.subi %div3A_676, %sub3A_696 : i32
        %select_n3A_698 = arith.select %and3A_695, %sub3A_697, %div3A_676 : i32
        %jit3A_699 = arith.constant 4 : i32
        %eq3A_700 = arith.constant 0 : i32
        %eq3A_701 = arith.cmpi eq, %jit3A_699, %eq3A_700 : i32
        %jit3A_702 = arith.constant 1 : i32
        %select_n3A_703 = arith.select %eq3A_701, %jit3A_702, %jit3A_699 : i32
        %rem3A_704 = arith.remsi %add3A_674, %select_n3A_703 : i32
        %ne3A_705 = arith.constant 0 : i32
        %ne3A_706 = arith.cmpi ne, %rem3A_704, %ne3A_705 : i32
        %lt3A_707 = arith.constant 0 : i32
        %lt3A_708 = arith.cmpi slt, %rem3A_704, %lt3A_707 : i32
        %lt3A_709 = arith.constant 0 : i32
        %lt3A_710 = arith.cmpi slt, %select_n3A_703, %lt3A_709 : i32
        %ne3A_711 = arith.xori %lt3A_708, %lt3A_710 : i1
        %and3A_712 = arith.andi %ne3A_711, %ne3A_706 : i1
        %add3A_713 = arith.addi %rem3A_704, %select_n3A_703 : i32
        %select_n3A_714 = arith.select %and3A_712, %add3A_713, %rem3A_704 : i32
        %mul3A_715 = arith.constant 256 : i32
        %mul3A_716 = arith.muli %select_n3A_714, %mul3A_715 : i32
        %jit3A_717 = arith.constant 8 : i32
        %eq3A_718 = arith.constant 0 : i32
        %eq3A_719 = arith.cmpi eq, %jit3A_717, %eq3A_718 : i32
        %jit3A_720 = arith.constant 1 : i32
        %select_n3A_721 = arith.select %eq3A_719, %jit3A_720, %jit3A_717 : i32
        %rem3A_722 = arith.remsi %add3A_647, %select_n3A_721 : i32
        %ne3A_723 = arith.constant 0 : i32
        %ne3A_724 = arith.cmpi ne, %rem3A_722, %ne3A_723 : i32
        %lt3A_725 = arith.constant 0 : i32
        %lt3A_726 = arith.cmpi slt, %rem3A_722, %lt3A_725 : i32
        %lt3A_727 = arith.constant 0 : i32
        %lt3A_728 = arith.cmpi slt, %select_n3A_721, %lt3A_727 : i32
        %ne3A_729 = arith.xori %lt3A_726, %lt3A_728 : i1
        %and3A_730 = arith.andi %ne3A_729, %ne3A_724 : i1
        %add3A_731 = arith.addi %rem3A_722, %select_n3A_721 : i32
        %select_n3A_732 = arith.select %and3A_730, %add3A_731, %rem3A_722 : i32
        %mul3A_733 = arith.constant 32 : i32
        %mul3A_734 = arith.muli %select_n3A_732, %mul3A_733 : i32
        %add3A_735 = arith.addi %mul3A_716, %mul3A_734 : i32
        %multiple_of3A_736 = tpu.assume_multiple %add3A_735, 32 : i32
        %dma_start3A_737 = arith.constant 2 : i32
        %dma_start3A_738 = arith.constant 0 : i32
        %dma_start3A_739 = arith.constant 0 : i32
        %dma_start3A_740 = tpu.memref_slice %arg9[%dma_start3A_737, %dma_start3A_738, %dma_start3A_739] : memref<4x32x768xf32, #tpu.memory_space<vmem>> -> memref<1x32x768xf32, #tpu.memory_space<vmem>>
        %dma_start3A_741 = tpu.memref_squeeze %dma_start3A_740 : memref<1x32x768xf32, #tpu.memory_space<vmem>> -> memref<32x768xf32, #tpu.memory_space<vmem>>
        %dma_start3A_742 = arith.constant 0 : i32
        %dma_start3A_743 = tpu.memref_slice %arg7[%select_n3A_698, %multiple_of3A_736, %dma_start3A_742] : memref<12x1024x768xf32, #tpu.memory_space<hbm>> -> memref<1x32x768xf32, #tpu.memory_space<hbm>>
        %dma_start3A_744 = tpu.memref_squeeze %dma_start3A_743 : memref<1x32x768xf32, #tpu.memory_space<hbm>> -> memref<32x768xf32, #tpu.memory_space<hbm>>
        %dma_start3A_745 = arith.constant 0 : i32
        %dma_start3A_746 = tpu.memref_slice %arg7[%select_n3A_698, %multiple_of3A_736, %dma_start3A_745] : memref<12x1024x768xf32, #tpu.memory_space<hbm>> -> memref<1x32x768xf32, #tpu.memory_space<hbm>>
        %dma_start3A_747 = tpu.memref_squeeze %dma_start3A_746 : memref<1x32x768xf32, #tpu.memory_space<hbm>> -> memref<32x768xf32, #tpu.memory_space<hbm>>
        %dma_start3A_748 = arith.constant 0 : i32
        %dma_start3A_749 = arith.constant 0 : i32
        %dma_start3A_750 = tpu.memref_slice %arg9[%dma_start3A_737, %dma_start3A_748, %dma_start3A_749] : memref<4x32x768xf32, #tpu.memory_space<vmem>> -> memref<1x32x768xf32, #tpu.memory_space<vmem>>
        %dma_start3A_751 = tpu.memref_squeeze %dma_start3A_750 : memref<1x32x768xf32, #tpu.memory_space<vmem>> -> memref<32x768xf32, #tpu.memory_space<vmem>>
        tpu.enqueue_dma source(%dma_start3A_751 : memref<32x768xf32, #tpu.memory_space<vmem>>) target(%dma_start3A_747 : memref<32x768xf32, #tpu.memory_space<hbm>>) target_semaphore(%arg16 : memref<!tpu.dma_semaphore, #tpu.memory_space<semaphore_mem>>)
        %dma_wait3A_752 = arith.constant 3 : i32
        %dma_wait3A_753 = arith.constant 0 : i32
        %dma_wait3A_754 = arith.constant 0 : i32
        %dma_wait3A_755 = tpu.memref_slice %arg9[%dma_wait3A_752, %dma_wait3A_753, %dma_wait3A_754] : memref<4x32x768xf32, #tpu.memory_space<vmem>> -> memref<1x32x768xf32, #tpu.memory_space<vmem>>
        %dma_wait3A_756 = tpu.memref_squeeze %dma_wait3A_755 : memref<1x32x768xf32, #tpu.memory_space<vmem>> -> memref<32x768xf32, #tpu.memory_space<vmem>>
        %dma_wait3A_757 = arith.constant 0 : i32
        %dma_wait3A_758 = tpu.memref_slice %arg8[%dma_wait3A_757] : memref<544xi32, #tpu.memory_space<vmem>> -> memref<32xi32, #tpu.memory_space<vmem>>
        %dma_wait3A_759 = arith.constant 0 : i32
        %dma_wait3A_760 = arith.constant 0 : i32
        %dma_wait3A_761 = tpu.memref_slice %arg2[%dma_wait3A_759, %dma_wait3A_760] : memref<512x768xf32, #tpu.memory_space<hbm>> -> memref<512x768xf32, #tpu.memory_space<hbm>>
        tpu.wait_indirect_dma semaphore(%arg13 : memref<!tpu.dma_semaphore, #tpu.memory_space<semaphore_mem>>) src(%dma_wait3A_761 : memref<512x768xf32, #tpu.memory_space<hbm>>) dst(%dma_wait3A_756 : memref<32x768xf32, #tpu.memory_space<vmem>>)
        %add3A_762 = arith.constant 3 : i32
        %add3A_763 = arith.addi %add3A_403, %add3A_762 : i32
        %mul3A_764 = arith.constant 2 : i32
        %mul3A_765 = arith.muli %mul3A_764, %sub3A_7 : i32
        %jit3A_766 = arith.constant 8 : i32
        %div3A_767 = arith.divsi %add3A_763, %jit3A_766 : i32
        %sign3A_768 = arith.constant 0 : i32
        %sign3A_769 = arith.cmpi sgt, %add3A_763, %sign3A_768 : i32
        %sign3A_770 = arith.extui %sign3A_769 : i1 to i32
        %sign3A_771 = arith.constant 0 : i32
        %sign3A_772 = arith.cmpi slt, %add3A_763, %sign3A_771 : i32
        %sign3A_773 = arith.extui %sign3A_772 : i1 to i32
        %sign3A_774 = arith.subi %sign3A_770, %sign3A_773 : i32
        %sign3A_775 = arith.constant 0 : i32
        %sign3A_776 = arith.cmpi sgt, %jit3A_766, %sign3A_775 : i32
        %sign3A_777 = arith.extui %sign3A_776 : i1 to i32
        %sign3A_778 = arith.constant 0 : i32
        %sign3A_779 = arith.cmpi slt, %jit3A_766, %sign3A_778 : i32
        %sign3A_780 = arith.extui %sign3A_779 : i1 to i32
        %sign3A_781 = arith.subi %sign3A_777, %sign3A_780 : i32
        %ne3A_782 = arith.cmpi ne, %sign3A_774, %sign3A_781 : i32
        %rem3A_783 = arith.remsi %add3A_763, %jit3A_766 : i32
        %ne3A_784 = arith.constant 0 : i32
        %ne3A_785 = arith.cmpi ne, %rem3A_783, %ne3A_784 : i32
        %and3A_786 = arith.andi %ne3A_782, %ne3A_785 : i1
        %sub3A_787 = arith.constant 1 : i32
        %sub3A_788 = arith.subi %div3A_767, %sub3A_787 : i32
        %select_n3A_789 = arith.select %and3A_786, %sub3A_788, %div3A_767 : i32
        %add3A_790 = arith.addi %mul3A_765, %select_n3A_789 : i32
        %jit3A_791 = arith.constant 4 : i32
        %div3A_792 = arith.divsi %add3A_790, %jit3A_791 : i32
        %sign3A_793 = arith.constant 0 : i32
        %sign3A_794 = arith.cmpi sgt, %add3A_790, %sign3A_793 : i32
        %sign3A_795 = arith.extui %sign3A_794 : i1 to i32
        %sign3A_796 = arith.constant 0 : i32
        %sign3A_797 = arith.cmpi slt, %add3A_790, %sign3A_796 : i32
        %sign3A_798 = arith.extui %sign3A_797 : i1 to i32
        %sign3A_799 = arith.subi %sign3A_795, %sign3A_798 : i32
        %sign3A_800 = arith.constant 0 : i32
        %sign3A_801 = arith.cmpi sgt, %jit3A_791, %sign3A_800 : i32
        %sign3A_802 = arith.extui %sign3A_801 : i1 to i32
        %sign3A_803 = arith.constant 0 : i32
        %sign3A_804 = arith.cmpi slt, %jit3A_791, %sign3A_803 : i32
        %sign3A_805 = arith.extui %sign3A_804 : i1 to i32
        %sign3A_806 = arith.subi %sign3A_802, %sign3A_805 : i32
        %ne3A_807 = arith.cmpi ne, %sign3A_799, %sign3A_806 : i32
        %rem3A_808 = arith.remsi %add3A_790, %jit3A_791 : i32
        %ne3A_809 = arith.constant 0 : i32
        %ne3A_810 = arith.cmpi ne, %rem3A_808, %ne3A_809 : i32
        %and3A_811 = arith.andi %ne3A_807, %ne3A_810 : i1
        %sub3A_812 = arith.constant 1 : i32
        %sub3A_813 = arith.subi %div3A_792, %sub3A_812 : i32
        %select_n3A_814 = arith.select %and3A_811, %sub3A_813, %div3A_792 : i32
        %jit3A_815 = arith.constant 4 : i32
        %eq3A_816 = arith.constant 0 : i32
        %eq3A_817 = arith.cmpi eq, %jit3A_815, %eq3A_816 : i32
        %jit3A_818 = arith.constant 1 : i32
        %select_n3A_819 = arith.select %eq3A_817, %jit3A_818, %jit3A_815 : i32
        %rem3A_820 = arith.remsi %add3A_790, %select_n3A_819 : i32
        %ne3A_821 = arith.constant 0 : i32
        %ne3A_822 = arith.cmpi ne, %rem3A_820, %ne3A_821 : i32
        %lt3A_823 = arith.constant 0 : i32
        %lt3A_824 = arith.cmpi slt, %rem3A_820, %lt3A_823 : i32
        %lt3A_825 = arith.constant 0 : i32
        %lt3A_826 = arith.cmpi slt, %select_n3A_819, %lt3A_825 : i32
        %ne3A_827 = arith.xori %lt3A_824, %lt3A_826 : i1
        %and3A_828 = arith.andi %ne3A_827, %ne3A_822 : i1
        %add3A_829 = arith.addi %rem3A_820, %select_n3A_819 : i32
        %select_n3A_830 = arith.select %and3A_828, %add3A_829, %rem3A_820 : i32
        %mul3A_831 = arith.constant 256 : i32
        %mul3A_832 = arith.muli %select_n3A_830, %mul3A_831 : i32
        %jit3A_833 = arith.constant 8 : i32
        %eq3A_834 = arith.constant 0 : i32
        %eq3A_835 = arith.cmpi eq, %jit3A_833, %eq3A_834 : i32
        %jit3A_836 = arith.constant 1 : i32
        %select_n3A_837 = arith.select %eq3A_835, %jit3A_836, %jit3A_833 : i32
        %rem3A_838 = arith.remsi %add3A_763, %select_n3A_837 : i32
        %ne3A_839 = arith.constant 0 : i32
        %ne3A_840 = arith.cmpi ne, %rem3A_838, %ne3A_839 : i32
        %lt3A_841 = arith.constant 0 : i32
        %lt3A_842 = arith.cmpi slt, %rem3A_838, %lt3A_841 : i32
        %lt3A_843 = arith.constant 0 : i32
        %lt3A_844 = arith.cmpi slt, %select_n3A_837, %lt3A_843 : i32
        %ne3A_845 = arith.xori %lt3A_842, %lt3A_844 : i1
        %and3A_846 = arith.andi %ne3A_845, %ne3A_840 : i1
        %add3A_847 = arith.addi %rem3A_838, %select_n3A_837 : i32
        %select_n3A_848 = arith.select %and3A_846, %add3A_847, %rem3A_838 : i32
        %mul3A_849 = arith.constant 32 : i32
        %mul3A_850 = arith.muli %select_n3A_848, %mul3A_849 : i32
        %add3A_851 = arith.addi %mul3A_832, %mul3A_850 : i32
        %multiple_of3A_852 = tpu.assume_multiple %add3A_851, 32 : i32
        %dma_start3A_853 = arith.constant 3 : i32
        %dma_start3A_854 = arith.constant 0 : i32
        %dma_start3A_855 = arith.constant 0 : i32
        %dma_start3A_856 = tpu.memref_slice %arg9[%dma_start3A_853, %dma_start3A_854, %dma_start3A_855] : memref<4x32x768xf32, #tpu.memory_space<vmem>> -> memref<1x32x768xf32, #tpu.memory_space<vmem>>
        %dma_start3A_857 = tpu.memref_squeeze %dma_start3A_856 : memref<1x32x768xf32, #tpu.memory_space<vmem>> -> memref<32x768xf32, #tpu.memory_space<vmem>>
        %dma_start3A_858 = arith.constant 0 : i32
        %dma_start3A_859 = tpu.memref_slice %arg7[%select_n3A_814, %multiple_of3A_852, %dma_start3A_858] : memref<12x1024x768xf32, #tpu.memory_space<hbm>> -> memref<1x32x768xf32, #tpu.memory_space<hbm>>
        %dma_start3A_860 = tpu.memref_squeeze %dma_start3A_859 : memref<1x32x768xf32, #tpu.memory_space<hbm>> -> memref<32x768xf32, #tpu.memory_space<hbm>>
        %dma_start3A_861 = arith.constant 0 : i32
        %dma_start3A_862 = tpu.memref_slice %arg7[%select_n3A_814, %multiple_of3A_852, %dma_start3A_861] : memref<12x1024x768xf32, #tpu.memory_space<hbm>> -> memref<1x32x768xf32, #tpu.memory_space<hbm>>
        %dma_start3A_863 = tpu.memref_squeeze %dma_start3A_862 : memref<1x32x768xf32, #tpu.memory_space<hbm>> -> memref<32x768xf32, #tpu.memory_space<hbm>>
        %dma_start3A_864 = arith.constant 0 : i32
        %dma_start3A_865 = arith.constant 0 : i32
        %dma_start3A_866 = tpu.memref_slice %arg9[%dma_start3A_853, %dma_start3A_864, %dma_start3A_865] : memref<4x32x768xf32, #tpu.memory_space<vmem>> -> memref<1x32x768xf32, #tpu.memory_space<vmem>>
        %dma_start3A_867 = tpu.memref_squeeze %dma_start3A_866 : memref<1x32x768xf32, #tpu.memory_space<vmem>> -> memref<32x768xf32, #tpu.memory_space<vmem>>
        tpu.enqueue_dma source(%dma_start3A_867 : memref<32x768xf32, #tpu.memory_space<vmem>>) target(%dma_start3A_863 : memref<32x768xf32, #tpu.memory_space<hbm>>) target_semaphore(%arg17 : memref<!tpu.dma_semaphore, #tpu.memory_space<semaphore_mem>>)
        %dma_wait3A_868 = arith.constant 0 : i32
        %dma_wait3A_869 = arith.constant 0 : i32
        %dma_wait3A_870 = arith.constant 0 : i32
        %dma_wait3A_871 = arith.constant 0 : i32
        %dma_wait3A_872 = tpu.memref_slice %arg9[%dma_wait3A_868, %dma_wait3A_870, %dma_wait3A_871] : memref<4x32x768xf32, #tpu.memory_space<vmem>> -> memref<1x32x768xf32, #tpu.memory_space<vmem>>
        %dma_wait3A_873 = tpu.memref_squeeze %dma_wait3A_872 : memref<1x32x768xf32, #tpu.memory_space<vmem>> -> memref<32x768xf32, #tpu.memory_space<vmem>>
        %dma_wait3A_874 = arith.constant 0 : i32
        %dma_wait3A_875 = arith.constant 0 : i32
        %dma_wait3A_876 = tpu.memref_slice %arg7[%dma_wait3A_869, %dma_wait3A_874, %dma_wait3A_875] : memref<12x1024x768xf32, #tpu.memory_space<hbm>> -> memref<1x32x768xf32, #tpu.memory_space<hbm>>
        %dma_wait3A_877 = tpu.memref_squeeze %dma_wait3A_876 : memref<1x32x768xf32, #tpu.memory_space<hbm>> -> memref<32x768xf32, #tpu.memory_space<hbm>>
        %dma_wait3A_878 = arith.constant 0 : i32
        %dma_wait3A_879 = arith.constant 0 : i32
        %dma_wait3A_880 = tpu.memref_slice %arg7[%dma_wait3A_869, %dma_wait3A_878, %dma_wait3A_879] : memref<12x1024x768xf32, #tpu.memory_space<hbm>> -> memref<1x32x768xf32, #tpu.memory_space<hbm>>
        %dma_wait3A_881 = tpu.memref_squeeze %dma_wait3A_880 : memref<1x32x768xf32, #tpu.memory_space<hbm>> -> memref<32x768xf32, #tpu.memory_space<hbm>>
        %dma_wait3A_882 = arith.constant 0 : i32
        %dma_wait3A_883 = arith.constant 0 : i32
        %dma_wait3A_884 = tpu.memref_slice %arg9[%dma_wait3A_868, %dma_wait3A_882, %dma_wait3A_883] : memref<4x32x768xf32, #tpu.memory_space<vmem>> -> memref<1x32x768xf32, #tpu.memory_space<vmem>>
        %dma_wait3A_885 = tpu.memref_squeeze %dma_wait3A_884 : memref<1x32x768xf32, #tpu.memory_space<vmem>> -> memref<32x768xf32, #tpu.memory_space<vmem>>
        tpu.wait_dma2 semaphore(%arg14 : memref<!tpu.dma_semaphore, #tpu.memory_space<semaphore_mem>>) src(%dma_wait3A_885 : memref<32x768xf32, #tpu.memory_space<vmem>>) dst(%dma_wait3A_881 : memref<32x768xf32, #tpu.memory_space<hbm>>)
        %add3A_886 = arith.constant 4 : i32
        %add3A_887 = arith.addi %add3A_403, %add3A_886 : i32
        %add3A_888 = arith.constant 0 : i32
        %add3A_889 = arith.addi %add3A_887, %add3A_888 : i32
        %lt3A_890 = arith.constant 16 : i32
        %lt3A_891 = arith.cmpi slt, %add3A_889, %lt3A_890 : i32
        %convert_element_type3A_892 = arith.extui %lt3A_891 : i1 to i32
        %cond3A_893 = arith.constant 0 : i32
        %cond3A_894 = arith.cmpi ne, %convert_element_type3A_892, %cond3A_893 : i32
        scf.if %cond3A_894 {
          %mul3A_976 = arith.constant 32 : i32
          %mul3A_977 = arith.muli %add3A_889, %mul3A_976 : i32
          %multiple_of3A_978 = tpu.assume_multiple %mul3A_977, 32 : i32
          %dma_start3A_979 = arith.constant 0 : i32
          %dma_start3A_980 = arith.constant 0 : i32
          %dma_start3A_981 = arith.constant 0 : i32
          %dma_start3A_982 = tpu.memref_slice %arg9[%dma_start3A_979, %dma_start3A_980, %dma_start3A_981] : memref<4x32x768xf32, #tpu.memory_space<vmem>> -> memref<1x32x768xf32, #tpu.memory_space<vmem>>
          %dma_start3A_983 = tpu.memref_squeeze %dma_start3A_982 : memref<1x32x768xf32, #tpu.memory_space<vmem>> -> memref<32x768xf32, #tpu.memory_space<vmem>>
          %dma_start3A_984 = tpu.memref_slice %arg8[%multiple_of3A_978] : memref<544xi32, #tpu.memory_space<vmem>> -> memref<32xi32, #tpu.memory_space<vmem>>
          %dma_start3A_985 = arith.constant 0 : i32
          %dma_start3A_986 = arith.constant 0 : i32
          %dma_start3A_987 = tpu.memref_slice %arg2[%dma_start3A_985, %dma_start3A_986] : memref<512x768xf32, #tpu.memory_space<hbm>> -> memref<512x768xf32, #tpu.memory_space<hbm>>
          tpu.enqueue_indirect_dma source(%dma_start3A_987 : memref<512x768xf32, #tpu.memory_space<hbm>>) target(%dma_start3A_983 : memref<32x768xf32, #tpu.memory_space<vmem>>) offsets(%dma_start3A_984 : memref<32xi32, #tpu.memory_space<vmem>>) semaphore(%arg10 : memref<!tpu.dma_semaphore, #tpu.memory_space<semaphore_mem>>)
        } else {
        }
        %dma_wait3A_895 = arith.constant 1 : i32
        %dma_wait3A_896 = arith.constant 0 : i32
        %dma_wait3A_897 = arith.constant 0 : i32
        %dma_wait3A_898 = arith.constant 0 : i32
        %dma_wait3A_899 = tpu.memref_slice %arg9[%dma_wait3A_895, %dma_wait3A_897, %dma_wait3A_898] : memref<4x32x768xf32, #tpu.memory_space<vmem>> -> memref<1x32x768xf32, #tpu.memory_space<vmem>>
        %dma_wait3A_900 = tpu.memref_squeeze %dma_wait3A_899 : memref<1x32x768xf32, #tpu.memory_space<vmem>> -> memref<32x768xf32, #tpu.memory_space<vmem>>
        %dma_wait3A_901 = arith.constant 0 : i32
        %dma_wait3A_902 = arith.constant 0 : i32
        %dma_wait3A_903 = tpu.memref_slice %arg7[%dma_wait3A_896, %dma_wait3A_901, %dma_wait3A_902] : memref<12x1024x768xf32, #tpu.memory_space<hbm>> -> memref<1x32x768xf32, #tpu.memory_space<hbm>>
        %dma_wait3A_904 = tpu.memref_squeeze %dma_wait3A_903 : memref<1x32x768xf32, #tpu.memory_space<hbm>> -> memref<32x768xf32, #tpu.memory_space<hbm>>
        %dma_wait3A_905 = arith.constant 0 : i32
        %dma_wait3A_906 = arith.constant 0 : i32
        %dma_wait3A_907 = tpu.memref_slice %arg7[%dma_wait3A_896, %dma_wait3A_905, %dma_wait3A_906] : memref<12x1024x768xf32, #tpu.memory_space<hbm>> -> memref<1x32x768xf32, #tpu.memory_space<hbm>>
        %dma_wait3A_908 = tpu.memref_squeeze %dma_wait3A_907 : memref<1x32x768xf32, #tpu.memory_space<hbm>> -> memref<32x768xf32, #tpu.memory_space<hbm>>
        %dma_wait3A_909 = arith.constant 0 : i32
        %dma_wait3A_910 = arith.constant 0 : i32
        %dma_wait3A_911 = tpu.memref_slice %arg9[%dma_wait3A_895, %dma_wait3A_909, %dma_wait3A_910] : memref<4x32x768xf32, #tpu.memory_space<vmem>> -> memref<1x32x768xf32, #tpu.memory_space<vmem>>
        %dma_wait3A_912 = tpu.memref_squeeze %dma_wait3A_911 : memref<1x32x768xf32, #tpu.memory_space<vmem>> -> memref<32x768xf32, #tpu.memory_space<vmem>>
        tpu.wait_dma2 semaphore(%arg15 : memref<!tpu.dma_semaphore, #tpu.memory_space<semaphore_mem>>) src(%dma_wait3A_912 : memref<32x768xf32, #tpu.memory_space<vmem>>) dst(%dma_wait3A_908 : memref<32x768xf32, #tpu.memory_space<hbm>>)
        %add3A_913 = arith.constant 4 : i32
        %add3A_914 = arith.addi %add3A_403, %add3A_913 : i32
        %add3A_915 = arith.constant 1 : i32
        %add3A_916 = arith.addi %add3A_914, %add3A_915 : i32
        %lt3A_917 = arith.constant 16 : i32
        %lt3A_918 = arith.cmpi slt, %add3A_916, %lt3A_917 : i32
        %convert_element_type3A_919 = arith.extui %lt3A_918 : i1 to i32
        %cond3A_920 = arith.constant 0 : i32
        %cond3A_921 = arith.cmpi ne, %convert_element_type3A_919, %cond3A_920 : i32
        scf.if %cond3A_921 {
          %mul3A_976 = arith.constant 32 : i32
          %mul3A_977 = arith.muli %add3A_916, %mul3A_976 : i32
          %multiple_of3A_978 = tpu.assume_multiple %mul3A_977, 32 : i32
          %dma_start3A_979 = arith.constant 1 : i32
          %dma_start3A_980 = arith.constant 0 : i32
          %dma_start3A_981 = arith.constant 0 : i32
          %dma_start3A_982 = tpu.memref_slice %arg9[%dma_start3A_979, %dma_start3A_980, %dma_start3A_981] : memref<4x32x768xf32, #tpu.memory_space<vmem>> -> memref<1x32x768xf32, #tpu.memory_space<vmem>>
          %dma_start3A_983 = tpu.memref_squeeze %dma_start3A_982 : memref<1x32x768xf32, #tpu.memory_space<vmem>> -> memref<32x768xf32, #tpu.memory_space<vmem>>
          %dma_start3A_984 = tpu.memref_slice %arg8[%multiple_of3A_978] : memref<544xi32, #tpu.memory_space<vmem>> -> memref<32xi32, #tpu.memory_space<vmem>>
          %dma_start3A_985 = arith.constant 0 : i32
          %dma_start3A_986 = arith.constant 0 : i32
          %dma_start3A_987 = tpu.memref_slice %arg2[%dma_start3A_985, %dma_start3A_986] : memref<512x768xf32, #tpu.memory_space<hbm>> -> memref<512x768xf32, #tpu.memory_space<hbm>>
          tpu.enqueue_indirect_dma source(%dma_start3A_987 : memref<512x768xf32, #tpu.memory_space<hbm>>) target(%dma_start3A_983 : memref<32x768xf32, #tpu.memory_space<vmem>>) offsets(%dma_start3A_984 : memref<32xi32, #tpu.memory_space<vmem>>) semaphore(%arg11 : memref<!tpu.dma_semaphore, #tpu.memory_space<semaphore_mem>>)
        } else {
        }
        %dma_wait3A_922 = arith.constant 2 : i32
        %dma_wait3A_923 = arith.constant 0 : i32
        %dma_wait3A_924 = arith.constant 0 : i32
        %dma_wait3A_925 = arith.constant 0 : i32
        %dma_wait3A_926 = tpu.memref_slice %arg9[%dma_wait3A_922, %dma_wait3A_924, %dma_wait3A_925] : memref<4x32x768xf32, #tpu.memory_space<vmem>> -> memref<1x32x768xf32, #tpu.memory_space<vmem>>
        %dma_wait3A_927 = tpu.memref_squeeze %dma_wait3A_926 : memref<1x32x768xf32, #tpu.memory_space<vmem>> -> memref<32x768xf32, #tpu.memory_space<vmem>>
        %dma_wait3A_928 = arith.constant 0 : i32
        %dma_wait3A_929 = arith.constant 0 : i32
        %dma_wait3A_930 = tpu.memref_slice %arg7[%dma_wait3A_923, %dma_wait3A_928, %dma_wait3A_929] : memref<12x1024x768xf32, #tpu.memory_space<hbm>> -> memref<1x32x768xf32, #tpu.memory_space<hbm>>
        %dma_wait3A_931 = tpu.memref_squeeze %dma_wait3A_930 : memref<1x32x768xf32, #tpu.memory_space<hbm>> -> memref<32x768xf32, #tpu.memory_space<hbm>>
        %dma_wait3A_932 = arith.constant 0 : i32
        %dma_wait3A_933 = arith.constant 0 : i32
        %dma_wait3A_934 = tpu.memref_slice %arg7[%dma_wait3A_923, %dma_wait3A_932, %dma_wait3A_933] : memref<12x1024x768xf32, #tpu.memory_space<hbm>> -> memref<1x32x768xf32, #tpu.memory_space<hbm>>
        %dma_wait3A_935 = tpu.memref_squeeze %dma_wait3A_934 : memref<1x32x768xf32, #tpu.memory_space<hbm>> -> memref<32x768xf32, #tpu.memory_space<hbm>>
        %dma_wait3A_936 = arith.constant 0 : i32
        %dma_wait3A_937 = arith.constant 0 : i32
        %dma_wait3A_938 = tpu.memref_slice %arg9[%dma_wait3A_922, %dma_wait3A_936, %dma_wait3A_937] : memref<4x32x768xf32, #tpu.memory_space<vmem>> -> memref<1x32x768xf32, #tpu.memory_space<vmem>>
        %dma_wait3A_939 = tpu.memref_squeeze %dma_wait3A_938 : memref<1x32x768xf32, #tpu.memory_space<vmem>> -> memref<32x768xf32, #tpu.memory_space<vmem>>
        tpu.wait_dma2 semaphore(%arg16 : memref<!tpu.dma_semaphore, #tpu.memory_space<semaphore_mem>>) src(%dma_wait3A_939 : memref<32x768xf32, #tpu.memory_space<vmem>>) dst(%dma_wait3A_935 : memref<32x768xf32, #tpu.memory_space<hbm>>)
        %add3A_940 = arith.constant 4 : i32
        %add3A_941 = arith.addi %add3A_403, %add3A_940 : i32
        %add3A_942 = arith.constant 2 : i32
        %add3A_943 = arith.addi %add3A_941, %add3A_942 : i32
        %lt3A_944 = arith.constant 16 : i32
        %lt3A_945 = arith.cmpi slt, %add3A_943, %lt3A_944 : i32
        %convert_element_type3A_946 = arith.extui %lt3A_945 : i1 to i32
        %cond3A_947 = arith.constant 0 : i32
        %cond3A_948 = arith.cmpi ne, %convert_element_type3A_946, %cond3A_947 : i32
        scf.if %cond3A_948 {
          %mul3A_976 = arith.constant 32 : i32
          %mul3A_977 = arith.muli %add3A_943, %mul3A_976 : i32
          %multiple_of3A_978 = tpu.assume_multiple %mul3A_977, 32 : i32
          %dma_start3A_979 = arith.constant 2 : i32
          %dma_start3A_980 = arith.constant 0 : i32
          %dma_start3A_981 = arith.constant 0 : i32
          %dma_start3A_982 = tpu.memref_slice %arg9[%dma_start3A_979, %dma_start3A_980, %dma_start3A_981] : memref<4x32x768xf32, #tpu.memory_space<vmem>> -> memref<1x32x768xf32, #tpu.memory_space<vmem>>
          %dma_start3A_983 = tpu.memref_squeeze %dma_start3A_982 : memref<1x32x768xf32, #tpu.memory_space<vmem>> -> memref<32x768xf32, #tpu.memory_space<vmem>>
          %dma_start3A_984 = tpu.memref_slice %arg8[%multiple_of3A_978] : memref<544xi32, #tpu.memory_space<vmem>> -> memref<32xi32, #tpu.memory_space<vmem>>
          %dma_start3A_985 = arith.constant 0 : i32
          %dma_start3A_986 = arith.constant 0 : i32
          %dma_start3A_987 = tpu.memref_slice %arg2[%dma_start3A_985, %dma_start3A_986] : memref<512x768xf32, #tpu.memory_space<hbm>> -> memref<512x768xf32, #tpu.memory_space<hbm>>
          tpu.enqueue_indirect_dma source(%dma_start3A_987 : memref<512x768xf32, #tpu.memory_space<hbm>>) target(%dma_start3A_983 : memref<32x768xf32, #tpu.memory_space<vmem>>) offsets(%dma_start3A_984 : memref<32xi32, #tpu.memory_space<vmem>>) semaphore(%arg12 : memref<!tpu.dma_semaphore, #tpu.memory_space<semaphore_mem>>)
        } else {
        }
        %dma_wait3A_949 = arith.constant 3 : i32
        %dma_wait3A_950 = arith.constant 0 : i32
        %dma_wait3A_951 = arith.constant 0 : i32
        %dma_wait3A_952 = arith.constant 0 : i32
        %dma_wait3A_953 = tpu.memref_slice %arg9[%dma_wait3A_949, %dma_wait3A_951, %dma_wait3A_952] : memref<4x32x768xf32, #tpu.memory_space<vmem>> -> memref<1x32x768xf32, #tpu.memory_space<vmem>>
        %dma_wait3A_954 = tpu.memref_squeeze %dma_wait3A_953 : memref<1x32x768xf32, #tpu.memory_space<vmem>> -> memref<32x768xf32, #tpu.memory_space<vmem>>
        %dma_wait3A_955 = arith.constant 0 : i32
        %dma_wait3A_956 = arith.constant 0 : i32
        %dma_wait3A_957 = tpu.memref_slice %arg7[%dma_wait3A_950, %dma_wait3A_955, %dma_wait3A_956] : memref<12x1024x768xf32, #tpu.memory_space<hbm>> -> memref<1x32x768xf32, #tpu.memory_space<hbm>>
        %dma_wait3A_958 = tpu.memref_squeeze %dma_wait3A_957 : memref<1x32x768xf32, #tpu.memory_space<hbm>> -> memref<32x768xf32, #tpu.memory_space<hbm>>
        %dma_wait3A_959 = arith.constant 0 : i32
        %dma_wait3A_960 = arith.constant 0 : i32
        %dma_wait3A_961 = tpu.memref_slice %arg7[%dma_wait3A_950, %dma_wait3A_959, %dma_wait3A_960] : memref<12x1024x768xf32, #tpu.memory_space<hbm>> -> memref<1x32x768xf32, #tpu.memory_space<hbm>>
        %dma_wait3A_962 = tpu.memref_squeeze %dma_wait3A_961 : memref<1x32x768xf32, #tpu.memory_space<hbm>> -> memref<32x768xf32, #tpu.memory_space<hbm>>
        %dma_wait3A_963 = arith.constant 0 : i32
        %dma_wait3A_964 = arith.constant 0 : i32
        %dma_wait3A_965 = tpu.memref_slice %arg9[%dma_wait3A_949, %dma_wait3A_963, %dma_wait3A_964] : memref<4x32x768xf32, #tpu.memory_space<vmem>> -> memref<1x32x768xf32, #tpu.memory_space<vmem>>
        %dma_wait3A_966 = tpu.memref_squeeze %dma_wait3A_965 : memref<1x32x768xf32, #tpu.memory_space<vmem>> -> memref<32x768xf32, #tpu.memory_space<vmem>>
        tpu.wait_dma2 semaphore(%arg17 : memref<!tpu.dma_semaphore, #tpu.memory_space<semaphore_mem>>) src(%dma_wait3A_966 : memref<32x768xf32, #tpu.memory_space<vmem>>) dst(%dma_wait3A_962 : memref<32x768xf32, #tpu.memory_space<hbm>>)
        %add3A_967 = arith.constant 4 : i32
        %add3A_968 = arith.addi %add3A_403, %add3A_967 : i32
        %add3A_969 = arith.constant 3 : i32
        %add3A_970 = arith.addi %add3A_968, %add3A_969 : i32
        %lt3A_971 = arith.constant 16 : i32
        %lt3A_972 = arith.cmpi slt, %add3A_970, %lt3A_971 : i32
        %convert_element_type3A_973 = arith.extui %lt3A_972 : i1 to i32
        %cond3A_974 = arith.constant 0 : i32
        %cond3A_975 = arith.cmpi ne, %convert_element_type3A_973, %cond3A_974 : i32
        scf.if %cond3A_975 {
          %mul3A_976 = arith.constant 32 : i32
          %mul3A_977 = arith.muli %add3A_970, %mul3A_976 : i32
          %multiple_of3A_978 = tpu.assume_multiple %mul3A_977, 32 : i32
          %dma_start3A_979 = arith.constant 3 : i32
          %dma_start3A_980 = arith.constant 0 : i32
          %dma_start3A_981 = arith.constant 0 : i32
          %dma_start3A_982 = tpu.memref_slice %arg9[%dma_start3A_979, %dma_start3A_980, %dma_start3A_981] : memref<4x32x768xf32, #tpu.memory_space<vmem>> -> memref<1x32x768xf32, #tpu.memory_space<vmem>>
          %dma_start3A_983 = tpu.memref_squeeze %dma_start3A_982 : memref<1x32x768xf32, #tpu.memory_space<vmem>> -> memref<32x768xf32, #tpu.memory_space<vmem>>
          %dma_start3A_984 = tpu.memref_slice %arg8[%multiple_of3A_978] : memref<544xi32, #tpu.memory_space<vmem>> -> memref<32xi32, #tpu.memory_space<vmem>>
          %dma_start3A_985 = arith.constant 0 : i32
          %dma_start3A_986 = arith.constant 0 : i32
          %dma_start3A_987 = tpu.memref_slice %arg2[%dma_start3A_985, %dma_start3A_986] : memref<512x768xf32, #tpu.memory_space<hbm>> -> memref<512x768xf32, #tpu.memory_space<hbm>>
          tpu.enqueue_indirect_dma source(%dma_start3A_987 : memref<512x768xf32, #tpu.memory_space<hbm>>) target(%dma_start3A_983 : memref<32x768xf32, #tpu.memory_space<vmem>>) offsets(%dma_start3A_984 : memref<32xi32, #tpu.memory_space<vmem>>) semaphore(%arg13 : memref<!tpu.dma_semaphore, #tpu.memory_space<semaphore_mem>>)
        } else {
        }
      }
      %scan3A_61 = arith.constant 4 : i32
      %multiple_of3A_62 = arith.constant 512 : i32
      %multiple_of3A_63 = tpu.assume_multiple %multiple_of3A_62, 32 : i32
      %dma_start3A_64 = arith.constant 0 : i32
      %dma_start3A_65 = arith.constant 0 : i32
      %dma_start3A_66 = arith.constant 0 : i32
      %dma_start3A_67 = tpu.memref_slice %arg9[%dma_start3A_64, %dma_start3A_65, %dma_start3A_66] : memref<4x32x768xf32, #tpu.memory_space<vmem>> -> memref<1x32x768xf32, #tpu.memory_space<vmem>>
      %dma_start3A_68 = tpu.memref_squeeze %dma_start3A_67 : memref<1x32x768xf32, #tpu.memory_space<vmem>> -> memref<32x768xf32, #tpu.memory_space<vmem>>
      %dma_start3A_69 = tpu.memref_slice %arg8[%multiple_of3A_63] : memref<544xi32, #tpu.memory_space<vmem>> -> memref<32xi32, #tpu.memory_space<vmem>>
      %dma_start3A_70 = arith.constant 0 : i32
      %dma_start3A_71 = arith.constant 0 : i32
      %dma_start3A_72 = tpu.memref_slice %arg3[%dma_start3A_70, %dma_start3A_71] : memref<256x768xf32, #tpu.memory_space<hbm>> -> memref<256x768xf32, #tpu.memory_space<hbm>>
      tpu.enqueue_indirect_dma source(%dma_start3A_72 : memref<256x768xf32, #tpu.memory_space<hbm>>) target(%dma_start3A_68 : memref<32x768xf32, #tpu.memory_space<vmem>>) offsets(%dma_start3A_69 : memref<32xi32, #tpu.memory_space<vmem>>) semaphore(%arg10 : memref<!tpu.dma_semaphore, #tpu.memory_space<semaphore_mem>>)
      %dma_wait3A = arith.constant 0 : i32
      %dma_wait3A_73 = arith.constant 0 : i32
      %dma_wait3A_74 = arith.constant 0 : i32
      %dma_wait3A_75 = tpu.memref_slice %arg9[%dma_wait3A, %dma_wait3A_73, %dma_wait3A_74] : memref<4x32x768xf32, #tpu.memory_space<vmem>> -> memref<1x32x768xf32, #tpu.memory_space<vmem>>
      %dma_wait3A_76 = tpu.memref_squeeze %dma_wait3A_75 : memref<1x32x768xf32, #tpu.memory_space<vmem>> -> memref<32x768xf32, #tpu.memory_space<vmem>>
      %dma_wait3A_77 = arith.constant 0 : i32
      %dma_wait3A_78 = tpu.memref_slice %arg8[%dma_wait3A_77] : memref<544xi32, #tpu.memory_space<vmem>> -> memref<32xi32, #tpu.memory_space<vmem>>
      %dma_wait3A_79 = arith.constant 0 : i32
      %dma_wait3A_80 = arith.constant 0 : i32
      %dma_wait3A_81 = tpu.memref_slice %arg2[%dma_wait3A_79, %dma_wait3A_80] : memref<512x768xf32, #tpu.memory_space<hbm>> -> memref<512x768xf32, #tpu.memory_space<hbm>>
      tpu.wait_indirect_dma semaphore(%arg10 : memref<!tpu.dma_semaphore, #tpu.memory_space<semaphore_mem>>) src(%dma_wait3A_81 : memref<512x768xf32, #tpu.memory_space<hbm>>) dst(%dma_wait3A_76 : memref<32x768xf32, #tpu.memory_space<vmem>>)
      %jit3A = arith.constant 4 : i32
      %div3A = arith.divsi %sub3A_7, %jit3A : i32
      %sign3A = arith.constant 0 : i32
      %sign3A_82 = arith.cmpi sgt, %sub3A_7, %sign3A : i32
      %sign3A_83 = arith.extui %sign3A_82 : i1 to i32
      %sign3A_84 = arith.constant 0 : i32
      %sign3A_85 = arith.cmpi slt, %sub3A_7, %sign3A_84 : i32
      %sign3A_86 = arith.extui %sign3A_85 : i1 to i32
      %sign3A_87 = arith.subi %sign3A_83, %sign3A_86 : i32
      %sign3A_88 = arith.constant 0 : i32
      %sign3A_89 = arith.cmpi sgt, %jit3A, %sign3A_88 : i32
      %sign3A_90 = arith.extui %sign3A_89 : i1 to i32
      %sign3A_91 = arith.constant 0 : i32
      %sign3A_92 = arith.cmpi slt, %jit3A, %sign3A_91 : i32
      %sign3A_93 = arith.extui %sign3A_92 : i1 to i32
      %sign3A_94 = arith.subi %sign3A_90, %sign3A_93 : i32
      %ne3A = arith.cmpi ne, %sign3A_87, %sign3A_94 : i32
      %rem3A = arith.remsi %sub3A_7, %jit3A : i32
      %ne3A_95 = arith.constant 0 : i32
      %ne3A_96 = arith.cmpi ne, %rem3A, %ne3A_95 : i32
      %and3A = arith.andi %ne3A, %ne3A_96 : i1
      %sub3A_97 = arith.constant 1 : i32
      %sub3A_98 = arith.subi %div3A, %sub3A_97 : i32
      %select_n3A = arith.select %and3A, %sub3A_98, %div3A : i32
      %add3A_99 = arith.constant 8 : i32
      %add3A_100 = arith.addi %add3A_99, %select_n3A : i32
      %jit3A_101 = arith.constant 4 : i32
      %eq3A = arith.constant 0 : i32
      %eq3A_102 = arith.cmpi eq, %jit3A_101, %eq3A : i32
      %jit3A_103 = arith.constant 1 : i32
      %select_n3A_104 = arith.select %eq3A_102, %jit3A_103, %jit3A_101 : i32
      %rem3A_105 = arith.remsi %sub3A_7, %select_n3A_104 : i32
      %ne3A_106 = arith.constant 0 : i32
      %ne3A_107 = arith.cmpi ne, %rem3A_105, %ne3A_106 : i32
      %lt3A_108 = arith.constant 0 : i32
      %lt3A_109 = arith.cmpi slt, %rem3A_105, %lt3A_108 : i32
      %lt3A_110 = arith.constant 0 : i32
      %lt3A_111 = arith.cmpi slt, %select_n3A_104, %lt3A_110 : i32
      %ne3A_112 = arith.xori %lt3A_109, %lt3A_111 : i1
      %and3A_113 = arith.andi %ne3A_112, %ne3A_107 : i1
      %add3A_114 = arith.addi %rem3A_105, %select_n3A_104 : i32
      %select_n3A_115 = arith.select %and3A_113, %add3A_114, %rem3A_105 : i32
      %mul3A_116 = arith.constant 256 : i32
      %mul3A_117 = arith.muli %select_n3A_115, %mul3A_116 : i32
      %multiple_of3A_118 = tpu.assume_multiple %mul3A_117, 256 : i32
      %add3A_119 = arith.constant 0 : i32
      %add3A_120 = arith.addi %multiple_of3A_118, %add3A_119 : i32
      %dma_start3A_121 = arith.constant 0 : i32
      %dma_start3A_122 = arith.constant 0 : i32
      %dma_start3A_123 = arith.constant 0 : i32
      %dma_start3A_124 = tpu.memref_slice %arg9[%dma_start3A_121, %dma_start3A_122, %dma_start3A_123] : memref<4x32x768xf32, #tpu.memory_space<vmem>> -> memref<1x32x768xf32, #tpu.memory_space<vmem>>
      %dma_start3A_125 = tpu.memref_squeeze %dma_start3A_124 : memref<1x32x768xf32, #tpu.memory_space<vmem>> -> memref<32x768xf32, #tpu.memory_space<vmem>>
      %dma_start3A_126 = arith.constant 0 : i32
      %dma_start3A_127 = tpu.memref_slice %arg7[%add3A_100, %add3A_120, %dma_start3A_126] : memref<12x1024x768xf32, #tpu.memory_space<hbm>> -> memref<1x32x768xf32, #tpu.memory_space<hbm>>
      %dma_start3A_128 = tpu.memref_squeeze %dma_start3A_127 : memref<1x32x768xf32, #tpu.memory_space<hbm>> -> memref<32x768xf32, #tpu.memory_space<hbm>>
      %dma_start3A_129 = arith.constant 0 : i32
      %dma_start3A_130 = tpu.memref_slice %arg7[%add3A_100, %add3A_120, %dma_start3A_129] : memref<12x1024x768xf32, #tpu.memory_space<hbm>> -> memref<1x32x768xf32, #tpu.memory_space<hbm>>
      %dma_start3A_131 = tpu.memref_squeeze %dma_start3A_130 : memref<1x32x768xf32, #tpu.memory_space<hbm>> -> memref<32x768xf32, #tpu.memory_space<hbm>>
      %dma_start3A_132 = arith.constant 0 : i32
      %dma_start3A_133 = arith.constant 0 : i32
      %dma_start3A_134 = tpu.memref_slice %arg9[%dma_start3A_121, %dma_start3A_132, %dma_start3A_133] : memref<4x32x768xf32, #tpu.memory_space<vmem>> -> memref<1x32x768xf32, #tpu.memory_space<vmem>>
      %dma_start3A_135 = tpu.memref_squeeze %dma_start3A_134 : memref<1x32x768xf32, #tpu.memory_space<vmem>> -> memref<32x768xf32, #tpu.memory_space<vmem>>
      tpu.enqueue_dma source(%dma_start3A_135 : memref<32x768xf32, #tpu.memory_space<vmem>>) target(%dma_start3A_131 : memref<32x768xf32, #tpu.memory_space<hbm>>) target_semaphore(%arg14 : memref<!tpu.dma_semaphore, #tpu.memory_space<semaphore_mem>>)
      %add3A_136 = arith.constant 32 : i32
      %add3A_137 = arith.addi %multiple_of3A_118, %add3A_136 : i32
      %dma_start3A_138 = arith.constant 0 : i32
      %dma_start3A_139 = arith.constant 0 : i32
      %dma_start3A_140 = arith.constant 0 : i32
      %dma_start3A_141 = tpu.memref_slice %arg9[%dma_start3A_138, %dma_start3A_139, %dma_start3A_140] : memref<4x32x768xf32, #tpu.memory_space<vmem>> -> memref<1x32x768xf32, #tpu.memory_space<vmem>>
      %dma_start3A_142 = tpu.memref_squeeze %dma_start3A_141 : memref<1x32x768xf32, #tpu.memory_space<vmem>> -> memref<32x768xf32, #tpu.memory_space<vmem>>
      %dma_start3A_143 = arith.constant 0 : i32
      %dma_start3A_144 = tpu.memref_slice %arg7[%add3A_100, %add3A_137, %dma_start3A_143] : memref<12x1024x768xf32, #tpu.memory_space<hbm>> -> memref<1x32x768xf32, #tpu.memory_space<hbm>>
      %dma_start3A_145 = tpu.memref_squeeze %dma_start3A_144 : memref<1x32x768xf32, #tpu.memory_space<hbm>> -> memref<32x768xf32, #tpu.memory_space<hbm>>
      %dma_start3A_146 = arith.constant 0 : i32
      %dma_start3A_147 = tpu.memref_slice %arg7[%add3A_100, %add3A_137, %dma_start3A_146] : memref<12x1024x768xf32, #tpu.memory_space<hbm>> -> memref<1x32x768xf32, #tpu.memory_space<hbm>>
      %dma_start3A_148 = tpu.memref_squeeze %dma_start3A_147 : memref<1x32x768xf32, #tpu.memory_space<hbm>> -> memref<32x768xf32, #tpu.memory_space<hbm>>
      %dma_start3A_149 = arith.constant 0 : i32
      %dma_start3A_150 = arith.constant 0 : i32
      %dma_start3A_151 = tpu.memref_slice %arg9[%dma_start3A_138, %dma_start3A_149, %dma_start3A_150] : memref<4x32x768xf32, #tpu.memory_space<vmem>> -> memref<1x32x768xf32, #tpu.memory_space<vmem>>
      %dma_start3A_152 = tpu.memref_squeeze %dma_start3A_151 : memref<1x32x768xf32, #tpu.memory_space<vmem>> -> memref<32x768xf32, #tpu.memory_space<vmem>>
      tpu.enqueue_dma source(%dma_start3A_152 : memref<32x768xf32, #tpu.memory_space<vmem>>) target(%dma_start3A_148 : memref<32x768xf32, #tpu.memory_space<hbm>>) target_semaphore(%arg14 : memref<!tpu.dma_semaphore, #tpu.memory_space<semaphore_mem>>)
      %add3A_153 = arith.constant 64 : i32
      %add3A_154 = arith.addi %multiple_of3A_118, %add3A_153 : i32
      %dma_start3A_155 = arith.constant 0 : i32
      %dma_start3A_156 = arith.constant 0 : i32
      %dma_start3A_157 = arith.constant 0 : i32
      %dma_start3A_158 = tpu.memref_slice %arg9[%dma_start3A_155, %dma_start3A_156, %dma_start3A_157] : memref<4x32x768xf32, #tpu.memory_space<vmem>> -> memref<1x32x768xf32, #tpu.memory_space<vmem>>
      %dma_start3A_159 = tpu.memref_squeeze %dma_start3A_158 : memref<1x32x768xf32, #tpu.memory_space<vmem>> -> memref<32x768xf32, #tpu.memory_space<vmem>>
      %dma_start3A_160 = arith.constant 0 : i32
      %dma_start3A_161 = tpu.memref_slice %arg7[%add3A_100, %add3A_154, %dma_start3A_160] : memref<12x1024x768xf32, #tpu.memory_space<hbm>> -> memref<1x32x768xf32, #tpu.memory_space<hbm>>
      %dma_start3A_162 = tpu.memref_squeeze %dma_start3A_161 : memref<1x32x768xf32, #tpu.memory_space<hbm>> -> memref<32x768xf32, #tpu.memory_space<hbm>>
      %dma_start3A_163 = arith.constant 0 : i32
      %dma_start3A_164 = tpu.memref_slice %arg7[%add3A_100, %add3A_154, %dma_start3A_163] : memref<12x1024x768xf32, #tpu.memory_space<hbm>> -> memref<1x32x768xf32, #tpu.memory_space<hbm>>
      %dma_start3A_165 = tpu.memref_squeeze %dma_start3A_164 : memref<1x32x768xf32, #tpu.memory_space<hbm>> -> memref<32x768xf32, #tpu.memory_space<hbm>>
      %dma_start3A_166 = arith.constant 0 : i32
      %dma_start3A_167 = arith.constant 0 : i32
      %dma_start3A_168 = tpu.memref_slice %arg9[%dma_start3A_155, %dma_start3A_166, %dma_start3A_167] : memref<4x32x768xf32, #tpu.memory_space<vmem>> -> memref<1x32x768xf32, #tpu.memory_space<vmem>>
      %dma_start3A_169 = tpu.memref_squeeze %dma_start3A_168 : memref<1x32x768xf32, #tpu.memory_space<vmem>> -> memref<32x768xf32, #tpu.memory_space<vmem>>
      tpu.enqueue_dma source(%dma_start3A_169 : memref<32x768xf32, #tpu.memory_space<vmem>>) target(%dma_start3A_165 : memref<32x768xf32, #tpu.memory_space<hbm>>) target_semaphore(%arg14 : memref<!tpu.dma_semaphore, #tpu.memory_space<semaphore_mem>>)
      %add3A_170 = arith.constant 96 : i32
      %add3A_171 = arith.addi %multiple_of3A_118, %add3A_170 : i32
      %dma_start3A_172 = arith.constant 0 : i32
      %dma_start3A_173 = arith.constant 0 : i32
      %dma_start3A_174 = arith.constant 0 : i32
      %dma_start3A_175 = tpu.memref_slice %arg9[%dma_start3A_172, %dma_start3A_173, %dma_start3A_174] : memref<4x32x768xf32, #tpu.memory_space<vmem>> -> memref<1x32x768xf32, #tpu.memory_space<vmem>>
      %dma_start3A_176 = tpu.memref_squeeze %dma_start3A_175 : memref<1x32x768xf32, #tpu.memory_space<vmem>> -> memref<32x768xf32, #tpu.memory_space<vmem>>
      %dma_start3A_177 = arith.constant 0 : i32
      %dma_start3A_178 = tpu.memref_slice %arg7[%add3A_100, %add3A_171, %dma_start3A_177] : memref<12x1024x768xf32, #tpu.memory_space<hbm>> -> memref<1x32x768xf32, #tpu.memory_space<hbm>>
      %dma_start3A_179 = tpu.memref_squeeze %dma_start3A_178 : memref<1x32x768xf32, #tpu.memory_space<hbm>> -> memref<32x768xf32, #tpu.memory_space<hbm>>
      %dma_start3A_180 = arith.constant 0 : i32
      %dma_start3A_181 = tpu.memref_slice %arg7[%add3A_100, %add3A_171, %dma_start3A_180] : memref<12x1024x768xf32, #tpu.memory_space<hbm>> -> memref<1x32x768xf32, #tpu.memory_space<hbm>>
      %dma_start3A_182 = tpu.memref_squeeze %dma_start3A_181 : memref<1x32x768xf32, #tpu.memory_space<hbm>> -> memref<32x768xf32, #tpu.memory_space<hbm>>
      %dma_start3A_183 = arith.constant 0 : i32
      %dma_start3A_184 = arith.constant 0 : i32
      %dma_start3A_185 = tpu.memref_slice %arg9[%dma_start3A_172, %dma_start3A_183, %dma_start3A_184] : memref<4x32x768xf32, #tpu.memory_space<vmem>> -> memref<1x32x768xf32, #tpu.memory_space<vmem>>
      %dma_start3A_186 = tpu.memref_squeeze %dma_start3A_185 : memref<1x32x768xf32, #tpu.memory_space<vmem>> -> memref<32x768xf32, #tpu.memory_space<vmem>>
      tpu.enqueue_dma source(%dma_start3A_186 : memref<32x768xf32, #tpu.memory_space<vmem>>) target(%dma_start3A_182 : memref<32x768xf32, #tpu.memory_space<hbm>>) target_semaphore(%arg14 : memref<!tpu.dma_semaphore, #tpu.memory_space<semaphore_mem>>)
      %add3A_187 = arith.constant 128 : i32
      %add3A_188 = arith.addi %multiple_of3A_118, %add3A_187 : i32
      %dma_start3A_189 = arith.constant 0 : i32
      %dma_start3A_190 = arith.constant 0 : i32
      %dma_start3A_191 = arith.constant 0 : i32
      %dma_start3A_192 = tpu.memref_slice %arg9[%dma_start3A_189, %dma_start3A_190, %dma_start3A_191] : memref<4x32x768xf32, #tpu.memory_space<vmem>> -> memref<1x32x768xf32, #tpu.memory_space<vmem>>
      %dma_start3A_193 = tpu.memref_squeeze %dma_start3A_192 : memref<1x32x768xf32, #tpu.memory_space<vmem>> -> memref<32x768xf32, #tpu.memory_space<vmem>>
      %dma_start3A_194 = arith.constant 0 : i32
      %dma_start3A_195 = tpu.memref_slice %arg7[%add3A_100, %add3A_188, %dma_start3A_194] : memref<12x1024x768xf32, #tpu.memory_space<hbm>> -> memref<1x32x768xf32, #tpu.memory_space<hbm>>
      %dma_start3A_196 = tpu.memref_squeeze %dma_start3A_195 : memref<1x32x768xf32, #tpu.memory_space<hbm>> -> memref<32x768xf32, #tpu.memory_space<hbm>>
      %dma_start3A_197 = arith.constant 0 : i32
      %dma_start3A_198 = tpu.memref_slice %arg7[%add3A_100, %add3A_188, %dma_start3A_197] : memref<12x1024x768xf32, #tpu.memory_space<hbm>> -> memref<1x32x768xf32, #tpu.memory_space<hbm>>
      %dma_start3A_199 = tpu.memref_squeeze %dma_start3A_198 : memref<1x32x768xf32, #tpu.memory_space<hbm>> -> memref<32x768xf32, #tpu.memory_space<hbm>>
      %dma_start3A_200 = arith.constant 0 : i32
      %dma_start3A_201 = arith.constant 0 : i32
      %dma_start3A_202 = tpu.memref_slice %arg9[%dma_start3A_189, %dma_start3A_200, %dma_start3A_201] : memref<4x32x768xf32, #tpu.memory_space<vmem>> -> memref<1x32x768xf32, #tpu.memory_space<vmem>>
      %dma_start3A_203 = tpu.memref_squeeze %dma_start3A_202 : memref<1x32x768xf32, #tpu.memory_space<vmem>> -> memref<32x768xf32, #tpu.memory_space<vmem>>
      tpu.enqueue_dma source(%dma_start3A_203 : memref<32x768xf32, #tpu.memory_space<vmem>>) target(%dma_start3A_199 : memref<32x768xf32, #tpu.memory_space<hbm>>) target_semaphore(%arg14 : memref<!tpu.dma_semaphore, #tpu.memory_space<semaphore_mem>>)
      %add3A_204 = arith.constant 160 : i32
      %add3A_205 = arith.addi %multiple_of3A_118, %add3A_204 : i32
      %dma_start3A_206 = arith.constant 0 : i32
      %dma_start3A_207 = arith.constant 0 : i32
      %dma_start3A_208 = arith.constant 0 : i32
      %dma_start3A_209 = tpu.memref_slice %arg9[%dma_start3A_206, %dma_start3A_207, %dma_start3A_208] : memref<4x32x768xf32, #tpu.memory_space<vmem>> -> memref<1x32x768xf32, #tpu.memory_space<vmem>>
      %dma_start3A_210 = tpu.memref_squeeze %dma_start3A_209 : memref<1x32x768xf32, #tpu.memory_space<vmem>> -> memref<32x768xf32, #tpu.memory_space<vmem>>
      %dma_start3A_211 = arith.constant 0 : i32
      %dma_start3A_212 = tpu.memref_slice %arg7[%add3A_100, %add3A_205, %dma_start3A_211] : memref<12x1024x768xf32, #tpu.memory_space<hbm>> -> memref<1x32x768xf32, #tpu.memory_space<hbm>>
      %dma_start3A_213 = tpu.memref_squeeze %dma_start3A_212 : memref<1x32x768xf32, #tpu.memory_space<hbm>> -> memref<32x768xf32, #tpu.memory_space<hbm>>
      %dma_start3A_214 = arith.constant 0 : i32
      %dma_start3A_215 = tpu.memref_slice %arg7[%add3A_100, %add3A_205, %dma_start3A_214] : memref<12x1024x768xf32, #tpu.memory_space<hbm>> -> memref<1x32x768xf32, #tpu.memory_space<hbm>>
      %dma_start3A_216 = tpu.memref_squeeze %dma_start3A_215 : memref<1x32x768xf32, #tpu.memory_space<hbm>> -> memref<32x768xf32, #tpu.memory_space<hbm>>
      %dma_start3A_217 = arith.constant 0 : i32
      %dma_start3A_218 = arith.constant 0 : i32
      %dma_start3A_219 = tpu.memref_slice %arg9[%dma_start3A_206, %dma_start3A_217, %dma_start3A_218] : memref<4x32x768xf32, #tpu.memory_space<vmem>> -> memref<1x32x768xf32, #tpu.memory_space<vmem>>
      %dma_start3A_220 = tpu.memref_squeeze %dma_start3A_219 : memref<1x32x768xf32, #tpu.memory_space<vmem>> -> memref<32x768xf32, #tpu.memory_space<vmem>>
      tpu.enqueue_dma source(%dma_start3A_220 : memref<32x768xf32, #tpu.memory_space<vmem>>) target(%dma_start3A_216 : memref<32x768xf32, #tpu.memory_space<hbm>>) target_semaphore(%arg14 : memref<!tpu.dma_semaphore, #tpu.memory_space<semaphore_mem>>)
      %add3A_221 = arith.constant 192 : i32
      %add3A_222 = arith.addi %multiple_of3A_118, %add3A_221 : i32
      %dma_start3A_223 = arith.constant 0 : i32
      %dma_start3A_224 = arith.constant 0 : i32
      %dma_start3A_225 = arith.constant 0 : i32
      %dma_start3A_226 = tpu.memref_slice %arg9[%dma_start3A_223, %dma_start3A_224, %dma_start3A_225] : memref<4x32x768xf32, #tpu.memory_space<vmem>> -> memref<1x32x768xf32, #tpu.memory_space<vmem>>
      %dma_start3A_227 = tpu.memref_squeeze %dma_start3A_226 : memref<1x32x768xf32, #tpu.memory_space<vmem>> -> memref<32x768xf32, #tpu.memory_space<vmem>>
      %dma_start3A_228 = arith.constant 0 : i32
      %dma_start3A_229 = tpu.memref_slice %arg7[%add3A_100, %add3A_222, %dma_start3A_228] : memref<12x1024x768xf32, #tpu.memory_space<hbm>> -> memref<1x32x768xf32, #tpu.memory_space<hbm>>
      %dma_start3A_230 = tpu.memref_squeeze %dma_start3A_229 : memref<1x32x768xf32, #tpu.memory_space<hbm>> -> memref<32x768xf32, #tpu.memory_space<hbm>>
      %dma_start3A_231 = arith.constant 0 : i32
      %dma_start3A_232 = tpu.memref_slice %arg7[%add3A_100, %add3A_222, %dma_start3A_231] : memref<12x1024x768xf32, #tpu.memory_space<hbm>> -> memref<1x32x768xf32, #tpu.memory_space<hbm>>
      %dma_start3A_233 = tpu.memref_squeeze %dma_start3A_232 : memref<1x32x768xf32, #tpu.memory_space<hbm>> -> memref<32x768xf32, #tpu.memory_space<hbm>>
      %dma_start3A_234 = arith.constant 0 : i32
      %dma_start3A_235 = arith.constant 0 : i32
      %dma_start3A_236 = tpu.memref_slice %arg9[%dma_start3A_223, %dma_start3A_234, %dma_start3A_235] : memref<4x32x768xf32, #tpu.memory_space<vmem>> -> memref<1x32x768xf32, #tpu.memory_space<vmem>>
      %dma_start3A_237 = tpu.memref_squeeze %dma_start3A_236 : memref<1x32x768xf32, #tpu.memory_space<vmem>> -> memref<32x768xf32, #tpu.memory_space<vmem>>
      tpu.enqueue_dma source(%dma_start3A_237 : memref<32x768xf32, #tpu.memory_space<vmem>>) target(%dma_start3A_233 : memref<32x768xf32, #tpu.memory_space<hbm>>) target_semaphore(%arg14 : memref<!tpu.dma_semaphore, #tpu.memory_space<semaphore_mem>>)
      %add3A_238 = arith.constant 224 : i32
      %add3A_239 = arith.addi %multiple_of3A_118, %add3A_238 : i32
      %dma_start3A_240 = arith.constant 0 : i32
      %dma_start3A_241 = arith.constant 0 : i32
      %dma_start3A_242 = arith.constant 0 : i32
      %dma_start3A_243 = tpu.memref_slice %arg9[%dma_start3A_240, %dma_start3A_241, %dma_start3A_242] : memref<4x32x768xf32, #tpu.memory_space<vmem>> -> memref<1x32x768xf32, #tpu.memory_space<vmem>>
      %dma_start3A_244 = tpu.memref_squeeze %dma_start3A_243 : memref<1x32x768xf32, #tpu.memory_space<vmem>> -> memref<32x768xf32, #tpu.memory_space<vmem>>
      %dma_start3A_245 = arith.constant 0 : i32
      %dma_start3A_246 = tpu.memref_slice %arg7[%add3A_100, %add3A_239, %dma_start3A_245] : memref<12x1024x768xf32, #tpu.memory_space<hbm>> -> memref<1x32x768xf32, #tpu.memory_space<hbm>>
      %dma_start3A_247 = tpu.memref_squeeze %dma_start3A_246 : memref<1x32x768xf32, #tpu.memory_space<hbm>> -> memref<32x768xf32, #tpu.memory_space<hbm>>
      %dma_start3A_248 = arith.constant 0 : i32
      %dma_start3A_249 = tpu.memref_slice %arg7[%add3A_100, %add3A_239, %dma_start3A_248] : memref<12x1024x768xf32, #tpu.memory_space<hbm>> -> memref<1x32x768xf32, #tpu.memory_space<hbm>>
      %dma_start3A_250 = tpu.memref_squeeze %dma_start3A_249 : memref<1x32x768xf32, #tpu.memory_space<hbm>> -> memref<32x768xf32, #tpu.memory_space<hbm>>
      %dma_start3A_251 = arith.constant 0 : i32
      %dma_start3A_252 = arith.constant 0 : i32
      %dma_start3A_253 = tpu.memref_slice %arg9[%dma_start3A_240, %dma_start3A_251, %dma_start3A_252] : memref<4x32x768xf32, #tpu.memory_space<vmem>> -> memref<1x32x768xf32, #tpu.memory_space<vmem>>
      %dma_start3A_254 = tpu.memref_squeeze %dma_start3A_253 : memref<1x32x768xf32, #tpu.memory_space<vmem>> -> memref<32x768xf32, #tpu.memory_space<vmem>>
      tpu.enqueue_dma source(%dma_start3A_254 : memref<32x768xf32, #tpu.memory_space<vmem>>) target(%dma_start3A_250 : memref<32x768xf32, #tpu.memory_space<hbm>>) target_semaphore(%arg14 : memref<!tpu.dma_semaphore, #tpu.memory_space<semaphore_mem>>)
      %dma_wait3A_255 = arith.constant 0 : i32
      %dma_wait3A_256 = arith.constant 0 : i32
      %dma_wait3A_257 = arith.constant 0 : i32
      %dma_wait3A_258 = arith.constant 0 : i32
      %dma_wait3A_259 = tpu.memref_slice %arg9[%dma_wait3A_255, %dma_wait3A_257, %dma_wait3A_258] : memref<4x32x768xf32, #tpu.memory_space<vmem>> -> memref<1x32x768xf32, #tpu.memory_space<vmem>>
      %dma_wait3A_260 = tpu.memref_squeeze %dma_wait3A_259 : memref<1x32x768xf32, #tpu.memory_space<vmem>> -> memref<32x768xf32, #tpu.memory_space<vmem>>
      %dma_wait3A_261 = arith.constant 0 : i32
      %dma_wait3A_262 = arith.constant 0 : i32
      %dma_wait3A_263 = tpu.memref_slice %arg7[%dma_wait3A_256, %dma_wait3A_261, %dma_wait3A_262] : memref<12x1024x768xf32, #tpu.memory_space<hbm>> -> memref<1x32x768xf32, #tpu.memory_space<hbm>>
      %dma_wait3A_264 = tpu.memref_squeeze %dma_wait3A_263 : memref<1x32x768xf32, #tpu.memory_space<hbm>> -> memref<32x768xf32, #tpu.memory_space<hbm>>
      %dma_wait3A_265 = arith.constant 0 : i32
      %dma_wait3A_266 = arith.constant 0 : i32
      %dma_wait3A_267 = tpu.memref_slice %arg7[%dma_wait3A_256, %dma_wait3A_265, %dma_wait3A_266] : memref<12x1024x768xf32, #tpu.memory_space<hbm>> -> memref<1x32x768xf32, #tpu.memory_space<hbm>>
      %dma_wait3A_268 = tpu.memref_squeeze %dma_wait3A_267 : memref<1x32x768xf32, #tpu.memory_space<hbm>> -> memref<32x768xf32, #tpu.memory_space<hbm>>
      %dma_wait3A_269 = arith.constant 0 : i32
      %dma_wait3A_270 = arith.constant 0 : i32
      %dma_wait3A_271 = tpu.memref_slice %arg9[%dma_wait3A_255, %dma_wait3A_269, %dma_wait3A_270] : memref<4x32x768xf32, #tpu.memory_space<vmem>> -> memref<1x32x768xf32, #tpu.memory_space<vmem>>
      %dma_wait3A_272 = tpu.memref_squeeze %dma_wait3A_271 : memref<1x32x768xf32, #tpu.memory_space<vmem>> -> memref<32x768xf32, #tpu.memory_space<vmem>>
      tpu.wait_dma2 semaphore(%arg14 : memref<!tpu.dma_semaphore, #tpu.memory_space<semaphore_mem>>) src(%dma_wait3A_272 : memref<32x768xf32, #tpu.memory_space<vmem>>) dst(%dma_wait3A_268 : memref<32x768xf32, #tpu.memory_space<hbm>>)
      %dma_wait3A_273 = arith.constant 0 : i32
      %dma_wait3A_274 = arith.constant 0 : i32
      %dma_wait3A_275 = arith.constant 0 : i32
      %dma_wait3A_276 = arith.constant 0 : i32
      %dma_wait3A_277 = tpu.memref_slice %arg9[%dma_wait3A_273, %dma_wait3A_275, %dma_wait3A_276] : memref<4x32x768xf32, #tpu.memory_space<vmem>> -> memref<1x32x768xf32, #tpu.memory_space<vmem>>
      %dma_wait3A_278 = tpu.memref_squeeze %dma_wait3A_277 : memref<1x32x768xf32, #tpu.memory_space<vmem>> -> memref<32x768xf32, #tpu.memory_space<vmem>>
      %dma_wait3A_279 = arith.constant 0 : i32
      %dma_wait3A_280 = arith.constant 0 : i32
      %dma_wait3A_281 = tpu.memref_slice %arg7[%dma_wait3A_274, %dma_wait3A_279, %dma_wait3A_280] : memref<12x1024x768xf32, #tpu.memory_space<hbm>> -> memref<1x32x768xf32, #tpu.memory_space<hbm>>
      %dma_wait3A_282 = tpu.memref_squeeze %dma_wait3A_281 : memref<1x32x768xf32, #tpu.memory_space<hbm>> -> memref<32x768xf32, #tpu.memory_space<hbm>>
      %dma_wait3A_283 = arith.constant 0 : i32
      %dma_wait3A_284 = arith.constant 0 : i32
      %dma_wait3A_285 = tpu.memref_slice %arg7[%dma_wait3A_274, %dma_wait3A_283, %dma_wait3A_284] : memref<12x1024x768xf32, #tpu.memory_space<hbm>> -> memref<1x32x768xf32, #tpu.memory_space<hbm>>
      %dma_wait3A_286 = tpu.memref_squeeze %dma_wait3A_285 : memref<1x32x768xf32, #tpu.memory_space<hbm>> -> memref<32x768xf32, #tpu.memory_space<hbm>>
      %dma_wait3A_287 = arith.constant 0 : i32
      %dma_wait3A_288 = arith.constant 0 : i32
      %dma_wait3A_289 = tpu.memref_slice %arg9[%dma_wait3A_273, %dma_wait3A_287, %dma_wait3A_288] : memref<4x32x768xf32, #tpu.memory_space<vmem>> -> memref<1x32x768xf32, #tpu.memory_space<vmem>>
      %dma_wait3A_290 = tpu.memref_squeeze %dma_wait3A_289 : memref<1x32x768xf32, #tpu.memory_space<vmem>> -> memref<32x768xf32, #tpu.memory_space<vmem>>
      tpu.wait_dma2 semaphore(%arg14 : memref<!tpu.dma_semaphore, #tpu.memory_space<semaphore_mem>>) src(%dma_wait3A_290 : memref<32x768xf32, #tpu.memory_space<vmem>>) dst(%dma_wait3A_286 : memref<32x768xf32, #tpu.memory_space<hbm>>)
      %dma_wait3A_291 = arith.constant 0 : i32
      %dma_wait3A_292 = arith.constant 0 : i32
      %dma_wait3A_293 = arith.constant 0 : i32
      %dma_wait3A_294 = arith.constant 0 : i32
      %dma_wait3A_295 = tpu.memref_slice %arg9[%dma_wait3A_291, %dma_wait3A_293, %dma_wait3A_294] : memref<4x32x768xf32, #tpu.memory_space<vmem>> -> memref<1x32x768xf32, #tpu.memory_space<vmem>>
      %dma_wait3A_296 = tpu.memref_squeeze %dma_wait3A_295 : memref<1x32x768xf32, #tpu.memory_space<vmem>> -> memref<32x768xf32, #tpu.memory_space<vmem>>
      %dma_wait3A_297 = arith.constant 0 : i32
      %dma_wait3A_298 = arith.constant 0 : i32
      %dma_wait3A_299 = tpu.memref_slice %arg7[%dma_wait3A_292, %dma_wait3A_297, %dma_wait3A_298] : memref<12x1024x768xf32, #tpu.memory_space<hbm>> -> memref<1x32x768xf32, #tpu.memory_space<hbm>>
      %dma_wait3A_300 = tpu.memref_squeeze %dma_wait3A_299 : memref<1x32x768xf32, #tpu.memory_space<hbm>> -> memref<32x768xf32, #tpu.memory_space<hbm>>
      %dma_wait3A_301 = arith.constant 0 : i32
      %dma_wait3A_302 = arith.constant 0 : i32
      %dma_wait3A_303 = tpu.memref_slice %arg7[%dma_wait3A_292, %dma_wait3A_301, %dma_wait3A_302] : memref<12x1024x768xf32, #tpu.memory_space<hbm>> -> memref<1x32x768xf32, #tpu.memory_space<hbm>>
      %dma_wait3A_304 = tpu.memref_squeeze %dma_wait3A_303 : memref<1x32x768xf32, #tpu.memory_space<hbm>> -> memref<32x768xf32, #tpu.memory_space<hbm>>
      %dma_wait3A_305 = arith.constant 0 : i32
      %dma_wait3A_306 = arith.constant 0 : i32
      %dma_wait3A_307 = tpu.memref_slice %arg9[%dma_wait3A_291, %dma_wait3A_305, %dma_wait3A_306] : memref<4x32x768xf32, #tpu.memory_space<vmem>> -> memref<1x32x768xf32, #tpu.memory_space<vmem>>
      %dma_wait3A_308 = tpu.memref_squeeze %dma_wait3A_307 : memref<1x32x768xf32, #tpu.memory_space<vmem>> -> memref<32x768xf32, #tpu.memory_space<vmem>>
      tpu.wait_dma2 semaphore(%arg14 : memref<!tpu.dma_semaphore, #tpu.memory_space<semaphore_mem>>) src(%dma_wait3A_308 : memref<32x768xf32, #tpu.memory_space<vmem>>) dst(%dma_wait3A_304 : memref<32x768xf32, #tpu.memory_space<hbm>>)
      %dma_wait3A_309 = arith.constant 0 : i32
      %dma_wait3A_310 = arith.constant 0 : i32
      %dma_wait3A_311 = arith.constant 0 : i32
      %dma_wait3A_312 = arith.constant 0 : i32
      %dma_wait3A_313 = tpu.memref_slice %arg9[%dma_wait3A_309, %dma_wait3A_311, %dma_wait3A_312] : memref<4x32x768xf32, #tpu.memory_space<vmem>> -> memref<1x32x768xf32, #tpu.memory_space<vmem>>
      %dma_wait3A_314 = tpu.memref_squeeze %dma_wait3A_313 : memref<1x32x768xf32, #tpu.memory_space<vmem>> -> memref<32x768xf32, #tpu.memory_space<vmem>>
      %dma_wait3A_315 = arith.constant 0 : i32
      %dma_wait3A_316 = arith.constant 0 : i32
      %dma_wait3A_317 = tpu.memref_slice %arg7[%dma_wait3A_310, %dma_wait3A_315, %dma_wait3A_316] : memref<12x1024x768xf32, #tpu.memory_space<hbm>> -> memref<1x32x768xf32, #tpu.memory_space<hbm>>
      %dma_wait3A_318 = tpu.memref_squeeze %dma_wait3A_317 : memref<1x32x768xf32, #tpu.memory_space<hbm>> -> memref<32x768xf32, #tpu.memory_space<hbm>>
      %dma_wait3A_319 = arith.constant 0 : i32
      %dma_wait3A_320 = arith.constant 0 : i32
      %dma_wait3A_321 = tpu.memref_slice %arg7[%dma_wait3A_310, %dma_wait3A_319, %dma_wait3A_320] : memref<12x1024x768xf32, #tpu.memory_space<hbm>> -> memref<1x32x768xf32, #tpu.memory_space<hbm>>
      %dma_wait3A_322 = tpu.memref_squeeze %dma_wait3A_321 : memref<1x32x768xf32, #tpu.memory_space<hbm>> -> memref<32x768xf32, #tpu.memory_space<hbm>>
      %dma_wait3A_323 = arith.constant 0 : i32
      %dma_wait3A_324 = arith.constant 0 : i32
      %dma_wait3A_325 = tpu.memref_slice %arg9[%dma_wait3A_309, %dma_wait3A_323, %dma_wait3A_324] : memref<4x32x768xf32, #tpu.memory_space<vmem>> -> memref<1x32x768xf32, #tpu.memory_space<vmem>>
      %dma_wait3A_326 = tpu.memref_squeeze %dma_wait3A_325 : memref<1x32x768xf32, #tpu.memory_space<vmem>> -> memref<32x768xf32, #tpu.memory_space<vmem>>
      tpu.wait_dma2 semaphore(%arg14 : memref<!tpu.dma_semaphore, #tpu.memory_space<semaphore_mem>>) src(%dma_wait3A_326 : memref<32x768xf32, #tpu.memory_space<vmem>>) dst(%dma_wait3A_322 : memref<32x768xf32, #tpu.memory_space<hbm>>)
      %dma_wait3A_327 = arith.constant 0 : i32
      %dma_wait3A_328 = arith.constant 0 : i32
      %dma_wait3A_329 = arith.constant 0 : i32
      %dma_wait3A_330 = arith.constant 0 : i32
      %dma_wait3A_331 = tpu.memref_slice %arg9[%dma_wait3A_327, %dma_wait3A_329, %dma_wait3A_330] : memref<4x32x768xf32, #tpu.memory_space<vmem>> -> memref<1x32x768xf32, #tpu.memory_space<vmem>>
      %dma_wait3A_332 = tpu.memref_squeeze %dma_wait3A_331 : memref<1x32x768xf32, #tpu.memory_space<vmem>> -> memref<32x768xf32, #tpu.memory_space<vmem>>
      %dma_wait3A_333 = arith.constant 0 : i32
      %dma_wait3A_334 = arith.constant 0 : i32
      %dma_wait3A_335 = tpu.memref_slice %arg7[%dma_wait3A_328, %dma_wait3A_333, %dma_wait3A_334] : memref<12x1024x768xf32, #tpu.memory_space<hbm>> -> memref<1x32x768xf32, #tpu.memory_space<hbm>>
      %dma_wait3A_336 = tpu.memref_squeeze %dma_wait3A_335 : memref<1x32x768xf32, #tpu.memory_space<hbm>> -> memref<32x768xf32, #tpu.memory_space<hbm>>
      %dma_wait3A_337 = arith.constant 0 : i32
      %dma_wait3A_338 = arith.constant 0 : i32
      %dma_wait3A_339 = tpu.memref_slice %arg7[%dma_wait3A_328, %dma_wait3A_337, %dma_wait3A_338] : memref<12x1024x768xf32, #tpu.memory_space<hbm>> -> memref<1x32x768xf32, #tpu.memory_space<hbm>>
      %dma_wait3A_340 = tpu.memref_squeeze %dma_wait3A_339 : memref<1x32x768xf32, #tpu.memory_space<hbm>> -> memref<32x768xf32, #tpu.memory_space<hbm>>
      %dma_wait3A_341 = arith.constant 0 : i32
      %dma_wait3A_342 = arith.constant 0 : i32
      %dma_wait3A_343 = tpu.memref_slice %arg9[%dma_wait3A_327, %dma_wait3A_341, %dma_wait3A_342] : memref<4x32x768xf32, #tpu.memory_space<vmem>> -> memref<1x32x768xf32, #tpu.memory_space<vmem>>
      %dma_wait3A_344 = tpu.memref_squeeze %dma_wait3A_343 : memref<1x32x768xf32, #tpu.memory_space<vmem>> -> memref<32x768xf32, #tpu.memory_space<vmem>>
      tpu.wait_dma2 semaphore(%arg14 : memref<!tpu.dma_semaphore, #tpu.memory_space<semaphore_mem>>) src(%dma_wait3A_344 : memref<32x768xf32, #tpu.memory_space<vmem>>) dst(%dma_wait3A_340 : memref<32x768xf32, #tpu.memory_space<hbm>>)
      %dma_wait3A_345 = arith.constant 0 : i32
      %dma_wait3A_346 = arith.constant 0 : i32
      %dma_wait3A_347 = arith.constant 0 : i32
      %dma_wait3A_348 = arith.constant 0 : i32
      %dma_wait3A_349 = tpu.memref_slice %arg9[%dma_wait3A_345, %dma_wait3A_347, %dma_wait3A_348] : memref<4x32x768xf32, #tpu.memory_space<vmem>> -> memref<1x32x768xf32, #tpu.memory_space<vmem>>
      %dma_wait3A_350 = tpu.memref_squeeze %dma_wait3A_349 : memref<1x32x768xf32, #tpu.memory_space<vmem>> -> memref<32x768xf32, #tpu.memory_space<vmem>>
      %dma_wait3A_351 = arith.constant 0 : i32
      %dma_wait3A_352 = arith.constant 0 : i32
      %dma_wait3A_353 = tpu.memref_slice %arg7[%dma_wait3A_346, %dma_wait3A_351, %dma_wait3A_352] : memref<12x1024x768xf32, #tpu.memory_space<hbm>> -> memref<1x32x768xf32, #tpu.memory_space<hbm>>
      %dma_wait3A_354 = tpu.memref_squeeze %dma_wait3A_353 : memref<1x32x768xf32, #tpu.memory_space<hbm>> -> memref<32x768xf32, #tpu.memory_space<hbm>>
      %dma_wait3A_355 = arith.constant 0 : i32
      %dma_wait3A_356 = arith.constant 0 : i32
      %dma_wait3A_357 = tpu.memref_slice %arg7[%dma_wait3A_346, %dma_wait3A_355, %dma_wait3A_356] : memref<12x1024x768xf32, #tpu.memory_space<hbm>> -> memref<1x32x768xf32, #tpu.memory_space<hbm>>
      %dma_wait3A_358 = tpu.memref_squeeze %dma_wait3A_357 : memref<1x32x768xf32, #tpu.memory_space<hbm>> -> memref<32x768xf32, #tpu.memory_space<hbm>>
      %dma_wait3A_359 = arith.constant 0 : i32
      %dma_wait3A_360 = arith.constant 0 : i32
      %dma_wait3A_361 = tpu.memref_slice %arg9[%dma_wait3A_345, %dma_wait3A_359, %dma_wait3A_360] : memref<4x32x768xf32, #tpu.memory_space<vmem>> -> memref<1x32x768xf32, #tpu.memory_space<vmem>>
      %dma_wait3A_362 = tpu.memref_squeeze %dma_wait3A_361 : memref<1x32x768xf32, #tpu.memory_space<vmem>> -> memref<32x768xf32, #tpu.memory_space<vmem>>
      tpu.wait_dma2 semaphore(%arg14 : memref<!tpu.dma_semaphore, #tpu.memory_space<semaphore_mem>>) src(%dma_wait3A_362 : memref<32x768xf32, #tpu.memory_space<vmem>>) dst(%dma_wait3A_358 : memref<32x768xf32, #tpu.memory_space<hbm>>)
      %dma_wait3A_363 = arith.constant 0 : i32
      %dma_wait3A_364 = arith.constant 0 : i32
      %dma_wait3A_365 = arith.constant 0 : i32
      %dma_wait3A_366 = arith.constant 0 : i32
      %dma_wait3A_367 = tpu.memref_slice %arg9[%dma_wait3A_363, %dma_wait3A_365, %dma_wait3A_366] : memref<4x32x768xf32, #tpu.memory_space<vmem>> -> memref<1x32x768xf32, #tpu.memory_space<vmem>>
      %dma_wait3A_368 = tpu.memref_squeeze %dma_wait3A_367 : memref<1x32x768xf32, #tpu.memory_space<vmem>> -> memref<32x768xf32, #tpu.memory_space<vmem>>
      %dma_wait3A_369 = arith.constant 0 : i32
      %dma_wait3A_370 = arith.constant 0 : i32
      %dma_wait3A_371 = tpu.memref_slice %arg7[%dma_wait3A_364, %dma_wait3A_369, %dma_wait3A_370] : memref<12x1024x768xf32, #tpu.memory_space<hbm>> -> memref<1x32x768xf32, #tpu.memory_space<hbm>>
      %dma_wait3A_372 = tpu.memref_squeeze %dma_wait3A_371 : memref<1x32x768xf32, #tpu.memory_space<hbm>> -> memref<32x768xf32, #tpu.memory_space<hbm>>
      %dma_wait3A_373 = arith.constant 0 : i32
      %dma_wait3A_374 = arith.constant 0 : i32
      %dma_wait3A_375 = tpu.memref_slice %arg7[%dma_wait3A_364, %dma_wait3A_373, %dma_wait3A_374] : memref<12x1024x768xf32, #tpu.memory_space<hbm>> -> memref<1x32x768xf32, #tpu.memory_space<hbm>>
      %dma_wait3A_376 = tpu.memref_squeeze %dma_wait3A_375 : memref<1x32x768xf32, #tpu.memory_space<hbm>> -> memref<32x768xf32, #tpu.memory_space<hbm>>
      %dma_wait3A_377 = arith.constant 0 : i32
      %dma_wait3A_378 = arith.constant 0 : i32
      %dma_wait3A_379 = tpu.memref_slice %arg9[%dma_wait3A_363, %dma_wait3A_377, %dma_wait3A_378] : memref<4x32x768xf32, #tpu.memory_space<vmem>> -> memref<1x32x768xf32, #tpu.memory_space<vmem>>
      %dma_wait3A_380 = tpu.memref_squeeze %dma_wait3A_379 : memref<1x32x768xf32, #tpu.memory_space<vmem>> -> memref<32x768xf32, #tpu.memory_space<vmem>>
      tpu.wait_dma2 semaphore(%arg14 : memref<!tpu.dma_semaphore, #tpu.memory_space<semaphore_mem>>) src(%dma_wait3A_380 : memref<32x768xf32, #tpu.memory_space<vmem>>) dst(%dma_wait3A_376 : memref<32x768xf32, #tpu.memory_space<hbm>>)
      %dma_wait3A_381 = arith.constant 0 : i32
      %dma_wait3A_382 = arith.constant 0 : i32
      %dma_wait3A_383 = arith.constant 0 : i32
      %dma_wait3A_384 = arith.constant 0 : i32
      %dma_wait3A_385 = tpu.memref_slice %arg9[%dma_wait3A_381, %dma_wait3A_383, %dma_wait3A_384] : memref<4x32x768xf32, #tpu.memory_space<vmem>> -> memref<1x32x768xf32, #tpu.memory_space<vmem>>
      %dma_wait3A_386 = tpu.memref_squeeze %dma_wait3A_385 : memref<1x32x768xf32, #tpu.memory_space<vmem>> -> memref<32x768xf32, #tpu.memory_space<vmem>>
      %dma_wait3A_387 = arith.constant 0 : i32
      %dma_wait3A_388 = arith.constant 0 : i32
      %dma_wait3A_389 = tpu.memref_slice %arg7[%dma_wait3A_382, %dma_wait3A_387, %dma_wait3A_388] : memref<12x1024x768xf32, #tpu.memory_space<hbm>> -> memref<1x32x768xf32, #tpu.memory_space<hbm>>
      %dma_wait3A_390 = tpu.memref_squeeze %dma_wait3A_389 : memref<1x32x768xf32, #tpu.memory_space<hbm>> -> memref<32x768xf32, #tpu.memory_space<hbm>>
      %dma_wait3A_391 = arith.constant 0 : i32
      %dma_wait3A_392 = arith.constant 0 : i32
      %dma_wait3A_393 = tpu.memref_slice %arg7[%dma_wait3A_382, %dma_wait3A_391, %dma_wait3A_392] : memref<12x1024x768xf32, #tpu.memory_space<hbm>> -> memref<1x32x768xf32, #tpu.memory_space<hbm>>
      %dma_wait3A_394 = tpu.memref_squeeze %dma_wait3A_393 : memref<1x32x768xf32, #tpu.memory_space<hbm>> -> memref<32x768xf32, #tpu.memory_space<hbm>>
      %dma_wait3A_395 = arith.constant 0 : i32
      %dma_wait3A_396 = arith.constant 0 : i32
      %dma_wait3A_397 = tpu.memref_slice %arg9[%dma_wait3A_381, %dma_wait3A_395, %dma_wait3A_396] : memref<4x32x768xf32, #tpu.memory_space<vmem>> -> memref<1x32x768xf32, #tpu.memory_space<vmem>>
      %dma_wait3A_398 = tpu.memref_squeeze %dma_wait3A_397 : memref<1x32x768xf32, #tpu.memory_space<vmem>> -> memref<32x768xf32, #tpu.memory_space<vmem>>
      tpu.wait_dma2 semaphore(%arg14 : memref<!tpu.dma_semaphore, #tpu.memory_space<semaphore_mem>>) src(%dma_wait3A_398 : memref<32x768xf32, #tpu.memory_space<vmem>>) dst(%dma_wait3A_394 : memref<32x768xf32, #tpu.memory_space<hbm>>)
    } else {
    }
    return
  }
}

module attributes {stable_mosaic.version = 14 : i64} {
  func.func @_routing_body(%arg0: memref<1024x768xf32, #tpu.memory_space<vmem>>, %arg1: memref<64x768xf32, #tpu.memory_space<vmem>>, %arg2: memref<1x64xf32, #tpu.memory_space<vmem>>, %arg3: memref<1024x24xi32, #tpu.memory_space<vmem>>) attributes {dimension_semantics = [], scalar_prefetch = 0 : i64, scratch_operands = 0 : i64, tpu.core_type = #tpu.core_type<tc>} {
    %get3A = arith.constant 0 : index
    %get3A_0 = arith.constant 0 : index
    %get3A_1 = vector.load %arg0[%get3A, %get3A_0] : memref<1024x768xf32, #tpu.memory_space<vmem>>, vector<1024x768xf32>
    %get3A_2 = arith.constant 0 : index
    %get3A_3 = arith.constant 0 : index
    %get3A_4 = vector.load %arg1[%get3A_2, %get3A_3] : memref<64x768xf32, #tpu.memory_space<vmem>>, vector<64x768xf32>
    %get3A_5 = arith.constant 0 : index
    %get3A_6 = arith.constant 0 : index
    %get3A_7 = vector.load %arg2[%get3A_5, %get3A_6] : memref<1x64xf32, #tpu.memory_space<vmem>>, vector<1x64xf32>
    %mul3A = arith.mulf %get3A_4, %get3A_4 : vector<64x768xf32>
    %reduce_sum3A = arith.constant dense<0.000000e+00> : vector<64xf32>
    %reduce_sum3A_8 = vector.multi_reduction <add>, %mul3A, %reduce_sum3A [1] : vector<64x768xf32> to vector<64xf32>
    %broadcast_in_dim3A = vector.shape_cast %reduce_sum3A_8 : vector<64xf32> to vector<64x1xf32>
    %sqrt3A = math.sqrt %broadcast_in_dim3A : vector<64x1xf32>
    %jit3A = arith.constant 9.99999996E-13 : f32
    %max3A = vector.broadcast %jit3A : f32 to vector<64x1xf32>
    %max3A_9 = arith.maximumf %max3A, %sqrt3A : vector<64x1xf32>
    %div3A = vector.broadcast %max3A_9 : vector<64x1xf32> to vector<64x768xf32>
    %div3A_10 = arith.divf %get3A_4, %div3A : vector<64x768xf32>
    %mul3A_11 = arith.mulf %get3A_1, %get3A_1 : vector<1024x768xf32>
    %reduce_sum3A_12 = arith.constant dense<0.000000e+00> : vector<1024xf32>
    %reduce_sum3A_13 = vector.multi_reduction <add>, %mul3A_11, %reduce_sum3A_12 [1] : vector<1024x768xf32> to vector<1024xf32>
    %broadcast_in_dim3A_14 = vector.shape_cast %reduce_sum3A_13 : vector<1024xf32> to vector<1024x1xf32>
    %sqrt3A_15 = math.sqrt %broadcast_in_dim3A_14 : vector<1024x1xf32>
    %jit3A_16 = arith.constant 9.99999996E-13 : f32
    %max3A_17 = vector.broadcast %jit3A_16 : f32 to vector<1024x1xf32>
    %max3A_18 = arith.maximumf %max3A_17, %sqrt3A_15 : vector<1024x1xf32>
    %div3A_19 = vector.broadcast %max3A_18 : vector<1024x1xf32> to vector<1024x768xf32>
    %div3A_20 = arith.divf %get3A_1, %div3A_19 : vector<1024x768xf32>
    %dot_general3A = arith.constant dense<0.000000e+00> : vector<1024x64xf32>
    %dot_general3A_21 = tpu.matmul %div3A_20, %div3A_10, %dot_general3A {dimension_numbers = #tpu.dot_dimension_numbers<[1], [1], [0], [0], [0, 0, 1, 0], [], []>, transpose_lhs_hint = false} : vector<1024x768xf32>, vector<64x768xf32>, vector<1024x64xf32> -> vector<1024x64xf32>
    %sub3A = arith.constant 1.000000e+00 : f32
    %sub3A_22 = vector.broadcast %sub3A : f32 to vector<1024x64xf32>
    %sub3A_23 = arith.subf %sub3A_22, %dot_general3A_21 : vector<1024x64xf32>
    %add3A = arith.constant 1.000000e+00 : f32
    %add3A_24 = vector.broadcast %add3A : f32 to vector<1x64xf32>
    %add3A_25 = arith.addf %get3A_7, %add3A_24 : vector<1x64xf32>
    %mul3A_26 = vector.broadcast %add3A_25 : vector<1x64xf32> to vector<1024x64xf32>
    %mul3A_27 = arith.mulf %sub3A_23, %mul3A_26 : vector<1024x64xf32>
    %iota3A = tpu.iota {dimensions = array<i32: 1>} : vector<1024x64xi32>
    %reduce_min3A = arith.constant dense<0x7F800000> : vector<1024xf32>
    %reduce_min3A_28 = vector.multi_reduction <minimumf>, %mul3A_27, %reduce_min3A [1] : vector<1024x64xf32> to vector<1024xf32>
    %broadcast_in_dim3A_29 = vector.shape_cast %reduce_min3A_28 : vector<1024xf32> to vector<1024x1xf32>
    %eq3A = vector.broadcast %broadcast_in_dim3A_29 : vector<1024x1xf32> to vector<1024x64xf32>
    %eq3A_30 = arith.cmpf oeq, %mul3A_27, %eq3A : vector<1024x64xf32>
    %jit3A_31 = arith.constant 64 : i32
    %broadcast_in_dim3A_32 = vector.broadcast %jit3A_31 : i32 to vector<1024x64xi32>
    %select_n3A = arith.select %eq3A_30, %iota3A, %broadcast_in_dim3A_32 : vector<1024x64xi1>, vector<1024x64xi32>
    %reduce_min3A_33 = arith.constant dense<2147483647> : vector<1024xi32>
    %reduce_min3A_34 = vector.multi_reduction <minsi>, %select_n3A, %reduce_min3A_33 [1] : vector<1024x64xi32> to vector<1024xi32>
    %broadcast_in_dim3A_35 = vector.shape_cast %reduce_min3A_34 : vector<1024xi32> to vector<1024x1xi32>
    %eq3A_36 = vector.broadcast %broadcast_in_dim3A_35 : vector<1024x1xi32> to vector<1024x64xi32>
    %eq3A_37 = arith.cmpi eq, %iota3A, %eq3A_36 : vector<1024x64xi32>
    %jit3A_38 = arith.constant 0x7F800000 : f32
    %broadcast_in_dim3A_39 = vector.broadcast %jit3A_38 : f32 to vector<1024x64xf32>
    %select_n3A_40 = arith.select %eq3A_37, %broadcast_in_dim3A_39, %mul3A_27 : vector<1024x64xi1>, vector<1024x64xf32>
    %reduce_min3A_41 = arith.constant dense<0x7F800000> : vector<1024xf32>
    %reduce_min3A_42 = vector.multi_reduction <minimumf>, %select_n3A_40, %reduce_min3A_41 [1] : vector<1024x64xf32> to vector<1024xf32>
    %broadcast_in_dim3A_43 = vector.shape_cast %reduce_min3A_42 : vector<1024xf32> to vector<1024x1xf32>
    %eq3A_44 = vector.broadcast %broadcast_in_dim3A_43 : vector<1024x1xf32> to vector<1024x64xf32>
    %eq3A_45 = arith.cmpf oeq, %select_n3A_40, %eq3A_44 : vector<1024x64xf32>
    %jit3A_46 = arith.constant 64 : i32
    %broadcast_in_dim3A_47 = vector.broadcast %jit3A_46 : i32 to vector<1024x64xi32>
    %select_n3A_48 = arith.select %eq3A_45, %iota3A, %broadcast_in_dim3A_47 : vector<1024x64xi1>, vector<1024x64xi32>
    %reduce_min3A_49 = arith.constant dense<2147483647> : vector<1024xi32>
    %reduce_min3A_50 = vector.multi_reduction <minsi>, %select_n3A_48, %reduce_min3A_49 [1] : vector<1024x64xi32> to vector<1024xi32>
    %broadcast_in_dim3A_51 = vector.shape_cast %reduce_min3A_50 : vector<1024xi32> to vector<1024x1xi32>
    %iota3A_52 = tpu.iota {dimensions = array<i32: 1>} : vector<1024x24xi32>
    %iota3A_53 = tpu.iota {dimensions = array<i32: 0>} : vector<1024x24xi32>
    %jit3A_54 = arith.constant 12 : i32
    %div3A_55 = vector.broadcast %jit3A_54 : i32 to vector<1024x24xi32>
    %div3A_56 = arith.divsi %iota3A_52, %div3A_55 : vector<1024x24xi32>
    %sign3A = arith.constant 0 : i32
    %sign3A_57 = vector.broadcast %sign3A : i32 to vector<1024x24xi32>
    %sign3A_58 = arith.cmpi sgt, %iota3A_52, %sign3A_57 : vector<1024x24xi32>
    %sign3A_59 = arith.extui %sign3A_58 : vector<1024x24xi1> to vector<1024x24xi32>
    %sign3A_60 = arith.constant 0 : i32
    %sign3A_61 = vector.broadcast %sign3A_60 : i32 to vector<1024x24xi32>
    %sign3A_62 = arith.cmpi slt, %iota3A_52, %sign3A_61 : vector<1024x24xi32>
    %sign3A_63 = arith.extui %sign3A_62 : vector<1024x24xi1> to vector<1024x24xi32>
    %sign3A_64 = arith.subi %sign3A_59, %sign3A_63 : vector<1024x24xi32>
    %sign3A_65 = arith.constant 0 : i32
    %sign3A_66 = arith.cmpi sgt, %jit3A_54, %sign3A_65 : i32
    %sign3A_67 = arith.extui %sign3A_66 : i1 to i32
    %sign3A_68 = arith.constant 0 : i32
    %sign3A_69 = arith.cmpi slt, %jit3A_54, %sign3A_68 : i32
    %sign3A_70 = arith.extui %sign3A_69 : i1 to i32
    %sign3A_71 = arith.subi %sign3A_67, %sign3A_70 : i32
    %ne3A = vector.broadcast %sign3A_71 : i32 to vector<1024x24xi32>
    %ne3A_72 = arith.cmpi ne, %sign3A_64, %ne3A : vector<1024x24xi32>
    %rem3A = vector.broadcast %jit3A_54 : i32 to vector<1024x24xi32>
    %rem3A_73 = arith.remsi %iota3A_52, %rem3A : vector<1024x24xi32>
    %ne3A_74 = arith.constant 0 : i32
    %ne3A_75 = vector.broadcast %ne3A_74 : i32 to vector<1024x24xi32>
    %ne3A_76 = arith.cmpi ne, %rem3A_73, %ne3A_75 : vector<1024x24xi32>
    %and3A = arith.andi %ne3A_72, %ne3A_76 : vector<1024x24xi1>
    %sub3A_77 = arith.constant 1 : i32
    %sub3A_78 = vector.broadcast %sub3A_77 : i32 to vector<1024x24xi32>
    %sub3A_79 = arith.subi %div3A_56, %sub3A_78 : vector<1024x24xi32>
    %select_n3A_80 = arith.select %and3A, %sub3A_79, %div3A_56 : vector<1024x24xi1>, vector<1024x24xi32>
    %jit3A_81 = arith.constant 12 : i32
    %eq3A_82 = arith.constant 0 : i32
    %eq3A_83 = arith.cmpi eq, %jit3A_81, %eq3A_82 : i32
    %jit3A_84 = arith.constant 1 : i32
    %select_n3A_85 = arith.select %eq3A_83, %jit3A_84, %jit3A_81 : i32
    %rem3A_86 = vector.broadcast %select_n3A_85 : i32 to vector<1024x24xi32>
    %rem3A_87 = arith.remsi %iota3A_52, %rem3A_86 : vector<1024x24xi32>
    %ne3A_88 = arith.constant 0 : i32
    %ne3A_89 = vector.broadcast %ne3A_88 : i32 to vector<1024x24xi32>
    %ne3A_90 = arith.cmpi ne, %rem3A_87, %ne3A_89 : vector<1024x24xi32>
    %lt3A = arith.constant 0 : i32
    %lt3A_91 = vector.broadcast %lt3A : i32 to vector<1024x24xi32>
    %lt3A_92 = arith.cmpi slt, %rem3A_87, %lt3A_91 : vector<1024x24xi32>
    %lt3A_93 = arith.constant 0 : i32
    %lt3A_94 = arith.cmpi slt, %select_n3A_85, %lt3A_93 : i32
    %ne3A_95 = vector.broadcast %lt3A_94 : i1 to vector<1024x24xi1>
    %ne3A_96 = vector.broadcast %ne3A_95 : vector<1024x24xi1> to vector<1024x24xi1>
    %ne3A_97 = arith.xori %lt3A_92, %ne3A_96 : vector<1024x24xi1>
    %and3A_98 = arith.andi %ne3A_97, %ne3A_90 : vector<1024x24xi1>
    %add3A_99 = vector.broadcast %select_n3A_85 : i32 to vector<1024x24xi32>
    %add3A_100 = arith.addi %rem3A_87, %add3A_99 : vector<1024x24xi32>
    %select_n3A_101 = arith.select %and3A_98, %add3A_100, %rem3A_87 : vector<1024x24xi1>, vector<1024x24xi32>
    %lt3A_102 = arith.constant 4 : i32
    %lt3A_103 = vector.broadcast %lt3A_102 : i32 to vector<1024x24xi32>
    %lt3A_104 = arith.cmpi slt, %select_n3A_101, %lt3A_103 : vector<1024x24xi32>
    %mul3A_105 = arith.constant 8 : i32
    %mul3A_106 = vector.broadcast %mul3A_105 : i32 to vector<1024x1xi32>
    %mul3A_107 = arith.muli %broadcast_in_dim3A_35, %mul3A_106 : vector<1024x1xi32>
    %mul3A_108 = arith.constant 4 : i32
    %mul3A_109 = vector.broadcast %mul3A_108 : i32 to vector<1024x24xi32>
    %mul3A_110 = arith.muli %select_n3A_80, %mul3A_109 : vector<1024x24xi32>
    %add3A_111 = vector.broadcast %mul3A_107 : vector<1024x1xi32> to vector<1024x24xi32>
    %add3A_112 = arith.addi %add3A_111, %mul3A_110 : vector<1024x24xi32>
    %add3A_113 = arith.addi %add3A_112, %select_n3A_101 : vector<1024x24xi32>
    %mul3A_114 = arith.constant 8 : i32
    %mul3A_115 = vector.broadcast %mul3A_114 : i32 to vector<1024x1xi32>
    %mul3A_116 = arith.muli %broadcast_in_dim3A_51, %mul3A_115 : vector<1024x1xi32>
    %mul3A_117 = arith.constant 4 : i32
    %mul3A_118 = vector.broadcast %mul3A_117 : i32 to vector<1024x24xi32>
    %mul3A_119 = arith.muli %select_n3A_80, %mul3A_118 : vector<1024x24xi32>
    %add3A_120 = vector.broadcast %mul3A_116 : vector<1024x1xi32> to vector<1024x24xi32>
    %add3A_121 = arith.addi %add3A_120, %mul3A_119 : vector<1024x24xi32>
    %sub3A_122 = arith.constant 4 : i32
    %sub3A_123 = vector.broadcast %sub3A_122 : i32 to vector<1024x24xi32>
    %sub3A_124 = arith.subi %select_n3A_101, %sub3A_123 : vector<1024x24xi32>
    %add3A_125 = arith.addi %add3A_121, %sub3A_124 : vector<1024x24xi32>
    %select_n3A_126 = arith.select %lt3A_104, %add3A_113, %add3A_125 : vector<1024x24xi1>, vector<1024x24xi32>
    %jit3A_127 = arith.constant 32 : i32
    %eq3A_128 = arith.constant 0 : i32
    %eq3A_129 = arith.cmpi eq, %jit3A_127, %eq3A_128 : i32
    %jit3A_130 = arith.constant 1 : i32
    %select_n3A_131 = arith.select %eq3A_129, %jit3A_130, %jit3A_127 : i32
    %rem3A_132 = vector.broadcast %select_n3A_131 : i32 to vector<1024x24xi32>
    %rem3A_133 = arith.remsi %iota3A_53, %rem3A_132 : vector<1024x24xi32>
    %ne3A_134 = arith.constant 0 : i32
    %ne3A_135 = vector.broadcast %ne3A_134 : i32 to vector<1024x24xi32>
    %ne3A_136 = arith.cmpi ne, %rem3A_133, %ne3A_135 : vector<1024x24xi32>
    %lt3A_137 = arith.constant 0 : i32
    %lt3A_138 = vector.broadcast %lt3A_137 : i32 to vector<1024x24xi32>
    %lt3A_139 = arith.cmpi slt, %rem3A_133, %lt3A_138 : vector<1024x24xi32>
    %lt3A_140 = arith.constant 0 : i32
    %lt3A_141 = arith.cmpi slt, %select_n3A_131, %lt3A_140 : i32
    %ne3A_142 = vector.broadcast %lt3A_141 : i1 to vector<1024x24xi1>
    %ne3A_143 = vector.broadcast %ne3A_142 : vector<1024x24xi1> to vector<1024x24xi1>
    %ne3A_144 = arith.xori %lt3A_139, %ne3A_143 : vector<1024x24xi1>
    %and3A_145 = arith.andi %ne3A_144, %ne3A_136 : vector<1024x24xi1>
    %add3A_146 = vector.broadcast %select_n3A_131 : i32 to vector<1024x24xi32>
    %add3A_147 = arith.addi %rem3A_133, %add3A_146 : vector<1024x24xi32>
    %select_n3A_148 = arith.select %and3A_145, %add3A_147, %rem3A_133 : vector<1024x24xi1>, vector<1024x24xi32>
    %mul3A_149 = arith.constant 8 : i32
    %mul3A_150 = vector.broadcast %mul3A_149 : i32 to vector<1024x24xi32>
    %mul3A_151 = arith.muli %select_n3A_148, %mul3A_150 : vector<1024x24xi32>
    %mul3A_152 = arith.constant 4 : i32
    %mul3A_153 = vector.broadcast %mul3A_152 : i32 to vector<1024x24xi32>
    %mul3A_154 = arith.muli %select_n3A_80, %mul3A_153 : vector<1024x24xi32>
    %add3A_155 = arith.addi %mul3A_151, %mul3A_154 : vector<1024x24xi32>
    %sub3A_156 = arith.constant 8 : i32
    %sub3A_157 = vector.broadcast %sub3A_156 : i32 to vector<1024x24xi32>
    %sub3A_158 = arith.subi %select_n3A_101, %sub3A_157 : vector<1024x24xi32>
    %add3A_159 = arith.addi %add3A_155, %sub3A_158 : vector<1024x24xi32>
    %lt3A_160 = arith.constant 8 : i32
    %lt3A_161 = vector.broadcast %lt3A_160 : i32 to vector<1024x24xi32>
    %lt3A_162 = arith.cmpi slt, %select_n3A_101, %lt3A_161 : vector<1024x24xi32>
    %select_n3A_163 = arith.select %lt3A_162, %select_n3A_126, %add3A_159 : vector<1024x24xi1>, vector<1024x24xi32>
    %swap3A = arith.constant 0 : index
    %swap3A_164 = arith.constant 0 : index
    %swap3A_165 = vector.load %arg3[%swap3A, %swap3A_164] : memref<1024x24xi32, #tpu.memory_space<vmem>>, vector<1024x24xi32>
    tpu.vector_store %arg3[%swap3A, %swap3A_164], %select_n3A_163 {strides = array<i32>} : memref<1024x24xi32, #tpu.memory_space<vmem>>, vector<1024x24xi32>,
    return
  }
}

</mosaic_0001>

<sc_bundles>
// kernel: kernel.4.cloned.1.call-start
scs
__scs_entry_jumppad:
0x0: {  	(pc) =	sbr.rel $0x88, $3  }
0x1: {  	(tag) =	ssettag $0x0;
	lr =	simm.s32 $0x1  }
0x2: {  	[smem:$0x3F9B] =	sst lr;
	_ =	strace $0xD0000000  }
0x3: {  	_ = 	snop  }
0x4: {  	_ = 	snop  }
0x5: {  	_ = 	snop  }
0x6: {  	_ = 	snop  }
0x7: {  	_ = 	snop  }
__scs_overlays_trampoline_lowered:
0x8: {  	[smem:$0x3FAA] =	sst s0  }
0x9: {  	[smem:$0x3FAB] =	sst s1  }
0xa: {  	[smem:$0x3FAC] =	sst s2  }
0xb: {  	[smem:$0x3FAD] =	sst s3  }
0xc: {  	[smem:$0x3FAE] =	sst s4  }
0xd: {  	[smem:$0x3FAF] =	sst s5  }
0xe: {  	[smem:$0x3FB0] =	sst s6  }
0xf: {  	[smem:$0x3FB1] =	sst s7  }
0x10: {  	[smem:$0x3FB2] =	sst s8  }
0x11: {  	[smem:$0x3FB3] =	sst s9;
	s0 =	simm.s32 @!p0 $0x0  }
0x12: {  	s1 =	sld [smem:$0x3F99];
	s0 =	simm.s32 @p0 $0x1  }
0x13: {  	[smem:$0x3FB4] =	sst s0;
	s0 =	simm.s32 @!p1 $0x0  }
0x14: {  	s2 =	sld [smem:$0x3F98];
	s0 =	simm.s32 @p1 $0x1  }
0x15: {  	[smem:$0x3FB5] =	sst s0;
	s0 =	simm.s32 @!p2 $0x0  }
0x16: {  	s3 =	sld [smem:$0x3FDB];
	s0 =	simm.s32 @p2 $0x1  }
0x17: {  	s4 =	simm.s32 $0x1BF5;
	[smem:$0x3FB7] =	sst s0  }
0x18: {  	s0 =	sld [smem:$0x3F9A];
	_ =	swait.ge [sflag:s4], $0x0  }
0x19: {  	s7 =	sld [smem:$0x3F9B]  }
0x1a: {  	s8 =	sadd.s32 $0xFFFFE003, lr  }
0x1b: {  	s9 =	sadd.s32 $0xFFFFFEF7, lr;
	s5 =	simm.s32 $0xFFFFFFFF;
	p2 =	slt.u32 s8, $0xFFFFF086  }
0x1c: {  	p1 =	slt.u32 s9, $0xF7A;
	s5 =	simm.s32 @!p2 $0x0  }
0x1d: {  	s5 =	simm.s32 @p1 $0x1;
	p0 =	seq.s32 s7, s2  }
0x1e: {  	s7 =	smul.u32 @!p0 $0xF7A, s2;
	p2 =	seq.s32 @!p0 s5, $0x0  }
0x1f: {  	s9 =	smul.u32 $0xF7A, s1;
	s8 =	simm.s32 @!p0 $0x1BF5;
	p2 =	por !p2, p0  }
0x20: {  	[sflag:s8] =	ssyncset.s32 @!p0 $0xFFFFF086;
	s6 =	sadd.s32 @!p0 s3, s7;
	s7 =	simm.s32 @!p0 $0x108  }
0x21: {  	s3 =	sadd.s32 s3, s9;
	s6 =	sadd.s32 @!p0 $0x88, s6;
	s7 =	simm.s32 @p2 $0x1082  }
0x22: {  	[simem:s7], [sflag:s8] =	dma.local @!p0 [hbm:s6], $0xF7A  }
0x23: {  	s9 =	sor.u32 $0xD0000000, s2;
	s6 =	simm.s32 $0x108;
	_ =	swait.ge @!p0 [sflag:s8], $0x0  }
0x24: {  	s3 =	sadd.s32 $0x88, s3;
	s6 =	simm.s32 @!p1 $0x1082;
	[sflag:s4] =	ssyncset.s32 $0xFFFFF086  }
0x25: {  	[simem:s6], [sflag:s4] =	dma.local [hbm:s3], $0xF7A  }
0x26: {  	[smem:$0x3F9B] =	sst s1;
	(tag) =	ssettag s2;
	_ =	strace s9  }
0x27: {  	s1 =	sld [smem:$0x3FAB]  }
0x28: {  	s2 =	sld [smem:$0x3FAC]  }
0x29: {  	s4 =	sld [smem:$0x3FAE]  }
0x2a: {  	p0 =	seq.s32 s5, $0x0;
	s5 =	sld [smem:$0x3FAF]  }
0x2b: {  	s6 =	sld [smem:$0x3FB0]  }
0x2c: {  	s7 =	sld [smem:$0x3FB1]  }
0x2d: {  	s3 =	simm.s32 $0x108;
	s8 =	sld [smem:$0x3FB2]  }
0x2e: {  	s3 =	simm.s32 @!p0 $0x1082;
	s9 =	sld [smem:$0x3FB3]  }
0x2f: {  	lr =	sadd.s32 s0, s3;
	s0 =	sld [smem:$0x3FAA]  }
0x30: {  	s3 =	sld [smem:$0x3FAD]  }
0x31: {  	[smem:$0x3FB6] =	sst s10  }
0x32: {  	s10 =	sld [smem:$0x3FB4];
	_ =	sdelay $0x3  }
0x33: {  	p0 =	seq.s32 s10, $0x1;
	s10 =	sld [smem:$0x3FB6];
	_ =	sdelay $0x3  }
0x34: {  	[smem:$0x3FB6] =	sst s10  }
0x35: {  	s10 =	sld [smem:$0x3FB5];
	_ =	sdelay $0x3  }
0x36: {  	p1 =	seq.s32 s10, $0x1;
	s10 =	sld [smem:$0x3FB6];
	_ =	sdelay $0x3  }
0x37: {  	[smem:$0x3FB6] =	sst s10  }
0x38: {  	s10 =	sld [smem:$0x3FB7]  }
0x39: {  	_ = 	snop;
	(pc) =	sbr.ind lr, $3  }
0x3a: {  	_ = 	snop  }
0x3b: {  	_ = 	snop  }
0x3c: {  	p2 =	seq.s32 s10, $0x1;
	s10 =	sld [smem:$0x3FB6]  }
0x3d: {  	_ =	shalt  }
0x3e: {  	_ =	shalt  }
0x3f: {  	_ =	shalt  }
0x40: {  	_ =	shalt  }
0x41: {  	_ =	shalt  }
0x42: {  	_ =	shalt  }
0x43: {  	_ =	shalt  }
0x44: {  	_ =	shalt  }
0x45: {  	_ =	shalt  }
0x46: {  	_ =	shalt  }
0x47: {  	_ =	shalt  }
0x48: {  	_ =	shalt  }
0x49: {  	_ =	shalt  }
0x4a: {  	_ =	shalt  }
0x4b: {  	_ =	shalt  }
0x4c: {  	_ =	shalt  }
0x4d: {  	_ =	shalt  }
0x4e: {  	_ =	shalt  }
0x4f: {  	_ =	shalt  }
0x50: {  	_ =	shalt  }
0x51: {  	_ =	shalt  }
0x52: {  	_ =	shalt  }
0x53: {  	_ =	shalt  }
0x54: {  	_ =	shalt  }
0x55: {  	_ =	shalt  }
0x56: {  	_ =	shalt  }
0x57: {  	_ =	shalt  }
0x58: {  	_ =	shalt  }
0x59: {  	_ =	shalt  }
0x5a: {  	_ =	shalt  }
0x5b: {  	_ =	shalt  }
0x5c: {  	_ =	shalt  }
0x5d: {  	_ =	shalt  }
0x5e: {  	_ =	shalt  }
0x5f: {  	_ =	shalt  }
0x60: {  	_ =	shalt  }
0x61: {  	_ =	shalt  }
0x62: {  	_ =	shalt  }
0x63: {  	_ =	shalt  }
0x64: {  	_ =	shalt  }
0x65: {  	_ =	shalt  }
0x66: {  	_ =	shalt  }
0x67: {  	_ =	shalt  }
0x68: {  	_ =	shalt  }
0x69: {  	_ =	shalt  }
0x6a: {  	_ =	shalt  }
0x6b: {  	_ =	shalt  }
0x6c: {  	_ =	shalt  }
0x6d: {  	_ =	shalt  }
0x6e: {  	_ =	shalt  }
0x6f: {  	_ =	shalt  }
0x70: {  	_ =	shalt  }
0x71: {  	_ =	shalt  }
0x72: {  	_ =	shalt  }
0x73: {  	_ =	shalt  }
0x74: {  	_ =	shalt  }
0x75: {  	_ =	shalt  }
0x76: {  	_ =	shalt  }
0x77: {  	_ =	shalt  }
0x78: {  	_ =	shalt  }
0x79: {  	_ =	shalt  }
0x7a: {  	_ =	shalt  }
0x7b: {  	_ =	shalt  }
0x7c: {  	_ =	shalt  }
0x7d: {  	_ =	shalt  }
0x7e: {  	_ =	shalt  }
0x7f: {  	_ =	shalt  }
0x80: {  	_ =	shalt  }
0x81: {  	_ =	shalt  }
0x82: {  	_ =	shalt  }
0x83: {  	_ =	shalt  }
0x84: {  	_ =	shalt  }
0x85: {  	_ =	shalt  }
0x86: {  	_ =	shalt  }
0x87: {  	_ =	shalt  }
.Lfunc_end0:
.L_simem_size_0:
called_computation_lowered:
.L_overlay_start_0:
0x88: {  	s2 =	sld [smem:$0x3FD9]  }
0x89: {  	s3 =	sld [smem:$0x3FFE];
	_ =	sdelay $0x1  }
0x8a: {  	s1 =	srdreg.scid  }
0x8b: {  	s0 =	sand.u32 $0x1, s1  }
0x8c: {  	s14 =	sshll.u32 s0, $0xA;
	s2 =	sadd.s32 s3, s2  }
0x8d: {  	s2 =	sadd.s32 s2, s14  }
0x8e: {  	[smem:$0x3FC2] =	sst s2  }
0x8f: {  	_ = 	snop  }
0x90: {  	s2 =	sld [smem:$0x3FD0];
	_ =	sdelay $0x2  }
0x91: {  	s4 =	simm.s32 $0xA;
	s5 =	simm.s32 $0x10;
	s15 =	sld [smem:$0x3FC6]  }
0x92: {  	[smem:s5], [sflag:s4] =	dma.local [hbm:s2], $0x1  }
0x93: {  	_ =	swait.eq [sflag:s4], $0x1  }
0x94: {  	s16 =	sld [smem:$0x10];
	[sflag:s4] =	ssyncset.done $0x0  }
0x95: {  	s17 =	sld [smem:$0x11];
	[sflag:s4] =	ssyncadd.s32 $0xFFFFFFFF  }
0x96: {  	s18 =	sld [smem:$0x12];
	(tm) =	ssettm $0x1  }
0x97: {  	s6 =	sld [smem:$0x3FFB];
	_ =	sdelay $0x3  }
0x98: {  	_ =	strace s6  }
0x99: {  	s6 =	sld [smem:$0x3FFC];
	_ =	sdelay $0x3  }
0x9a: {  	_ =	strace s6  }
0x9b: {  	s6 =	sld [smem:$0x3FFD];
	_ =	sdelay $0x3  }
0x9c: {  	_ =	strace s6  }
0x9d: {  	_ =	strace $0x8FFFFFFF  }
0x9e: {  	s19 =	sld [smem:$0x3FDB];
	_ =	sdelay $0x1  }
0x9f: {  	s7 =	simm.s32 $_scs_section_size  }
0xa0: {  	s8 =	simm.s32 $_size__tile_overlayer_lowered;
	s9 =	simm.s32 $_tile_overlayer_lowered  }
0xa1: {  	s22 =	simm.s32 $0x1BFF;
	s21 =	sshll.u32 s9, $0x1;
	s6 =	sadd.s32 s7, s19  }
0xa2: {  	s10 =	simm.s32 $0x0;
	s20 =	sshll.u32 s8, $0x1;
	s8 =	sadd.s32 s21, s6  }
0xa3: {  	[timem:s10], [sflag:s22] =	dma.local [hbm:s8], s20  }
0xa4: {  	_ =	swait.ge [sflag:s22], s20  }
0xa5: {  	s7 =	ssub.s32 $0x0, s20;
	[sflag:s22] =	ssyncset.done $0x0  }
0xa6: {  	[sflag:s22] =	ssyncadd.s32 s7;
	_ =	sdelay $0x1  }
0xa7: {  	s23 =	simm.s32 $0x1B8B  }
0xa8: {  	_ =	swait.ge [sflag:s23], $0x1  }
0xa9: {  	[sflag:s23] =	ssyncset.done $0x0  }
0xaa: {  	s25 =	simm.s32 $0x1B8E;
	s24 =	sld [smem:$0x3FFE];
	[sflag:s23] =	ssyncadd.s32 $0xFFFFFFFF  }
0xab: {  	s26 =	simm.s32 $execute0_lowered;
	[smem:$0x3FD2] =	sst s25  }
0xac: {  	s8 =	sshll.u32 s26, $0x1;
	_ =	strace $0x80000046;
	[dreg:$0x1] =	wrdreg $0xFFFFFFFF  }
0xad: {  	s28 =	simm.s32 $_size_execute0_lowered;
	s6 =	sadd.s32 s6, s8;
	[dreg:$0x0] =	wrdreg $0x0  }
0xae: {  	s8 =	sshll.u32 s28, $0x1;
	[dreg:$0x2] =	wrdreg s6  }
0xaf: {  	[dreg:$0x3] =	wrdreg s8  }
0xb0: {  	[dreg:$0x4] =	wrdreg $0xC0  }
0xb1: {  	_ =	task [dreg:s10], $0x5FFFF  }
0xb2: {  	[dreg:$0x1] =	wrdreg $0xFFFFFFFF  }
0xb3: {  	[dreg:$0x0] =	wrdreg $0x60  }
0xb4: {  	[dreg:$0x2] =	wrdreg s15  }
0xb5: {  	[dreg:$0x3] =	wrdreg s18  }
0xb6: {  	[dreg:$0x4] =	wrdreg s24  }
0xb7: {  	[dreg:$0x5] =	wrdreg s16  }
0xb8: {  	[dreg:$0x6] =	wrdreg s17  }
0xb9: {  	[dreg:$0x7] =	wrdreg $0x9  }
0xba: {  	_ =	task.clear_ibuf [dreg:s10], $0x8FFFF;
	_ =	strace $0x90000046  }
0xbb: {  	s29 =	simm.s32 $0x9;
	_ =	strace $0x80000048  }
0xbc: {  	_ =	swait.ge [sflag:s29], $0x1  }
0xbd: {  	[sflag:s29] =	ssyncadd.s32 $0xFFFFFFFF  }
0xbe: {  	_ =	strace $0x90000048  }
0xbf: {  	_ =	sfence  }
0xc0: {  	s30 =	sld [smem:$0x0];
	_ =	sdelay $0x2  }
0xc1: {  	s31 =	sshll.u32 s1, $0xD;
	s1 =	sshrl.u32 s1, $0x2  }
0xc2: {  	s3 =	sand.u32 $0x4000, s31;
	s1 =	sadd.s32 s1, s30  }
0xc3: {  	s0 =	sor.u32 s3, s0;
	s1 =	sshll.u32 s1, $0x11  }
0xc4: {  	s0 =	sor.u32 s1, s0  }
0xc5: {  	s0 =	sadd.s32 $0x8F2B, s0  }
0xc6: {  	[sflag:s0] =	ssyncadd.remote.s32 $0x1  }
0xc7: {  	_ =	sfence.sel $0xFFFF  }
0xc8: {  	[dreg:$0x0] =	wrdreg $0xFFFFFFFF;
	(pc) =	sbr.abs _section_cstart, $3  }
0xc9: {  	[dreg:$0x1] =	wrdreg $0xFFFFFFFF  }
0xca: {  	_ =	task.clear_ibuf [dreg:s10], $0x2FFFF;
	_ =	strace $0x9FFFFFFF  }
0xcb: {  	(tm) =	ssettm $0x7FFFFFFF  }
tec
execute0_lowered:
.L_overlay_start_1:
0x0: {  	(tag) =	ssettag $0x1  }
0x1: {  	s1 =	rddreg [dreg:$0x0]  }
0x2: {  	s16 =	rddreg [dreg:$0x1]  }
0x3: {  	s0 =	rddreg [dreg:$0x2]  }
0x4: {  	s4 =	rddreg [dreg:$0x3]  }
0x5: {  	s5 =	rddreg [dreg:$0x4]  }
0x6: {  	s2 =	srdreg.scid;
	s17 =	stileid.u32  }
0x7: {  	s6 =	simm.s32 $0x0;
	s29 =	simm.s32 $0xC280;
	s31 =	simm.s32 $0x12280  }
0x8: {  	s28 =	simm.s32 $0x3;
	s2 =	sand.u32 $0x1, s2;
	s3 =	sshll.u32 s17, $0x1  }
0x9: {  	[smem:$0x7FF] =	sst s6;
	s7 =	sadd.s32 $0x1400, s0;
	s0 =	sadd.s32 $0x1A00, s0  }
0xa: {  	s3 =	sor.u32 s2, s3;
	_ =	strace $0x80000047;
	s9 =	ssub.s32 $0x2, s2  }
0xb: {  	s2 =	sshll.u32 s2, $0x6;
	s8 =	sadd.s32 $0xFFFFFFF0, s3;
	s12 =	sshll.u32 s3, $0x5  }
0xc: {  	s20 =	sand.u32 $0x3, s3;
	s3 =	sshll.u32 s3, $0x6;
	[dreg:$0x13] =	wrdreg s2  }
0xd: {  	s10 =	sshll.u32 s8, $0x6;
	s11 =	sshrl.u32 s8, $0x2;
	s13 =	sshll.u32 s8, $0x5  }
0xe: {  	s14 =	sand.u32 $0x60, s12;
	s12 =	sadd.s32 s12, s7;
	s10 =	sand.u32 $0x1FFFFFC0, s10  }
0xf: {  	s3 =	sadd.s32 s7, s3;
	s11 =	smul.u32 $0xC0000, s11;
	s13 =	sand.u32 $0x1FFFFFE0, s13  }
0x10: {  	s14 =	smul.u32 $0x1800, s14;
	[dreg:$0x11] =	wrdreg s3;
	s26 =	sadd.s32 s0, s10  }
0x11: {  	s0 =	sadd.s32 s0, s13;
	s10 =	sshrl.u32 s8, $0x1;
	s8 =	sshll.u32 s8, $0x1  }
0x12: {  	[dreg:$0x6] =	wrdreg s26;
	s0 =	sadd.s32 $0x400, s0;
	s13 =	sadd.s32 s14, s11  }
0x13: {  	s8 =	sand.u32 $0x2, s8;
	[dreg:$0x7] =	wrdreg s0;
	s14 =	sshrl.u32 s13, $0x3  }
0x14: {  	[dreg:$0x8] =	wrdreg s8;
	s13 =	sadd.s32 $0x400, s12;
	s0 =	sadd.s32 s5, s14  }
0x15: {  	s30 =	simm.s32 $0x5;
	[dreg:$0x12] =	wrdreg s13;
	s19 =	sadd.s32 $0xC0000, s0  }
0x16: {  	s18 =	sshrl.u32 s17, $0x1;
	s21 =	sadd.s32 $0xC0C00, s0;
	[dreg:$0x9] =	wrdreg s19  }
0x17: {  	s15 =	sshrl.u32 s9, $0x1;
	s22 =	sadd.s32 $0xC1800, s0;
	[dreg:$0xa] =	wrdreg s21  }
0x18: {  	s15 =	ssub.s32 s9, s15;
	s23 =	sadd.s32 $0xC2400, s0;
	[dreg:$0xb] =	wrdreg s22  }
0x19: {  	s9 =	smul.u32 $0xC0000, s10;
	s24 =	sadd.s32 $0xC3000, s0;
	[dreg:$0xc] =	wrdreg s23  }
0x1a: {  	s10 =	smul.u32 $0x30000, s20;
	s25 =	sadd.s32 $0xC3C00, s0;
	[dreg:$0xd] =	wrdreg s24  }
0x1b: {  	s8 =	smul.u32 $0xC0000, s18;
	s26 =	sadd.s32 $0xC4800, s0;
	[dreg:$0xe] =	wrdreg s25  }
0x1c: {  	p0 =	sgt.u32 s17, $0x7;
	s0 =	sadd.s32 $0xC5400, s0;
	[dreg:$0xf] =	wrdreg s26  }
0x1d: {  	s11 =	sadd.s32 s10, s8;
	[dreg:$0x10] =	wrdreg s0;
	s24 =	smax.u32 s15, $0x1  }
0x1e: {  	s0 =	sshrl.u32 s11, $0x3;
	s25 =	sadd.s32 $0x100, s16;
	[dreg:$0x1c] =	wrdreg s24  }
0x1f: {  	s26 =	sadd.s32 $0x200, s16;
	s0 =	sadd.s32 s4, s0;
	[dreg:$0x1d] =	wrdreg s25  }
0x20: {  	s3 =	sadd.s32 $0x200, s1;
	[dreg:$0x1e] =	wrdreg s26;
	s14 =	sadd.s32 $0xC0000, s0  }
0x21: {  	s12 =	simm.s32 $0x0;
	s18 =	sadd.s32 $0xC0C00, s0;
	[dreg:$0x14] =	wrdreg s14  }
0x22: {  	s13 =	simm.s32 $0x280;
	s19 =	sadd.s32 $0xC1800, s0;
	[dreg:$0x15] =	wrdreg s18  }
0x23: {  	s11 =	smul.u32 $0xC0000, s17;
	s20 =	sadd.s32 $0xC2400, s0;
	[dreg:$0x16] =	wrdreg s19  }
0x24: {  	s26 =	simm.s32 $0x6280;
	s21 =	sadd.s32 $0xC3000, s0;
	[dreg:$0x17] =	wrdreg s20  }
.Ltmp0:
0x25: {  	s22 =	sadd.s32 $0xC3C00, s0;
	[dreg:$0x18] =	wrdreg s21;
	(pc) =	sbr.rel .LBB2_1-.Ltmp0, $4  }
0x26: {  	s24 =	simm.s32 $0x6;
	s23 =	sadd.s32 $0xC4800, s0;
	[dreg:$0x19] =	wrdreg s22  }
0x27: {  	v2 =	vlaneseq.u32;
	s25 =	simm.s32 $0x8;
	s0 =	sadd.s32 $0xC5400, s0;
	[dreg:$0x1a] =	wrdreg s23  }
0x28: {  	vm0 =	vmmov $0xffff;
	v1 =	vshrl.u32 v2, $0x3;
	[dreg:$0x1b] =	wrdreg s0;
	s0 =	sadd.s32 $0x100, s1;
	s21 =	simm.s32 $0x1  }
0x29: {  	v0 =	vand.u32 $0x7, v2;
	v2 =	vor.u32 $0x8, v2;
	v1 =	vmul.u32 $0x8, v1;
	s22 =	simm.s32 $0x2;
	s23 =	simm.s32 $0x4;
	s14 =	simm.s32 $0x7  }
.LBB2_8:
0x2a: {  	s7 =	rddreg [dreg:$0x9]  }
0x2b: {  	s16 =	rddreg [dreg:$0xa]  }
0x2c: {  	s17 =	rddreg [dreg:$0xb]  }
0x2d: {  	s20 =	rddreg [dreg:$0xc]  }
0x2e: {  	s8 =	rddreg [dreg:$0x10]  }
0x2f: {  	s12 =	rddreg [dreg:$0x1f]  }
0x30: {  	[smem:$0x7FA] =	sst s7  }
0x31: {  	[smem:$0x7FB] =	sst s16  }
0x32: {  	[smem:$0x7FC] =	sst s17  }
0x33: {  	[smem:$0x7FD] =	sst s20  }
0x34: {  	s20 =	rddreg [dreg:$0xd]  }
0x35: {  	s19 =	simm.s32 $0x2280;
	s7 =	rddreg [dreg:$0xe]  }
0x36: {  	s15 =	simm.s32 $0x1A80;
	s2 =	simm.s32 $0x1280;
	s16 =	rddreg [dreg:$0xf]  }
.LBB2_9:
0x37: {  	_ =	swait.ge [sflag:s24], $0x6000  }
0x38: {  	[sflag:s24] =	ssyncset.done $0x0  }
0x39: {  	[sflag:s24] =	ssyncadd.s32 $0xFFFFA000  }
0x3a: {  	_ =	swait.ge [sflag:s14], $0x6000  }
0x3b: {  	[sflag:s14] =	ssyncset.done $0x0  }
0x3c: {  	[sflag:s14] =	ssyncadd.s32 $0xFFFFA000  }
0x3d: {  	_ =	swait.ge [sflag:s25], $0x6000  }
0x3e: {  	[sflag:s25] =	ssyncset.done $0x0  }
0x3f: {  	[sflag:s25] =	ssyncadd.s32 $0xFFFFA000  }
0x40: {  	v3 =	vld [tilespmem:$0x200];
	_ =	sdelay $0x4  }
0x41: {  	v4 =	vshrl.u32 v3, $0x3  }
0x42: {  	v4 =	vmul.u32 $0x30, v4  }
0x43: {  	v3 =	vand.u32 $0x7, v3  }
0x44: {  	v3 =	vor.u32 v3, v4  }
0x45: {  	v4 =	vperm.xlane v3, v0;
	_ =	sdelay $0x1  }
0x46: {  	v4 =	vadd.s32 v1, v4;
	_ =	sdelay $0x3  }
0x47: {  	s17 =	rddreg [dreg:$0x1];
	v3 =	vperm.xlane v3, v2  }
0x48: {  	[tilespmem:s13], [sflag:$0x1] =	stream.indirect_vreg.gather [hbm4b:s17+s6], $0x80, v4, vm0, $0xb8;
	[tilespmem:$0x18280] =	vst v63  }
0x49: {  	s10 =	rddreg [dreg:$0x1d];
	v3 =	vadd.s32 v1, v3  }
0x4a: {  	[tilespmem:s18], [sflag:$0x1] =	stream.indirect_vreg.gather [hbm4b:s10+s6], $0x80, v4, vm0, $0xb8;
	[tilespmem:$0x18280] =	vst v63  }
0x4b: {  	s18 =	rddreg [dreg:$0x1e]  }
0x4c: {  	[tilespmem:s2], [sflag:$0x1] =	stream.indirect_vreg.gather [hbm4b:s18+s6], $0x80, v4, vm0, $0xb8;
	[tilespmem:$0x18280] =	vst v63  }
0x4d: {  	_ = 	snop  }
0x4e: {  	[tilespmem:s15], [sflag:$0x1] =	stream.indirect_vreg.gather [hbm4b:s17+s6], $0x80, v3, vm0, $0xb8;
	[tilespmem:$0x18280] =	vst v63  }
0x4f: {  	_ = 	snop  }
0x50: {  	[tilespmem:s19], [sflag:$0x1] =	stream.indirect_vreg.gather [hbm4b:s10+s6], $0x80, v3, vm0, $0xb8;
	[tilespmem:$0x18280] =	vst v63  }
0x51: {  	s15 =	simm.s32 $0x2A80  }
0x52: {  	[tilespmem:s15], [sflag:$0x1] =	stream.indirect_vreg.gather [hbm4b:s18+s6], $0x80, v3, vm0, $0xb8;
	[tilespmem:$0x18280] =	vst v63  }
0x53: {  	v3 =	vld [tilespmem:$0x210];
	_ =	sdelay $0x4  }
0x54: {  	v63 =	vshrl.u32 v3, $0x3  }
0x55: {  	v4 =	vmul.u32 $0x30, v63  }
0x56: {  	v3 =	vand.u32 $0x7, v3  }
0x57: {  	v3 =	vor.u32 v3, v4  }
0x58: {  	v4 =	vperm.xlane v3, v0;
	_ =	sdelay $0x1  }
0x59: {  	v4 =	vadd.s32 v1, v4;
	_ =	sdelay $0x3  }
0x5a: {  	s19 =	simm.s32 $0x3280;
	v3 =	vperm.xlane v3, v2  }
0x5b: {  	[tilespmem:s19], [sflag:$0x1] =	stream.indirect_vreg.gather [hbm4b:s17+s6], $0x80, v4, vm0, $0xb8;
	[tilespmem:$0x18280] =	vst v63  }
0x5c: {  	s15 =	simm.s32 $0x3A80;
	v3 =	vadd.s32 v1, v3  }
0x5d: {  	[tilespmem:s15], [sflag:$0x1] =	stream.indirect_vreg.gather [hbm4b:s10+s6], $0x80, v4, vm0, $0xb8;
	[tilespmem:$0x18280] =	vst v63  }
0x5e: {  	s19 =	simm.s32 $0x4280  }
0x5f: {  	[tilespmem:s19], [sflag:$0x1] =	stream.indirect_vreg.gather [hbm4b:s18+s6], $0x80, v4, vm0, $0xb8;
	[tilespmem:$0x18280] =	vst v63  }
0x60: {  	s15 =	simm.s32 $0x4A80  }
0x61: {  	[tilespmem:s15], [sflag:$0x1] =	stream.indirect_vreg.gather [hbm4b:s17+s6], $0x80, v3, vm0, $0xb8;
	[tilespmem:$0x18280] =	vst v63  }
0x62: {  	s19 =	simm.s32 $0x5280  }
0x63: {  	[tilespmem:s19], [sflag:$0x1] =	stream.indirect_vreg.gather [hbm4b:s10+s6], $0x80, v3, vm0, $0xb8;
	[tilespmem:$0x18280] =	vst v63  }
0x64: {  	s10 =	simm.s32 $0x5A80  }
0x65: {  	[tilespmem:s10], [sflag:$0x1] =	stream.indirect_vreg.gather [hbm4b:s18+s6], $0x80, v3, vm0, $0xb8;
	[tilespmem:$0x18280] =	vst v63  }
0x66: {  	_ =	swait.ge [sflag:s21], $0x6000  }
0x67: {  	s15 =	sld [smem:$0x7FA]  }
0x68: {  	[sflag:s21] =	ssyncset.done $0x0  }
0x69: {  	s17 =	sld [smem:$0x7FB];
	[sflag:s21] =	ssyncadd.s32 $0xFFFFA000  }
0x6a: {  	[hbm4b:s15+s6] =	stream.linear.scatter [tilespmem:s13], [sflag:$0x5], $0x6000, $0x38;
	[tilespmem:$0x18280] =	vst v63  }
0x6b: {  	s18 =	sld [smem:$0x7FC]  }
0x6c: {  	[hbm4b:s17+s6] =	stream.linear.scatter [tilespmem:s13], [sflag:$0x5], $0x6000, $0x38;
	[tilespmem:$0x18280] =	vst v63  }
0x6d: {  	s19 =	sld [smem:$0x7FD]  }
0x6e: {  	[hbm4b:s18+s6] =	stream.linear.scatter [tilespmem:s13], [sflag:$0x5], $0x6000, $0x38;
	[tilespmem:$0x18280] =	vst v63  }
0x6f: {  	_ = 	snop  }
0x70: {  	[hbm4b:s19+s6] =	stream.linear.scatter [tilespmem:s13], [sflag:$0x5], $0x6000, $0x38;
	[tilespmem:$0x18280] =	vst v63  }
0x71: {  	_ = 	snop  }
0x72: {  	[hbm4b:s20+s6] =	stream.linear.scatter [tilespmem:s13], [sflag:$0x5], $0x6000, $0x38;
	[tilespmem:$0x18280] =	vst v63  }
0x73: {  	_ = 	snop  }
0x74: {  	[hbm4b:s7+s6] =	stream.linear.scatter [tilespmem:s13], [sflag:$0x5], $0x6000, $0x38;
	[tilespmem:$0x18280] =	vst v63  }
0x75: {  	_ = 	snop  }
0x76: {  	[hbm4b:s16+s6] =	stream.linear.scatter [tilespmem:s13], [sflag:$0x5], $0x6000, $0x38;
	[tilespmem:$0x18280] =	vst v63  }
0x77: {  	_ = 	snop  }
0x78: {  	[hbm4b:s8+s6] =	stream.linear.scatter [tilespmem:s13], [sflag:$0x5], $0x6000, $0x38;
	[tilespmem:$0x18280] =	vst v63  }
0x79: {  	_ =	swait.ge [sflag:s30], $0x6000  }
0x7a: {  	[sflag:s30] =	ssyncset.done $0x0  }
0x7b: {  	[sflag:s30] =	ssyncadd.s32 $0xFFFFA000  }
0x7c: {  	_ =	swait.ge [sflag:s30], $0x6000  }
0x7d: {  	[sflag:s30] =	ssyncset.done $0x0  }
0x7e: {  	[sflag:s30] =	ssyncadd.s32 $0xFFFFA000  }
0x7f: {  	_ =	swait.ge [sflag:s30], $0x6000  }
0x80: {  	[sflag:s30] =	ssyncset.done $0x0  }
0x81: {  	[sflag:s30] =	ssyncadd.s32 $0xFFFFA000  }
0x82: {  	_ =	swait.ge [sflag:s30], $0x6000  }
0x83: {  	[sflag:s30] =	ssyncset.done $0x0  }
0x84: {  	[sflag:s30] =	ssyncadd.s32 $0xFFFFA000  }
0x85: {  	_ =	swait.ge [sflag:s30], $0x6000  }
0x86: {  	[sflag:s30] =	ssyncset.done $0x0  }
0x87: {  	[sflag:s30] =	ssyncadd.s32 $0xFFFFA000  }
0x88: {  	_ =	swait.ge [sflag:s30], $0x6000  }
0x89: {  	[sflag:s30] =	ssyncset.done $0x0  }
0x8a: {  	[sflag:s30] =	ssyncadd.s32 $0xFFFFA000  }
0x8b: {  	_ =	swait.ge [sflag:s30], $0x6000  }
0x8c: {  	[sflag:s30] =	ssyncset.done $0x0  }
0x8d: {  	[sflag:s30] =	ssyncadd.s32 $0xFFFFA000  }
0x8e: {  	_ =	swait.ge [sflag:s30], $0x6000  }
0x8f: {  	s12 =	sadd.s32 $0x1, s12;
	s20 =	rddreg [dreg:$0x1c]  }
0x90: {  	p1 =	sne.s32 s12, s20  }
.Ltmp1:
0x91: {  	_ = 	snop;
	(pc) =	sbr.rel @!p1 .LBB2_10-.Ltmp1, $3  }
0x92: {  	_ =	sdelay $0x1  }
0x93: {  	[sflag:s30] =	ssyncset.done $0x0  }
0x94: {  	[sflag:s30] =	ssyncadd.s32 $0xFFFFA000  }
.LBB2_1:
.Ltmp2:
0x95: {  	(pc) =	sbr.rel @p0 .LBB2_6-.Ltmp2, $2  }
0x96: {  	_ =	sdelay $0x2  }
0x97: {  	[dreg:$0x1f] =	wrdreg s12;
	s19 =	simm.s32 $0x0  }
0x98: {  	s2 =	rddreg [dreg:$0x11];
	s7 =	simm.s32 $0x9  }
0x99: {  	[tilespmem:s19], [sflag:$0x9] =	stream.linear.gather [hbm4b:s2+s19], $0x200, $0x38;
	[tilespmem:$0x18280] =	vst v63  }
0x9a: {  	_ =	swait.ge [sflag:s7], $0x200  }
0x9b: {  	[sflag:s7] =	ssyncset.done $0x0  }
0x9c: {  	s8 =	simm.s32 $0x200;
	s20 =	rddreg [dreg:$0x12];
	[sflag:s7] =	ssyncadd.s32 $0xFFFFFE00  }
0x9d: {  	[tilespmem:s8], [sflag:$0x9] =	stream.linear.gather [hbm4b:s20+s19], $0x20, $0x38;
	[tilespmem:$0x18280] =	vst v63  }
0x9e: {  	_ =	swait.ge [sflag:s7], $0x20  }
0x9f: {  	[sflag:s7] =	ssyncset.done $0x0  }
0xa0: {  	[sflag:s7] =	ssyncadd.s32 $0xFFFFFFE0  }
0xa1: {  	v3 =	vld [tilespmem:$0x0];
	_ =	sdelay $0x4  }
0xa2: {  	v4 =	vshrl.u32 v3, $0x3  }
0xa3: {  	v4 =	vmul.u32 $0x30, v4  }
0xa4: {  	v3 =	vand.u32 $0x7, v3  }
0xa5: {  	v3 =	vor.u32 v3, v4  }
0xa6: {  	v4 =	vperm.xlane v3, v0;
	_ =	sdelay $0x1  }
0xa7: {  	v4 =	vadd.s32 v1, v4;
	_ =	sdelay $0x3  }
0xa8: {  	v3 =	vperm.xlane v3, v2  }
0xa9: {  	[tilespmem:s13], [sflag:$0x1] =	stream.indirect_vreg.gather [hbm4b:s1+s19], $0x80, v4, vm0, $0xb8;
	[tilespmem:$0x18280] =	vst v63  }
0xaa: {  	s18 =	simm.s32 $0xA80;
	v3 =	vadd.s32 v1, v3  }
0xab: {  	[tilespmem:s18], [sflag:$0x1] =	stream.indirect_vreg.gather [hbm4b:s0+s19], $0x80, v4, vm0, $0xb8;
	[tilespmem:$0x18280] =	vst v63  }
0xac: {  	s10 =	simm.s32 $0x1280  }
0xad: {  	[tilespmem:s10], [sflag:$0x1] =	stream.indirect_vreg.gather [hbm4b:s3+s19], $0x80, v4, vm0, $0xb8;
	[tilespmem:$0x18280] =	vst v63  }
0xae: {  	s16 =	simm.s32 $0x1A80  }
0xaf: {  	[tilespmem:s16], [sflag:$0x1] =	stream.indirect_vreg.gather [hbm4b:s1+s19], $0x80, v3, vm0, $0xb8;
	[tilespmem:$0x18280] =	vst v63  }
0xb0: {  	s17 =	simm.s32 $0x2280  }
0xb1: {  	[tilespmem:s17], [sflag:$0x1] =	stream.indirect_vreg.gather [hbm4b:s0+s19], $0x80, v3, vm0, $0xb8;
	[tilespmem:$0x18280] =	vst v63  }
0xb2: {  	s7 =	simm.s32 $0x2A80  }
0xb3: {  	[tilespmem:s7], [sflag:$0x1] =	stream.indirect_vreg.gather [hbm4b:s3+s19], $0x80, v3, vm0, $0xb8;
	[tilespmem:$0x18280] =	vst v63  }
0xb4: {  	v3 =	vld [tilespmem:$0x10];
	_ =	sdelay $0x4  }
0xb5: {  	v57 =	vshrl.u32 v3, $0x3  }
0xb6: {  	v4 =	vmul.u32 $0x30, v57  }
0xb7: {  	v3 =	vand.u32 $0x7, v3  }
0xb8: {  	v3 =	vor.u32 v3, v4  }
0xb9: {  	v4 =	vperm.xlane v3, v0;
	_ =	sdelay $0x1  }
0xba: {  	v4 =	vadd.s32 v1, v4;
	_ =	sdelay $0x3  }
0xbb: {  	s8 =	simm.s32 $0x3280;
	v3 =	vperm.xlane v3, v2  }
0xbc: {  	[tilespmem:s8], [sflag:$0x1] =	stream.indirect_vreg.gather [hbm4b:s1+s19], $0x80, v4, vm0, $0xb8;
	[tilespmem:$0x18280] =	vst v63  }
0xbd: {  	s12 =	simm.s32 $0x3A80;
	v3 =	vadd.s32 v1, v3  }
0xbe: {  	[tilespmem:s12], [sflag:$0x1] =	stream.indirect_vreg.gather [hbm4b:s0+s19], $0x80, v4, vm0, $0xb8;
	[tilespmem:$0x18280] =	vst v63  }
0xbf: {  	s15 =	simm.s32 $0x4280  }
0xc0: {  	[tilespmem:s15], [sflag:$0x1] =	stream.indirect_vreg.gather [hbm4b:s3+s19], $0x80, v4, vm0, $0xb8;
	[tilespmem:$0x18280] =	vst v63  }
0xc1: {  	s20 =	simm.s32 $0x4A80  }
0xc2: {  	[tilespmem:s20], [sflag:$0x1] =	stream.indirect_vreg.gather [hbm4b:s1+s19], $0x80, v3, vm0, $0xb8;
	[tilespmem:$0x18280] =	vst v63  }
0xc3: {  	s7 =	simm.s32 $0x5280  }
0xc4: {  	[tilespmem:s7], [sflag:$0x1] =	stream.indirect_vreg.gather [hbm4b:s0+s19], $0x80, v3, vm0, $0xb8;
	[tilespmem:$0x18280] =	vst v63  }
0xc5: {  	s8 =	simm.s32 $0x5A80  }
0xc6: {  	[tilespmem:s8], [sflag:$0x1] =	stream.indirect_vreg.gather [hbm4b:s3+s19], $0x80, v3, vm0, $0xb8;
	[tilespmem:$0x18280] =	vst v63  }
0xc7: {  	v3 =	vld [tilespmem:$0x20];
	_ =	sdelay $0x4  }
0xc8: {  	v58 =	vshrl.u32 v3, $0x3  }
0xc9: {  	v4 =	vmul.u32 $0x30, v58  }
0xca: {  	v3 =	vand.u32 $0x7, v3  }
0xcb: {  	v3 =	vor.u32 v3, v4  }
0xcc: {  	v4 =	vperm.xlane v3, v0;
	_ =	sdelay $0x1  }
0xcd: {  	v4 =	vadd.s32 v1, v4;
	_ =	sdelay $0x3  }
0xce: {  	v3 =	vperm.xlane v3, v2  }
0xcf: {  	[tilespmem:s26], [sflag:$0x2] =	stream.indirect_vreg.gather [hbm4b:s1+s19], $0x80, v4, vm0, $0xb8;
	[tilespmem:$0x18280] =	vst v63  }
0xd0: {  	s12 =	simm.s32 $0x6A80;
	v3 =	vadd.s32 v1, v3  }
0xd1: {  	[tilespmem:s12], [sflag:$0x2] =	stream.indirect_vreg.gather [hbm4b:s0+s19], $0x80, v4, vm0, $0xb8;
	[tilespmem:$0x18280] =	vst v63  }
0xd2: {  	s15 =	simm.s32 $0x7280  }
0xd3: {  	[tilespmem:s15], [sflag:$0x2] =	stream.indirect_vreg.gather [hbm4b:s3+s19], $0x80, v4, vm0, $0xb8;
	[tilespmem:$0x18280] =	vst v63  }
0xd4: {  	s20 =	simm.s32 $0x7A80  }
0xd5: {  	[tilespmem:s20], [sflag:$0x2] =	stream.indirect_vreg.gather [hbm4b:s1+s19], $0x80, v3, vm0, $0xb8;
	[tilespmem:$0x18280] =	vst v63  }
0xd6: {  	s7 =	simm.s32 $0x8280  }
0xd7: {  	[tilespmem:s7], [sflag:$0x2] =	stream.indirect_vreg.gather [hbm4b:s0+s19], $0x80, v3, vm0, $0xb8;
	[tilespmem:$0x18280] =	vst v63  }
0xd8: {  	s8 =	simm.s32 $0x8A80  }
0xd9: {  	[tilespmem:s8], [sflag:$0x2] =	stream.indirect_vreg.gather [hbm4b:s3+s19], $0x80, v3, vm0, $0xb8;
	[tilespmem:$0x18280] =	vst v63  }
0xda: {  	v3 =	vld [tilespmem:$0x30];
	_ =	sdelay $0x4  }
0xdb: {  	v59 =	vshrl.u32 v3, $0x3  }
0xdc: {  	v4 =	vmul.u32 $0x30, v59  }
0xdd: {  	v3 =	vand.u32 $0x7, v3  }
0xde: {  	v3 =	vor.u32 v3, v4  }
0xdf: {  	v4 =	vperm.xlane v3, v0;
	_ =	sdelay $0x1  }
0xe0: {  	v4 =	vadd.s32 v1, v4;
	_ =	sdelay $0x3  }
0xe1: {  	s12 =	simm.s32 $0x9280;
	v3 =	vperm.xlane v3, v2  }
0xe2: {  	[tilespmem:s12], [sflag:$0x2] =	stream.indirect_vreg.gather [hbm4b:s1+s19], $0x80, v4, vm0, $0xb8;
	[tilespmem:$0x18280] =	vst v63  }
0xe3: {  	s15 =	simm.s32 $0x9A80;
	v3 =	vadd.s32 v1, v3  }
0xe4: {  	[tilespmem:s15], [sflag:$0x2] =	stream.indirect_vreg.gather [hbm4b:s0+s19], $0x80, v4, vm0, $0xb8;
	[tilespmem:$0x18280] =	vst v63  }
0xe5: {  	s20 =	simm.s32 $0xA280  }
0xe6: {  	[tilespmem:s20], [sflag:$0x2] =	stream.indirect_vreg.gather [hbm4b:s3+s19], $0x80, v4, vm0, $0xb8;
	[tilespmem:$0x18280] =	vst v63  }
0xe7: {  	s7 =	simm.s32 $0xAA80  }
0xe8: {  	[tilespmem:s7], [sflag:$0x2] =	stream.indirect_vreg.gather [hbm4b:s1+s19], $0x80, v3, vm0, $0xb8;
	[tilespmem:$0x18280] =	vst v63  }
0xe9: {  	s8 =	simm.s32 $0xB280  }
0xea: {  	[tilespmem:s8], [sflag:$0x2] =	stream.indirect_vreg.gather [hbm4b:s0+s19], $0x80, v3, vm0, $0xb8;
	[tilespmem:$0x18280] =	vst v63  }
0xeb: {  	s12 =	simm.s32 $0xBA80  }
0xec: {  	[tilespmem:s12], [sflag:$0x2] =	stream.indirect_vreg.gather [hbm4b:s3+s19], $0x80, v3, vm0, $0xb8;
	[tilespmem:$0x18280] =	vst v63  }
0xed: {  	v3 =	vld [tilespmem:$0x40];
	_ =	sdelay $0x4  }
0xee: {  	v60 =	vshrl.u32 v3, $0x3  }
0xef: {  	v4 =	vmul.u32 $0x30, v60  }
0xf0: {  	v3 =	vand.u32 $0x7, v3  }
0xf1: {  	v3 =	vor.u32 v3, v4  }
0xf2: {  	v4 =	vperm.xlane v3, v0;
	_ =	sdelay $0x1  }
0xf3: {  	v4 =	vadd.s32 v1, v4;
	_ =	sdelay $0x3  }
0xf4: {  	v3 =	vperm.xlane v3, v2  }
0xf5: {  	[tilespmem:s29], [sflag:$0x3] =	stream.indirect_vreg.gather [hbm4b:s1+s19], $0x80, v4, vm0, $0xb8;
	[tilespmem:$0x18280] =	vst v63  }
0xf6: {  	s15 =	simm.s32 $0xCA80;
	v3 =	vadd.s32 v1, v3  }
0xf7: {  	[tilespmem:s15], [sflag:$0x3] =	stream.indirect_vreg.gather [hbm4b:s0+s19], $0x80, v4, vm0, $0xb8;
	[tilespmem:$0x18280] =	vst v63  }
0xf8: {  	s20 =	simm.s32 $0xD280  }
0xf9: {  	[tilespmem:s20], [sflag:$0x3] =	stream.indirect_vreg.gather [hbm4b:s3+s19], $0x80, v4, vm0, $0xb8;
	[tilespmem:$0x18280] =	vst v63  }
0xfa: {  	s7 =	simm.s32 $0xDA80  }
0xfb: {  	[tilespmem:s7], [sflag:$0x3] =	stream.indirect_vreg.gather [hbm4b:s1+s19], $0x80, v3, vm0, $0xb8;
	[tilespmem:$0x18280] =	vst v63  }
0xfc: {  	s8 =	simm.s32 $0xE280  }
0xfd: {  	[tilespmem:s8], [sflag:$0x3] =	stream.indirect_vreg.gather [hbm4b:s0+s19], $0x80, v3, vm0, $0xb8;
	[tilespmem:$0x18280] =	vst v63  }
0xfe: {  	s12 =	simm.s32 $0xEA80  }
0xff: {  	[tilespmem:s12], [sflag:$0x3] =	stream.indirect_vreg.gather [hbm4b:s3+s19], $0x80, v3, vm0, $0xb8;
	[tilespmem:$0x18280] =	vst v63  }
0x100: {  	v3 =	vld [tilespmem:$0x50];
	_ =	sdelay $0x4  }
0x101: {  	v61 =	vshrl.u32 v3, $0x3  }
0x102: {  	v4 =	vmul.u32 $0x30, v61  }
0x103: {  	v3 =	vand.u32 $0x7, v3  }
0x104: {  	v3 =	vor.u32 v3, v4  }
0x105: {  	v4 =	vperm.xlane v3, v0;
	_ =	sdelay $0x1  }
0x106: {  	v4 =	vadd.s32 v1, v4;
	_ =	sdelay $0x3  }
0x107: {  	s15 =	simm.s32 $0xF280;
	v3 =	vperm.xlane v3, v2  }
0x108: {  	[tilespmem:s15], [sflag:$0x3] =	stream.indirect_vreg.gather [hbm4b:s1+s19], $0x80, v4, vm0, $0xb8;
	[tilespmem:$0x18280] =	vst v63  }
0x109: {  	s20 =	simm.s32 $0xFA80;
	v3 =	vadd.s32 v1, v3  }
0x10a: {  	[tilespmem:s20], [sflag:$0x3] =	stream.indirect_vreg.gather [hbm4b:s0+s19], $0x80, v4, vm0, $0xb8;
	[tilespmem:$0x18280] =	vst v63  }
0x10b: {  	s7 =	simm.s32 $0x10280  }
0x10c: {  	[tilespmem:s7], [sflag:$0x3] =	stream.indirect_vreg.gather [hbm4b:s3+s19], $0x80, v4, vm0, $0xb8;
	[tilespmem:$0x18280] =	vst v63  }
0x10d: {  	s8 =	simm.s32 $0x10A80  }
0x10e: {  	[tilespmem:s8], [sflag:$0x3] =	stream.indirect_vreg.gather [hbm4b:s1+s19], $0x80, v3, vm0, $0xb8;
	[tilespmem:$0x18280] =	vst v63  }
0x10f: {  	s12 =	simm.s32 $0x11280  }
0x110: {  	[tilespmem:s12], [sflag:$0x3] =	stream.indirect_vreg.gather [hbm4b:s0+s19], $0x80, v3, vm0, $0xb8;
	[tilespmem:$0x18280] =	vst v63  }
0x111: {  	s15 =	simm.s32 $0x11A80  }
0x112: {  	[tilespmem:s15], [sflag:$0x3] =	stream.indirect_vreg.gather [hbm4b:s3+s19], $0x80, v3, vm0, $0xb8;
	[tilespmem:$0x18280] =	vst v63  }
0x113: {  	v3 =	vld [tilespmem:$0x60];
	_ =	sdelay $0x4  }
0x114: {  	v62 =	vshrl.u32 v3, $0x3  }
0x115: {  	v4 =	vmul.u32 $0x30, v62  }
0x116: {  	v3 =	vand.u32 $0x7, v3  }
0x117: {  	v3 =	vor.u32 v3, v4  }
0x118: {  	v4 =	vperm.xlane v3, v0;
	_ =	sdelay $0x1  }
0x119: {  	v4 =	vadd.s32 v1, v4;
	_ =	sdelay $0x3  }
0x11a: {  	v3 =	vperm.xlane v3, v2  }
0x11b: {  	[tilespmem:s31], [sflag:$0x4] =	stream.indirect_vreg.gather [hbm4b:s1+s19], $0x80, v4, vm0, $0xb8;
	[tilespmem:$0x18280] =	vst v63  }
0x11c: {  	s20 =	simm.s32 $0x12A80;
	v3 =	vadd.s32 v1, v3  }
0x11d: {  	[tilespmem:s20], [sflag:$0x4] =	stream.indirect_vreg.gather [hbm4b:s0+s19], $0x80, v4, vm0, $0xb8;
	[tilespmem:$0x18280] =	vst v63  }
0x11e: {  	s7 =	simm.s32 $0x13280  }
0x11f: {  	[tilespmem:s7], [sflag:$0x4] =	stream.indirect_vreg.gather [hbm4b:s3+s19], $0x80, v4, vm0, $0xb8;
	[tilespmem:$0x18280] =	vst v63  }
0x120: {  	s8 =	simm.s32 $0x13A80  }
0x121: {  	[tilespmem:s8], [sflag:$0x4] =	stream.indirect_vreg.gather [hbm4b:s1+s19], $0x80, v3, vm0, $0xb8;
	[tilespmem:$0x18280] =	vst v63  }
0x122: {  	s12 =	simm.s32 $0x14280  }
0x123: {  	[tilespmem:s12], [sflag:$0x4] =	stream.indirect_vreg.gather [hbm4b:s0+s19], $0x80, v3, vm0, $0xb8;
	[tilespmem:$0x18280] =	vst v63  }
0x124: {  	s15 =	simm.s32 $0x14A80  }
0x125: {  	[tilespmem:s15], [sflag:$0x4] =	stream.indirect_vreg.gather [hbm4b:s3+s19], $0x80, v3, vm0, $0xb8;
	[tilespmem:$0x18280] =	vst v63  }
0x126: {  	v3 =	vld [tilespmem:$0x70];
	_ =	sdelay $0x4  }
0x127: {  	v63 =	vshrl.u32 v3, $0x3  }
0x128: {  	v4 =	vmul.u32 $0x30, v63  }
0x129: {  	v3 =	vand.u32 $0x7, v3  }
0x12a: {  	v3 =	vor.u32 v3, v4  }
0x12b: {  	v4 =	vperm.xlane v3, v0;
	_ =	sdelay $0x1  }
0x12c: {  	v4 =	vadd.s32 v1, v4;
	_ =	sdelay $0x3  }
0x12d: {  	s20 =	simm.s32 $0x15280;
	v3 =	vperm.xlane v3, v2  }
0x12e: {  	[tilespmem:s20], [sflag:$0x4] =	stream.indirect_vreg.gather [hbm4b:s1+s19], $0x80, v4, vm0, $0xb8;
	[tilespmem:$0x18280] =	vst v63  }
0x12f: {  	s7 =	simm.s32 $0x15A80;
	v3 =	vadd.s32 v1, v3  }
0x130: {  	[tilespmem:s7], [sflag:$0x4] =	stream.indirect_vreg.gather [hbm4b:s0+s19], $0x80, v4, vm0, $0xb8;
	[tilespmem:$0x18280] =	vst v63  }
0x131: {  	s8 =	simm.s32 $0x16280  }
0x132: {  	[tilespmem:s8], [sflag:$0x4] =	stream.indirect_vreg.gather [hbm4b:s3+s19], $0x80, v4, vm0, $0xb8;
	[tilespmem:$0x18280] =	vst v63  }
0x133: {  	s12 =	simm.s32 $0x16A80  }
0x134: {  	[tilespmem:s12], [sflag:$0x4] =	stream.indirect_vreg.gather [hbm4b:s1+s19], $0x80, v3, vm0, $0xb8;
	[tilespmem:$0x18280] =	vst v63  }
0x135: {  	s15 =	simm.s32 $0x17280  }
0x136: {  	[tilespmem:s15], [sflag:$0x4] =	stream.indirect_vreg.gather [hbm4b:s0+s19], $0x80, v3, vm0, $0xb8;
	[tilespmem:$0x18280] =	vst v63  }
0x137: {  	s2 =	simm.s32 $0xF0;
	s20 =	simm.s32 $0x17A80;
	s15 =	rddreg [dreg:$0x13]  }
0x138: {  	[tilespmem:s20], [sflag:$0x4] =	stream.indirect_vreg.gather [hbm4b:s3+s19], $0x80, v3, vm0, $0xb8;
	[tilespmem:$0x18280] =	vst v63  }
.LBB2_3:
0x139: {  	s7 =	sand.u32 $0x20, s19  }
0x13a: {  	s8 =	sand.u32 $0x10, s19;
	s7 =	sor.u32 s15, s7  }
0x13b: {  	s7 =	sor.u32 s8, s7  }
0x13c: {  	s8 =	smul.u32 $0x1800, s7;
	_ =	sdelay $0x1  }
0x13d: {  	_ =	swait.ge [sflag:s21], $0x6000;
	s8 =	sadd.s32 s11, s8  }
0x13e: {  	[sflag:s21] =	ssyncset.done $0x0;
	s12 =	sor.u32 $0x4, s7;
	s8 =	sshrl.u32 s8, $0x3  }
0x13f: {  	[sflag:s21] =	ssyncadd.s32 $0xFFFFA000;
	s12 =	smul.u32 $0x1800, s12;
	s8 =	sadd.s32 s4, s8  }
0x140: {  	[hbm4b:s8+s6] =	stream.linear.scatter [tilespmem:s13], [sflag:$0x5], $0x6000, $0x38;
	[tilespmem:$0x18280] =	vst v63  }
0x141: {  	s12 =	sadd.s32 s11, s12;
	_ =	swait.ge [sflag:s22], $0x6000  }
0x142: {  	s20 =	sor.u32 $0x8, s7;
	s8 =	sshrl.u32 s12, $0x3;
	[sflag:s22] =	ssyncset.done $0x0  }
0x143: {  	s12 =	smul.u32 $0x1800, s20;
	s8 =	sadd.s32 s4, s8;
	[sflag:s22] =	ssyncadd.s32 $0xFFFFA000  }
0x144: {  	[hbm4b:s8+s6] =	stream.linear.scatter [tilespmem:s26], [sflag:$0x6], $0x6000, $0x38;
	[tilespmem:$0x18280] =	vst v63  }
0x145: {  	s20 =	sadd.s32 s11, s12;
	_ =	swait.ge [sflag:s28], $0x6000  }
0x146: {  	s7 =	sor.u32 $0xC, s7;
	s8 =	sshrl.u32 s20, $0x3;
	[sflag:s28] =	ssyncset.done $0x0  }
0x147: {  	s7 =	smul.u32 $0x1800, s7;
	s8 =	sadd.s32 s4, s8;
	[sflag:s28] =	ssyncadd.s32 $0xFFFFA000  }
0x148: {  	[hbm4b:s8+s6] =	stream.linear.scatter [tilespmem:s29], [sflag:$0x7], $0x6000, $0x38;
	[tilespmem:$0x18280] =	vst v63  }
0x149: {  	s7 =	sadd.s32 s11, s7;
	_ =	swait.ge [sflag:s23], $0x6000  }
0x14a: {  	p1 =	seq.s32 s19, $0x30;
	s7 =	sshrl.u32 s7, $0x3;
	[sflag:s23] =	ssyncset.done $0x0  }
.Ltmp3:
0x14b: {  	s7 =	sadd.s32 s4, s7;
	[sflag:s23] =	ssyncadd.s32 $0xFFFFA000;
	(pc) =	sbr.rel @p1 .LBB2_4-.Ltmp3, $4  }
0x14c: {  	[hbm4b:s7+s6] =	stream.linear.scatter [tilespmem:s31], [sflag:$0x8], $0x6000, $0x38;
	[tilespmem:$0x18280] =	vst v63  }
0x14d: {  	_ =	swait.ge [sflag:s30], $0x6000  }
0x14e: {  	[sflag:s30] =	ssyncset.done $0x0  }
0x14f: {  	[sflag:s30] =	ssyncadd.s32 $0xFFFFA000  }
0x150: {  	v3 =	vld [tilespmem:s2+$0xFFFFFF90];
	_ =	sdelay $0x4  }
0x151: {  	v4 =	vshrl.u32 v3, $0x3  }
0x152: {  	v4 =	vmul.u32 $0x30, v4  }
0x153: {  	v3 =	vand.u32 $0x7, v3  }
0x154: {  	v3 =	vor.u32 v3, v4  }
0x155: {  	v4 =	vperm.xlane v3, v0;
	_ =	sdelay $0x1  }
0x156: {  	v4 =	vadd.s32 v1, v4;
	_ =	sdelay $0x3  }
0x157: {  	v3 =	vperm.xlane v3, v2  }
0x158: {  	[tilespmem:s13], [sflag:$0x1] =	stream.indirect_vreg.gather [hbm4b:s1+s6], $0x80, v4, vm0, $0xb8;
	[tilespmem:$0x18280] =	vst v63  }
0x159: {  	v3 =	vadd.s32 v1, v3  }
0x15a: {  	[tilespmem:s18], [sflag:$0x1] =	stream.indirect_vreg.gather [hbm4b:s0+s6], $0x80, v4, vm0, $0xb8;
	[tilespmem:$0x18280] =	vst v63  }
0x15b: {  	_ = 	snop  }
0x15c: {  	[tilespmem:s10], [sflag:$0x1] =	stream.indirect_vreg.gather [hbm4b:s3+s6], $0x80, v4, vm0, $0xb8;
	[tilespmem:$0x18280] =	vst v63  }
0x15d: {  	_ = 	snop  }
0x15e: {  	[tilespmem:s16], [sflag:$0x1] =	stream.indirect_vreg.gather [hbm4b:s1+s6], $0x80, v3, vm0, $0xb8;
	[tilespmem:$0x18280] =	vst v63  }
0x15f: {  	_ = 	snop  }
0x160: {  	[tilespmem:s17], [sflag:$0x1] =	stream.indirect_vreg.gather [hbm4b:s0+s6], $0x80, v3, vm0, $0xb8;
	[tilespmem:$0x18280] =	vst v63  }
0x161: {  	s7 =	simm.s32 $0x2A80  }
0x162: {  	[tilespmem:s7], [sflag:$0x1] =	stream.indirect_vreg.gather [hbm4b:s3+s6], $0x80, v3, vm0, $0xb8;
	[tilespmem:$0x18280] =	vst v63  }
0x163: {  	v3 =	vld [tilespmem:s2+$0xFFFFFFA0];
	_ =	sdelay $0x4  }
0x164: {  	v57 =	vshrl.u32 v3, $0x3  }
0x165: {  	v4 =	vmul.u32 $0x30, v57  }
0x166: {  	v3 =	vand.u32 $0x7, v3  }
0x167: {  	v3 =	vor.u32 v3, v4  }
0x168: {  	v4 =	vperm.xlane v3, v0;
	_ =	sdelay $0x1  }
0x169: {  	v4 =	vadd.s32 v1, v4;
	_ =	sdelay $0x3  }
0x16a: {  	s8 =	simm.s32 $0x3280;
	v3 =	vperm.xlane v3, v2  }
0x16b: {  	[tilespmem:s8], [sflag:$0x1] =	stream.indirect_vreg.gather [hbm4b:s1+s6], $0x80, v4, vm0, $0xb8;
	[tilespmem:$0x18280] =	vst v63  }
0x16c: {  	s12 =	simm.s32 $0x3A80;
	v3 =	vadd.s32 v1, v3  }
0x16d: {  	[tilespmem:s12], [sflag:$0x1] =	stream.indirect_vreg.gather [hbm4b:s0+s6], $0x80, v4, vm0, $0xb8;
	[tilespmem:$0x18280] =	vst v63  }
0x16e: {  	s20 =	simm.s32 $0x4280  }
0x16f: {  	[tilespmem:s20], [sflag:$0x1] =	stream.indirect_vreg.gather [hbm4b:s3+s6], $0x80, v4, vm0, $0xb8;
	[tilespmem:$0x18280] =	vst v63  }
0x170: {  	s8 =	simm.s32 $0x4A80  }
0x171: {  	[tilespmem:s8], [sflag:$0x1] =	stream.indirect_vreg.gather [hbm4b:s1+s6], $0x80, v3, vm0, $0xb8;
	[tilespmem:$0x18280] =	vst v63  }
0x172: {  	s12 =	simm.s32 $0x5280  }
0x173: {  	[tilespmem:s12], [sflag:$0x1] =	stream.indirect_vreg.gather [hbm4b:s0+s6], $0x80, v3, vm0, $0xb8;
	[tilespmem:$0x18280] =	vst v63  }
0x174: {  	s20 =	simm.s32 $0x5A80  }
0x175: {  	[tilespmem:s20], [sflag:$0x1] =	stream.indirect_vreg.gather [hbm4b:s3+s6], $0x80, v3, vm0, $0xb8;
	[tilespmem:$0x18280] =	vst v63  }
0x176: {  	_ =	swait.ge [sflag:s24], $0x6000  }
0x177: {  	[sflag:s24] =	ssyncset.done $0x0  }
0x178: {  	[sflag:s24] =	ssyncadd.s32 $0xFFFFA000  }
0x179: {  	v3 =	vld [tilespmem:s2+$0xFFFFFFB0];
	_ =	sdelay $0x4  }
0x17a: {  	v58 =	vshrl.u32 v3, $0x3  }
0x17b: {  	v4 =	vmul.u32 $0x30, v58  }
0x17c: {  	v3 =	vand.u32 $0x7, v3  }
0x17d: {  	v3 =	vor.u32 v3, v4  }
0x17e: {  	v4 =	vperm.xlane v3, v0;
	_ =	sdelay $0x1  }
0x17f: {  	v4 =	vadd.s32 v1, v4;
	_ =	sdelay $0x3  }
0x180: {  	v3 =	vperm.xlane v3, v2  }
0x181: {  	[tilespmem:s26], [sflag:$0x2] =	stream.indirect_vreg.gather [hbm4b:s1+s6], $0x80, v4, vm0, $0xb8;
	[tilespmem:$0x18280] =	vst v63  }
0x182: {  	s8 =	simm.s32 $0x6A80;
	v3 =	vadd.s32 v1, v3  }
0x183: {  	[tilespmem:s8], [sflag:$0x2] =	stream.indirect_vreg.gather [hbm4b:s0+s6], $0x80, v4, vm0, $0xb8;
	[tilespmem:$0x18280] =	vst v63  }
0x184: {  	s12 =	simm.s32 $0x7280  }
0x185: {  	[tilespmem:s12], [sflag:$0x2] =	stream.indirect_vreg.gather [hbm4b:s3+s6], $0x80, v4, vm0, $0xb8;
	[tilespmem:$0x18280] =	vst v63  }
0x186: {  	s20 =	simm.s32 $0x7A80  }
0x187: {  	[tilespmem:s20], [sflag:$0x2] =	stream.indirect_vreg.gather [hbm4b:s1+s6], $0x80, v3, vm0, $0xb8;
	[tilespmem:$0x18280] =	vst v63  }
0x188: {  	s8 =	simm.s32 $0x8280  }
0x189: {  	[tilespmem:s8], [sflag:$0x2] =	stream.indirect_vreg.gather [hbm4b:s0+s6], $0x80, v3, vm0, $0xb8;
	[tilespmem:$0x18280] =	vst v63  }
0x18a: {  	s12 =	simm.s32 $0x8A80  }
0x18b: {  	[tilespmem:s12], [sflag:$0x2] =	stream.indirect_vreg.gather [hbm4b:s3+s6], $0x80, v3, vm0, $0xb8;
	[tilespmem:$0x18280] =	vst v63  }
0x18c: {  	v3 =	vld [tilespmem:s2+$0xFFFFFFC0];
	_ =	sdelay $0x4  }
0x18d: {  	v59 =	vshrl.u32 v3, $0x3  }
0x18e: {  	v4 =	vmul.u32 $0x30, v59  }
0x18f: {  	v3 =	vand.u32 $0x7, v3  }
0x190: {  	v3 =	vor.u32 v3, v4  }
0x191: {  	v4 =	vperm.xlane v3, v0;
	_ =	sdelay $0x1  }
0x192: {  	v4 =	vadd.s32 v1, v4;
	_ =	sdelay $0x3  }
0x193: {  	s20 =	simm.s32 $0x9280;
	v3 =	vperm.xlane v3, v2  }
0x194: {  	[tilespmem:s20], [sflag:$0x2] =	stream.indirect_vreg.gather [hbm4b:s1+s6], $0x80, v4, vm0, $0xb8;
	[tilespmem:$0x18280] =	vst v63  }
0x195: {  	s8 =	simm.s32 $0x9A80;
	v3 =	vadd.s32 v1, v3  }
0x196: {  	[tilespmem:s8], [sflag:$0x2] =	stream.indirect_vreg.gather [hbm4b:s0+s6], $0x80, v4, vm0, $0xb8;
	[tilespmem:$0x18280] =	vst v63  }
0x197: {  	s12 =	simm.s32 $0xA280  }
0x198: {  	[tilespmem:s12], [sflag:$0x2] =	stream.indirect_vreg.gather [hbm4b:s3+s6], $0x80, v4, vm0, $0xb8;
	[tilespmem:$0x18280] =	vst v63  }
0x199: {  	s20 =	simm.s32 $0xAA80  }
0x19a: {  	[tilespmem:s20], [sflag:$0x2] =	stream.indirect_vreg.gather [hbm4b:s1+s6], $0x80, v3, vm0, $0xb8;
	[tilespmem:$0x18280] =	vst v63  }
0x19b: {  	s8 =	simm.s32 $0xB280  }
0x19c: {  	[tilespmem:s8], [sflag:$0x2] =	stream.indirect_vreg.gather [hbm4b:s0+s6], $0x80, v3, vm0, $0xb8;
	[tilespmem:$0x18280] =	vst v63  }
0x19d: {  	s12 =	simm.s32 $0xBA80  }
0x19e: {  	[tilespmem:s12], [sflag:$0x2] =	stream.indirect_vreg.gather [hbm4b:s3+s6], $0x80, v3, vm0, $0xb8;
	[tilespmem:$0x18280] =	vst v63  }
0x19f: {  	_ =	swait.ge [sflag:s14], $0x6000  }
0x1a0: {  	[sflag:s14] =	ssyncset.done $0x0  }
0x1a1: {  	[sflag:s14] =	ssyncadd.s32 $0xFFFFA000  }
0x1a2: {  	v3 =	vld [tilespmem:s2+$0xFFFFFFD0];
	_ =	sdelay $0x4  }
0x1a3: {  	v60 =	vshrl.u32 v3, $0x3  }
0x1a4: {  	v4 =	vmul.u32 $0x30, v60  }
0x1a5: {  	v3 =	vand.u32 $0x7, v3  }
0x1a6: {  	v3 =	vor.u32 v3, v4  }
0x1a7: {  	v4 =	vperm.xlane v3, v0;
	_ =	sdelay $0x1  }
0x1a8: {  	v4 =	vadd.s32 v1, v4;
	_ =	sdelay $0x3  }
0x1a9: {  	v3 =	vperm.xlane v3, v2  }
0x1aa: {  	[tilespmem:s29], [sflag:$0x3] =	stream.indirect_vreg.gather [hbm4b:s1+s6], $0x80, v4, vm0, $0xb8;
	[tilespmem:$0x18280] =	vst v63  }
0x1ab: {  	s20 =	simm.s32 $0xCA80;
	v3 =	vadd.s32 v1, v3  }
0x1ac: {  	[tilespmem:s20], [sflag:$0x3] =	stream.indirect_vreg.gather [hbm4b:s0+s6], $0x80, v4, vm0, $0xb8;
	[tilespmem:$0x18280] =	vst v63  }
0x1ad: {  	s8 =	simm.s32 $0xD280  }
0x1ae: {  	[tilespmem:s8], [sflag:$0x3] =	stream.indirect_vreg.gather [hbm4b:s3+s6], $0x80, v4, vm0, $0xb8;
	[tilespmem:$0x18280] =	vst v63  }
0x1af: {  	s12 =	simm.s32 $0xDA80  }
0x1b0: {  	[tilespmem:s12], [sflag:$0x3] =	stream.indirect_vreg.gather [hbm4b:s1+s6], $0x80, v3, vm0, $0xb8;
	[tilespmem:$0x18280] =	vst v63  }
0x1b1: {  	s20 =	simm.s32 $0xE280  }
0x1b2: {  	[tilespmem:s20], [sflag:$0x3] =	stream.indirect_vreg.gather [hbm4b:s0+s6], $0x80, v3, vm0, $0xb8;
	[tilespmem:$0x18280] =	vst v63  }
0x1b3: {  	s8 =	simm.s32 $0xEA80  }
0x1b4: {  	[tilespmem:s8], [sflag:$0x3] =	stream.indirect_vreg.gather [hbm4b:s3+s6], $0x80, v3, vm0, $0xb8;
	[tilespmem:$0x18280] =	vst v63  }
0x1b5: {  	v3 =	vld [tilespmem:s2+$0xFFFFFFE0];
	_ =	sdelay $0x4  }
0x1b6: {  	v61 =	vshrl.u32 v3, $0x3  }
0x1b7: {  	v4 =	vmul.u32 $0x30, v61  }
0x1b8: {  	v3 =	vand.u32 $0x7, v3  }
0x1b9: {  	v3 =	vor.u32 v3, v4  }
0x1ba: {  	v4 =	vperm.xlane v3, v0;
	_ =	sdelay $0x1  }
0x1bb: {  	v4 =	vadd.s32 v1, v4;
	_ =	sdelay $0x3  }
0x1bc: {  	s12 =	simm.s32 $0xF280;
	v3 =	vperm.xlane v3, v2  }
0x1bd: {  	[tilespmem:s12], [sflag:$0x3] =	stream.indirect_vreg.gather [hbm4b:s1+s6], $0x80, v4, vm0, $0xb8;
	[tilespmem:$0x18280] =	vst v63  }
0x1be: {  	s20 =	simm.s32 $0xFA80;
	v3 =	vadd.s32 v1, v3  }
0x1bf: {  	[tilespmem:s20], [sflag:$0x3] =	stream.indirect_vreg.gather [hbm4b:s0+s6], $0x80, v4, vm0, $0xb8;
	[tilespmem:$0x18280] =	vst v63  }
0x1c0: {  	s8 =	simm.s32 $0x10280  }
0x1c1: {  	[tilespmem:s8], [sflag:$0x3] =	stream.indirect_vreg.gather [hbm4b:s3+s6], $0x80, v4, vm0, $0xb8;
	[tilespmem:$0x18280] =	vst v63  }
0x1c2: {  	s12 =	simm.s32 $0x10A80  }
0x1c3: {  	[tilespmem:s12], [sflag:$0x3] =	stream.indirect_vreg.gather [hbm4b:s1+s6], $0x80, v3, vm0, $0xb8;
	[tilespmem:$0x18280] =	vst v63  }
0x1c4: {  	s20 =	simm.s32 $0x11280  }
0x1c5: {  	[tilespmem:s20], [sflag:$0x3] =	stream.indirect_vreg.gather [hbm4b:s0+s6], $0x80, v3, vm0, $0xb8;
	[tilespmem:$0x18280] =	vst v63  }
0x1c6: {  	s8 =	simm.s32 $0x11A80  }
0x1c7: {  	[tilespmem:s8], [sflag:$0x3] =	stream.indirect_vreg.gather [hbm4b:s3+s6], $0x80, v3, vm0, $0xb8;
	[tilespmem:$0x18280] =	vst v63  }
0x1c8: {  	_ =	swait.ge [sflag:s25], $0x6000  }
0x1c9: {  	[sflag:s25] =	ssyncset.done $0x0  }
0x1ca: {  	[sflag:s25] =	ssyncadd.s32 $0xFFFFA000  }
0x1cb: {  	v3 =	vld [tilespmem:s2+$0xFFFFFFF0];
	_ =	sdelay $0x4  }
0x1cc: {  	v62 =	vshrl.u32 v3, $0x3  }
0x1cd: {  	v4 =	vmul.u32 $0x30, v62  }
0x1ce: {  	v3 =	vand.u32 $0x7, v3  }
0x1cf: {  	v3 =	vor.u32 v3, v4  }
0x1d0: {  	v4 =	vperm.xlane v3, v0;
	_ =	sdelay $0x1  }
0x1d1: {  	v4 =	vadd.s32 v1, v4;
	_ =	sdelay $0x3  }
0x1d2: {  	v3 =	vperm.xlane v3, v2  }
0x1d3: {  	[tilespmem:s31], [sflag:$0x4] =	stream.indirect_vreg.gather [hbm4b:s1+s6], $0x80, v4, vm0, $0xb8;
	[tilespmem:$0x18280] =	vst v63  }
0x1d4: {  	s12 =	simm.s32 $0x12A80;
	v3 =	vadd.s32 v1, v3  }
0x1d5: {  	[tilespmem:s12], [sflag:$0x4] =	stream.indirect_vreg.gather [hbm4b:s0+s6], $0x80, v4, vm0, $0xb8;
	[tilespmem:$0x18280] =	vst v63  }
0x1d6: {  	s20 =	simm.s32 $0x13280  }
0x1d7: {  	[tilespmem:s20], [sflag:$0x4] =	stream.indirect_vreg.gather [hbm4b:s3+s6], $0x80, v4, vm0, $0xb8;
	[tilespmem:$0x18280] =	vst v63  }
0x1d8: {  	s8 =	simm.s32 $0x13A80  }
0x1d9: {  	[tilespmem:s8], [sflag:$0x4] =	stream.indirect_vreg.gather [hbm4b:s1+s6], $0x80, v3, vm0, $0xb8;
	[tilespmem:$0x18280] =	vst v63  }
0x1da: {  	s12 =	simm.s32 $0x14280  }
0x1db: {  	[tilespmem:s12], [sflag:$0x4] =	stream.indirect_vreg.gather [hbm4b:s0+s6], $0x80, v3, vm0, $0xb8;
	[tilespmem:$0x18280] =	vst v63  }
0x1dc: {  	s20 =	simm.s32 $0x14A80  }
0x1dd: {  	[tilespmem:s20], [sflag:$0x4] =	stream.indirect_vreg.gather [hbm4b:s3+s6], $0x80, v3, vm0, $0xb8;
	[tilespmem:$0x18280] =	vst v63  }
0x1de: {  	v3 =	vld [tilespmem:s2+$0x0];
	_ =	sdelay $0x4  }
0x1df: {  	v63 =	vshrl.u32 v3, $0x3  }
0x1e0: {  	v4 =	vmul.u32 $0x30, v63  }
0x1e1: {  	v3 =	vand.u32 $0x7, v3  }
0x1e2: {  	v3 =	vor.u32 v3, v4  }
0x1e3: {  	v4 =	vperm.xlane v3, v0;
	_ =	sdelay $0x1  }
0x1e4: {  	v4 =	vadd.s32 v1, v4;
	_ =	sdelay $0x3  }
0x1e5: {  	s8 =	simm.s32 $0x15280;
	v3 =	vperm.xlane v3, v2  }
0x1e6: {  	[tilespmem:s8], [sflag:$0x4] =	stream.indirect_vreg.gather [hbm4b:s1+s6], $0x80, v4, vm0, $0xb8;
	[tilespmem:$0x18280] =	vst v63  }
0x1e7: {  	s12 =	simm.s32 $0x15A80;
	v3 =	vadd.s32 v1, v3  }
0x1e8: {  	[tilespmem:s12], [sflag:$0x4] =	stream.indirect_vreg.gather [hbm4b:s0+s6], $0x80, v4, vm0, $0xb8;
	[tilespmem:$0x18280] =	vst v63  }
0x1e9: {  	s20 =	simm.s32 $0x16280  }
0x1ea: {  	[tilespmem:s20], [sflag:$0x4] =	stream.indirect_vreg.gather [hbm4b:s3+s6], $0x80, v4, vm0, $0xb8;
	[tilespmem:$0x18280] =	vst v63  }
0x1eb: {  	s8 =	simm.s32 $0x16A80  }
0x1ec: {  	[tilespmem:s8], [sflag:$0x4] =	stream.indirect_vreg.gather [hbm4b:s1+s6], $0x80, v3, vm0, $0xb8;
	[tilespmem:$0x18280] =	vst v63  }
.Ltmp4:
0x1ed: {  	_ = 	snop;
	(pc) =	sbr.rel .LBB2_3-.Ltmp4, $4  }
0x1ee: {  	s12 =	simm.s32 $0x17280  }
0x1ef: {  	[tilespmem:s12], [sflag:$0x4] =	stream.indirect_vreg.gather [hbm4b:s0+s6], $0x80, v3, vm0, $0xb8;
	[tilespmem:$0x18280] =	vst v63  }
0x1f0: {  	s19 =	sadd.s32 $0x10, s19;
	s2 =	sadd.s32 $0x80, s2;
	s20 =	simm.s32 $0x17A80  }
0x1f1: {  	[tilespmem:s20], [sflag:$0x4] =	stream.indirect_vreg.gather [hbm4b:s3+s6], $0x80, v3, vm0, $0xb8;
	[tilespmem:$0x18280] =	vst v63  }
.LBB2_6:
0x1f2: {  	s2 =	rddreg [dreg:$0x6];
	s7 =	simm.s32 $0x9  }
0x1f3: {  	[tilespmem:s19], [sflag:$0x9] =	stream.linear.gather [hbm4b:s2+s19], $0x200, $0x38;
	[tilespmem:$0x18280] =	vst v63  }
0x1f4: {  	_ =	swait.ge [sflag:s7], $0x200  }
0x1f5: {  	[sflag:s7] =	ssyncset.done $0x0  }
0x1f6: {  	s8 =	simm.s32 $0x200;
	s20 =	rddreg [dreg:$0x7];
	[sflag:s7] =	ssyncadd.s32 $0xFFFFFE00  }
0x1f7: {  	[tilespmem:s8], [sflag:$0x9] =	stream.linear.gather [hbm4b:s20+s19], $0x20, $0x38;
	[tilespmem:$0x18280] =	vst v63  }
0x1f8: {  	_ =	swait.ge [sflag:s7], $0x20  }
0x1f9: {  	[sflag:s7] =	ssyncset.done $0x0  }
0x1fa: {  	[sflag:s7] =	ssyncadd.s32 $0xFFFFFFE0  }
0x1fb: {  	v3 =	vld [tilespmem:$0x0];
	_ =	sdelay $0x4  }
0x1fc: {  	v4 =	vshrl.u32 v3, $0x3  }
0x1fd: {  	v4 =	vmul.u32 $0x30, v4  }
0x1fe: {  	v3 =	vand.u32 $0x7, v3  }
0x1ff: {  	v3 =	vor.u32 v3, v4  }
0x200: {  	v4 =	vperm.xlane v3, v0;
	_ =	sdelay $0x1  }
0x201: {  	v4 =	vadd.s32 v1, v4;
	_ =	sdelay $0x3  }
0x202: {  	v3 =	vperm.xlane v3, v2  }
0x203: {  	[tilespmem:s13], [sflag:$0x1] =	stream.indirect_vreg.gather [hbm4b:s1+s19], $0x80, v4, vm0, $0xb8;
	[tilespmem:$0x18280] =	vst v63  }
0x204: {  	s18 =	simm.s32 $0xA80;
	v3 =	vadd.s32 v1, v3  }
0x205: {  	[tilespmem:s18], [sflag:$0x1] =	stream.indirect_vreg.gather [hbm4b:s0+s19], $0x80, v4, vm0, $0xb8;
	[tilespmem:$0x18280] =	vst v63  }
0x206: {  	s10 =	simm.s32 $0x1280  }
0x207: {  	[tilespmem:s10], [sflag:$0x1] =	stream.indirect_vreg.gather [hbm4b:s3+s19], $0x80, v4, vm0, $0xb8;
	[tilespmem:$0x18280] =	vst v63  }
0x208: {  	s17 =	simm.s32 $0x1A80  }
0x209: {  	[tilespmem:s17], [sflag:$0x1] =	stream.indirect_vreg.gather [hbm4b:s1+s19], $0x80, v3, vm0, $0xb8;
	[tilespmem:$0x18280] =	vst v63  }
0x20a: {  	s20 =	simm.s32 $0x2280  }
0x20b: {  	[tilespmem:s20], [sflag:$0x1] =	stream.indirect_vreg.gather [hbm4b:s0+s19], $0x80, v3, vm0, $0xb8;
	[tilespmem:$0x18280] =	vst v63  }
0x20c: {  	s7 =	simm.s32 $0x2A80  }
0x20d: {  	[tilespmem:s7], [sflag:$0x1] =	stream.indirect_vreg.gather [hbm4b:s3+s19], $0x80, v3, vm0, $0xb8;
	[tilespmem:$0x18280] =	vst v63  }
0x20e: {  	v3 =	vld [tilespmem:$0x10];
	_ =	sdelay $0x4  }
0x20f: {  	v57 =	vshrl.u32 v3, $0x3  }
0x210: {  	v4 =	vmul.u32 $0x30, v57  }
0x211: {  	v3 =	vand.u32 $0x7, v3  }
0x212: {  	v3 =	vor.u32 v3, v4  }
0x213: {  	v4 =	vperm.xlane v3, v0;
	_ =	sdelay $0x1  }
0x214: {  	v4 =	vadd.s32 v1, v4;
	_ =	sdelay $0x3  }
0x215: {  	s8 =	simm.s32 $0x3280;
	v3 =	vperm.xlane v3, v2  }
0x216: {  	[tilespmem:s8], [sflag:$0x1] =	stream.indirect_vreg.gather [hbm4b:s1+s19], $0x80, v4, vm0, $0xb8;
	[tilespmem:$0x18280] =	vst v63  }
0x217: {  	s12 =	simm.s32 $0x3A80;
	v3 =	vadd.s32 v1, v3  }
0x218: {  	[tilespmem:s12], [sflag:$0x1] =	stream.indirect_vreg.gather [hbm4b:s0+s19], $0x80, v4, vm0, $0xb8;
	[tilespmem:$0x18280] =	vst v63  }
0x219: {  	s15 =	simm.s32 $0x4280  }
0x21a: {  	[tilespmem:s15], [sflag:$0x1] =	stream.indirect_vreg.gather [hbm4b:s3+s19], $0x80, v4, vm0, $0xb8;
	[tilespmem:$0x18280] =	vst v63  }
0x21b: {  	s16 =	simm.s32 $0x4A80  }
0x21c: {  	[tilespmem:s16], [sflag:$0x1] =	stream.indirect_vreg.gather [hbm4b:s1+s19], $0x80, v3, vm0, $0xb8;
	[tilespmem:$0x18280] =	vst v63  }
0x21d: {  	s7 =	simm.s32 $0x5280  }
0x21e: {  	[tilespmem:s7], [sflag:$0x1] =	stream.indirect_vreg.gather [hbm4b:s0+s19], $0x80, v3, vm0, $0xb8;
	[tilespmem:$0x18280] =	vst v63  }
0x21f: {  	s8 =	simm.s32 $0x5A80  }
0x220: {  	[tilespmem:s8], [sflag:$0x1] =	stream.indirect_vreg.gather [hbm4b:s3+s19], $0x80, v3, vm0, $0xb8;
	[tilespmem:$0x18280] =	vst v63  }
0x221: {  	v3 =	vld [tilespmem:$0x20];
	_ =	sdelay $0x4  }
0x222: {  	v58 =	vshrl.u32 v3, $0x3  }
0x223: {  	v4 =	vmul.u32 $0x30, v58  }
0x224: {  	v3 =	vand.u32 $0x7, v3  }
0x225: {  	v3 =	vor.u32 v3, v4  }
0x226: {  	v4 =	vperm.xlane v3, v0;
	_ =	sdelay $0x1  }
0x227: {  	v4 =	vadd.s32 v1, v4;
	_ =	sdelay $0x3  }
0x228: {  	v3 =	vperm.xlane v3, v2  }
0x229: {  	[tilespmem:s26], [sflag:$0x2] =	stream.indirect_vreg.gather [hbm4b:s1+s19], $0x80, v4, vm0, $0xb8;
	[tilespmem:$0x18280] =	vst v63  }
0x22a: {  	s12 =	simm.s32 $0x6A80;
	v3 =	vadd.s32 v1, v3  }
0x22b: {  	[tilespmem:s12], [sflag:$0x2] =	stream.indirect_vreg.gather [hbm4b:s0+s19], $0x80, v4, vm0, $0xb8;
	[tilespmem:$0x18280] =	vst v63  }
0x22c: {  	s15 =	simm.s32 $0x7280  }
0x22d: {  	[tilespmem:s15], [sflag:$0x2] =	stream.indirect_vreg.gather [hbm4b:s3+s19], $0x80, v4, vm0, $0xb8;
	[tilespmem:$0x18280] =	vst v63  }
0x22e: {  	s16 =	simm.s32 $0x7A80  }
0x22f: {  	[tilespmem:s16], [sflag:$0x2] =	stream.indirect_vreg.gather [hbm4b:s1+s19], $0x80, v3, vm0, $0xb8;
	[tilespmem:$0x18280] =	vst v63  }
0x230: {  	s7 =	simm.s32 $0x8280  }
0x231: {  	[tilespmem:s7], [sflag:$0x2] =	stream.indirect_vreg.gather [hbm4b:s0+s19], $0x80, v3, vm0, $0xb8;
	[tilespmem:$0x18280] =	vst v63  }
0x232: {  	s8 =	simm.s32 $0x8A80  }
0x233: {  	[tilespmem:s8], [sflag:$0x2] =	stream.indirect_vreg.gather [hbm4b:s3+s19], $0x80, v3, vm0, $0xb8;
	[tilespmem:$0x18280] =	vst v63  }
0x234: {  	v3 =	vld [tilespmem:$0x30];
	_ =	sdelay $0x4  }
0x235: {  	v59 =	vshrl.u32 v3, $0x3  }
0x236: {  	v4 =	vmul.u32 $0x30, v59  }
0x237: {  	v3 =	vand.u32 $0x7, v3  }
0x238: {  	v3 =	vor.u32 v3, v4  }
0x239: {  	v4 =	vperm.xlane v3, v0;
	_ =	sdelay $0x1  }
0x23a: {  	v4 =	vadd.s32 v1, v4;
	_ =	sdelay $0x3  }
0x23b: {  	s12 =	simm.s32 $0x9280;
	v3 =	vperm.xlane v3, v2  }
0x23c: {  	[tilespmem:s12], [sflag:$0x2] =	stream.indirect_vreg.gather [hbm4b:s1+s19], $0x80, v4, vm0, $0xb8;
	[tilespmem:$0x18280] =	vst v63  }
0x23d: {  	s15 =	simm.s32 $0x9A80;
	v3 =	vadd.s32 v1, v3  }
0x23e: {  	[tilespmem:s15], [sflag:$0x2] =	stream.indirect_vreg.gather [hbm4b:s0+s19], $0x80, v4, vm0, $0xb8;
	[tilespmem:$0x18280] =	vst v63  }
0x23f: {  	s16 =	simm.s32 $0xA280  }
0x240: {  	[tilespmem:s16], [sflag:$0x2] =	stream.indirect_vreg.gather [hbm4b:s3+s19], $0x80, v4, vm0, $0xb8;
	[tilespmem:$0x18280] =	vst v63  }
0x241: {  	s7 =	simm.s32 $0xAA80  }
0x242: {  	[tilespmem:s7], [sflag:$0x2] =	stream.indirect_vreg.gather [hbm4b:s1+s19], $0x80, v3, vm0, $0xb8;
	[tilespmem:$0x18280] =	vst v63  }
0x243: {  	s8 =	simm.s32 $0xB280  }
0x244: {  	[tilespmem:s8], [sflag:$0x2] =	stream.indirect_vreg.gather [hbm4b:s0+s19], $0x80, v3, vm0, $0xb8;
	[tilespmem:$0x18280] =	vst v63  }
0x245: {  	s12 =	simm.s32 $0xBA80  }
0x246: {  	[tilespmem:s12], [sflag:$0x2] =	stream.indirect_vreg.gather [hbm4b:s3+s19], $0x80, v3, vm0, $0xb8;
	[tilespmem:$0x18280] =	vst v63  }
0x247: {  	v3 =	vld [tilespmem:$0x40];
	_ =	sdelay $0x4  }
0x248: {  	v60 =	vshrl.u32 v3, $0x3  }
0x249: {  	v4 =	vmul.u32 $0x30, v60  }
0x24a: {  	v3 =	vand.u32 $0x7, v3  }
0x24b: {  	v3 =	vor.u32 v3, v4  }
0x24c: {  	v4 =	vperm.xlane v3, v0;
	_ =	sdelay $0x1  }
0x24d: {  	v4 =	vadd.s32 v1, v4;
	_ =	sdelay $0x3  }
0x24e: {  	v3 =	vperm.xlane v3, v2  }
0x24f: {  	[tilespmem:s29], [sflag:$0x3] =	stream.indirect_vreg.gather [hbm4b:s1+s19], $0x80, v4, vm0, $0xb8;
	[tilespmem:$0x18280] =	vst v63  }
0x250: {  	s15 =	simm.s32 $0xCA80;
	v3 =	vadd.s32 v1, v3  }
0x251: {  	[tilespmem:s15], [sflag:$0x3] =	stream.indirect_vreg.gather [hbm4b:s0+s19], $0x80, v4, vm0, $0xb8;
	[tilespmem:$0x18280] =	vst v63  }
0x252: {  	s16 =	simm.s32 $0xD280  }
0x253: {  	[tilespmem:s16], [sflag:$0x3] =	stream.indirect_vreg.gather [hbm4b:s3+s19], $0x80, v4, vm0, $0xb8;
	[tilespmem:$0x18280] =	vst v63  }
0x254: {  	s7 =	simm.s32 $0xDA80  }
0x255: {  	[tilespmem:s7], [sflag:$0x3] =	stream.indirect_vreg.gather [hbm4b:s1+s19], $0x80, v3, vm0, $0xb8;
	[tilespmem:$0x18280] =	vst v63  }
0x256: {  	s8 =	simm.s32 $0xE280  }
0x257: {  	[tilespmem:s8], [sflag:$0x3] =	stream.indirect_vreg.gather [hbm4b:s0+s19], $0x80, v3, vm0, $0xb8;
	[tilespmem:$0x18280] =	vst v63  }
0x258: {  	s12 =	simm.s32 $0xEA80  }
0x259: {  	[tilespmem:s12], [sflag:$0x3] =	stream.indirect_vreg.gather [hbm4b:s3+s19], $0x80, v3, vm0, $0xb8;
	[tilespmem:$0x18280] =	vst v63  }
0x25a: {  	v3 =	vld [tilespmem:$0x50];
	_ =	sdelay $0x4  }
0x25b: {  	v61 =	vshrl.u32 v3, $0x3  }
0x25c: {  	v4 =	vmul.u32 $0x30, v61  }
0x25d: {  	v3 =	vand.u32 $0x7, v3  }
0x25e: {  	v3 =	vor.u32 v3, v4  }
0x25f: {  	v4 =	vperm.xlane v3, v0;
	_ =	sdelay $0x1  }
0x260: {  	v4 =	vadd.s32 v1, v4;
	_ =	sdelay $0x3  }
0x261: {  	s15 =	simm.s32 $0xF280;
	v3 =	vperm.xlane v3, v2  }
0x262: {  	[tilespmem:s15], [sflag:$0x3] =	stream.indirect_vreg.gather [hbm4b:s1+s19], $0x80, v4, vm0, $0xb8;
	[tilespmem:$0x18280] =	vst v63  }
0x263: {  	s16 =	simm.s32 $0xFA80;
	v3 =	vadd.s32 v1, v3  }
0x264: {  	[tilespmem:s16], [sflag:$0x3] =	stream.indirect_vreg.gather [hbm4b:s0+s19], $0x80, v4, vm0, $0xb8;
	[tilespmem:$0x18280] =	vst v63  }
0x265: {  	s7 =	simm.s32 $0x10280  }
0x266: {  	[tilespmem:s7], [sflag:$0x3] =	stream.indirect_vreg.gather [hbm4b:s3+s19], $0x80, v4, vm0, $0xb8;
	[tilespmem:$0x18280] =	vst v63  }
0x267: {  	s8 =	simm.s32 $0x10A80  }
0x268: {  	[tilespmem:s8], [sflag:$0x3] =	stream.indirect_vreg.gather [hbm4b:s1+s19], $0x80, v3, vm0, $0xb8;
	[tilespmem:$0x18280] =	vst v63  }
0x269: {  	s12 =	simm.s32 $0x11280  }
0x26a: {  	[tilespmem:s12], [sflag:$0x3] =	stream.indirect_vreg.gather [hbm4b:s0+s19], $0x80, v3, vm0, $0xb8;
	[tilespmem:$0x18280] =	vst v63  }
0x26b: {  	s15 =	simm.s32 $0x11A80  }
0x26c: {  	[tilespmem:s15], [sflag:$0x3] =	stream.indirect_vreg.gather [hbm4b:s3+s19], $0x80, v3, vm0, $0xb8;
	[tilespmem:$0x18280] =	vst v63  }
0x26d: {  	v3 =	vld [tilespmem:$0x60];
	_ =	sdelay $0x4  }
0x26e: {  	v62 =	vshrl.u32 v3, $0x3  }
0x26f: {  	v4 =	vmul.u32 $0x30, v62  }
0x270: {  	v3 =	vand.u32 $0x7, v3  }
0x271: {  	v3 =	vor.u32 v3, v4  }
0x272: {  	v4 =	vperm.xlane v3, v0;
	_ =	sdelay $0x1  }
0x273: {  	v4 =	vadd.s32 v1, v4;
	_ =	sdelay $0x3  }
0x274: {  	v3 =	vperm.xlane v3, v2  }
0x275: {  	[tilespmem:s31], [sflag:$0x4] =	stream.indirect_vreg.gather [hbm4b:s1+s19], $0x80, v4, vm0, $0xb8;
	[tilespmem:$0x18280] =	vst v63  }
0x276: {  	s16 =	simm.s32 $0x12A80;
	v3 =	vadd.s32 v1, v3  }
0x277: {  	[tilespmem:s16], [sflag:$0x4] =	stream.indirect_vreg.gather [hbm4b:s0+s19], $0x80, v4, vm0, $0xb8;
	[tilespmem:$0x18280] =	vst v63  }
0x278: {  	s7 =	simm.s32 $0x13280  }
0x279: {  	[tilespmem:s7], [sflag:$0x4] =	stream.indirect_vreg.gather [hbm4b:s3+s19], $0x80, v4, vm0, $0xb8;
	[tilespmem:$0x18280] =	vst v63  }
0x27a: {  	s8 =	simm.s32 $0x13A80  }
0x27b: {  	[tilespmem:s8], [sflag:$0x4] =	stream.indirect_vreg.gather [hbm4b:s1+s19], $0x80, v3, vm0, $0xb8;
	[tilespmem:$0x18280] =	vst v63  }
0x27c: {  	s12 =	simm.s32 $0x14280  }
0x27d: {  	[tilespmem:s12], [sflag:$0x4] =	stream.indirect_vreg.gather [hbm4b:s0+s19], $0x80, v3, vm0, $0xb8;
	[tilespmem:$0x18280] =	vst v63  }
0x27e: {  	s15 =	simm.s32 $0x14A80  }
0x27f: {  	[tilespmem:s15], [sflag:$0x4] =	stream.indirect_vreg.gather [hbm4b:s3+s19], $0x80, v3, vm0, $0xb8;
	[tilespmem:$0x18280] =	vst v63  }
0x280: {  	v3 =	vld [tilespmem:$0x70];
	_ =	sdelay $0x4  }
0x281: {  	v63 =	vshrl.u32 v3, $0x3  }
0x282: {  	v4 =	vmul.u32 $0x30, v63  }
0x283: {  	v3 =	vand.u32 $0x7, v3  }
0x284: {  	v3 =	vor.u32 v3, v4  }
0x285: {  	v4 =	vperm.xlane v3, v0;
	_ =	sdelay $0x1  }
0x286: {  	v4 =	vadd.s32 v1, v4;
	_ =	sdelay $0x3  }
0x287: {  	s16 =	simm.s32 $0x15280;
	v3 =	vperm.xlane v3, v2  }
0x288: {  	[tilespmem:s16], [sflag:$0x4] =	stream.indirect_vreg.gather [hbm4b:s1+s19], $0x80, v4, vm0, $0xb8;
	[tilespmem:$0x18280] =	vst v63  }
0x289: {  	s7 =	simm.s32 $0x15A80;
	v3 =	vadd.s32 v1, v3  }
0x28a: {  	[tilespmem:s7], [sflag:$0x4] =	stream.indirect_vreg.gather [hbm4b:s0+s19], $0x80, v4, vm0, $0xb8;
	[tilespmem:$0x18280] =	vst v63  }
0x28b: {  	s8 =	simm.s32 $0x16280  }
0x28c: {  	[tilespmem:s8], [sflag:$0x4] =	stream.indirect_vreg.gather [hbm4b:s3+s19], $0x80, v4, vm0, $0xb8;
	[tilespmem:$0x18280] =	vst v63  }
0x28d: {  	s12 =	simm.s32 $0x16A80  }
0x28e: {  	[tilespmem:s12], [sflag:$0x4] =	stream.indirect_vreg.gather [hbm4b:s1+s19], $0x80, v3, vm0, $0xb8;
	[tilespmem:$0x18280] =	vst v63  }
0x28f: {  	s15 =	simm.s32 $0x17280  }
0x290: {  	[tilespmem:s15], [sflag:$0x4] =	stream.indirect_vreg.gather [hbm4b:s0+s19], $0x80, v3, vm0, $0xb8;
	[tilespmem:$0x18280] =	vst v63  }
0x291: {  	s16 =	simm.s32 $0x17A80  }
0x292: {  	[tilespmem:s16], [sflag:$0x4] =	stream.indirect_vreg.gather [hbm4b:s3+s19], $0x80, v3, vm0, $0xb8;
	[tilespmem:$0x18280] =	vst v63  }
0x293: {  	s2 =	simm.s32 $0xF0;
	s15 =	simm.s32 $0x0;
	s16 =	rddreg [dreg:$0x8]  }
.LBB2_7:
0x294: {  	s7 =	sshrl.u32 s15, $0x1  }
0x295: {  	s7 =	sor.u32 s16, s7  }
0x296: {  	s8 =	sand.u32 $0x10, s19;
	s7 =	sshll.u32 s7, $0x5  }
0x297: {  	s7 =	sor.u32 s8, s7  }
0x298: {  	s8 =	smul.u32 $0x1800, s7;
	_ =	sdelay $0x1  }
0x299: {  	_ =	swait.ge [sflag:s21], $0x6000;
	s8 =	sadd.s32 s9, s8  }
0x29a: {  	[sflag:s21] =	ssyncset.done $0x0;
	s12 =	sor.u32 $0x4, s7;
	s8 =	sshrl.u32 s8, $0x3  }
0x29b: {  	[sflag:s21] =	ssyncadd.s32 $0xFFFFA000;
	s12 =	smul.u32 $0x1800, s12;
	s8 =	sadd.s32 s5, s8  }
0x29c: {  	[hbm4b:s8+s6] =	stream.linear.scatter [tilespmem:s13], [sflag:$0x5], $0x6000, $0x38;
	[tilespmem:$0x18280] =	vst v63  }
0x29d: {  	s12 =	sadd.s32 s9, s12;
	_ =	swait.ge [sflag:s22], $0x6000  }
0x29e: {  	s8 =	sshrl.u32 s12, $0x3;
	s12 =	sor.u32 $0x8, s7;
	[sflag:s22] =	ssyncset.done $0x0  }
0x29f: {  	s8 =	sadd.s32 s5, s8;
	s12 =	smul.u32 $0x1800, s12;
	[sflag:s22] =	ssyncadd.s32 $0xFFFFA000  }
0x2a0: {  	[hbm4b:s8+s6] =	stream.linear.scatter [tilespmem:s26], [sflag:$0x6], $0x6000, $0x38;
	[tilespmem:$0x18280] =	vst v63  }
0x2a1: {  	s12 =	sadd.s32 s9, s12;
	_ =	swait.ge [sflag:s28], $0x6000  }
0x2a2: {  	s7 =	sor.u32 $0xC, s7;
	s8 =	sshrl.u32 s12, $0x3;
	[sflag:s28] =	ssyncset.done $0x0  }
0x2a3: {  	s7 =	smul.u32 $0x1800, s7;
	s8 =	sadd.s32 s5, s8;
	[sflag:s28] =	ssyncadd.s32 $0xFFFFA000  }
0x2a4: {  	[hbm4b:s8+s6] =	stream.linear.scatter [tilespmem:s29], [sflag:$0x7], $0x6000, $0x38;
	[tilespmem:$0x18280] =	vst v63  }
0x2a5: {  	s7 =	sadd.s32 s9, s7;
	_ =	swait.ge [sflag:s23], $0x6000  }
0x2a6: {  	p1 =	seq.s32 s15, $0x3;
	s7 =	sshrl.u32 s7, $0x3;
	[sflag:s23] =	ssyncset.done $0x0  }
.Ltmp5:
0x2a7: {  	s7 =	sadd.s32 s5, s7;
	[sflag:s23] =	ssyncadd.s32 $0xFFFFA000;
	(pc) =	sbr.rel @p1 .LBB2_8-.Ltmp5, $4  }
0x2a8: {  	[hbm4b:s7+s6] =	stream.linear.scatter [tilespmem:s31], [sflag:$0x8], $0x6000, $0x38;
	[tilespmem:$0x18280] =	vst v63  }
0x2a9: {  	_ =	swait.ge [sflag:s30], $0x6000  }
0x2aa: {  	[sflag:s30] =	ssyncset.done $0x0  }
0x2ab: {  	[sflag:s30] =	ssyncadd.s32 $0xFFFFA000  }
0x2ac: {  	v3 =	vld [tilespmem:s2+$0xFFFFFF90];
	_ =	sdelay $0x4  }
0x2ad: {  	v4 =	vshrl.u32 v3, $0x3  }
0x2ae: {  	v4 =	vmul.u32 $0x30, v4  }
0x2af: {  	v3 =	vand.u32 $0x7, v3  }
0x2b0: {  	v3 =	vor.u32 v3, v4  }
0x2b1: {  	v4 =	vperm.xlane v3, v0;
	_ =	sdelay $0x1  }
0x2b2: {  	v4 =	vadd.s32 v1, v4;
	_ =	sdelay $0x3  }
0x2b3: {  	v3 =	vperm.xlane v3, v2  }
0x2b4: {  	[tilespmem:s13], [sflag:$0x1] =	stream.indirect_vreg.gather [hbm4b:s1+s6], $0x80, v4, vm0, $0xb8;
	[tilespmem:$0x18280] =	vst v63  }
0x2b5: {  	v3 =	vadd.s32 v1, v3  }
0x2b6: {  	[tilespmem:s18], [sflag:$0x1] =	stream.indirect_vreg.gather [hbm4b:s0+s6], $0x80, v4, vm0, $0xb8;
	[tilespmem:$0x18280] =	vst v63  }
0x2b7: {  	_ = 	snop  }
0x2b8: {  	[tilespmem:s10], [sflag:$0x1] =	stream.indirect_vreg.gather [hbm4b:s3+s6], $0x80, v4, vm0, $0xb8;
	[tilespmem:$0x18280] =	vst v63  }
0x2b9: {  	_ = 	snop  }
0x2ba: {  	[tilespmem:s17], [sflag:$0x1] =	stream.indirect_vreg.gather [hbm4b:s1+s6], $0x80, v3, vm0, $0xb8;
	[tilespmem:$0x18280] =	vst v63  }
0x2bb: {  	_ = 	snop  }
0x2bc: {  	[tilespmem:s20], [sflag:$0x1] =	stream.indirect_vreg.gather [hbm4b:s0+s6], $0x80, v3, vm0, $0xb8;
	[tilespmem:$0x18280] =	vst v63  }
0x2bd: {  	s7 =	simm.s32 $0x2A80  }
0x2be: {  	[tilespmem:s7], [sflag:$0x1] =	stream.indirect_vreg.gather [hbm4b:s3+s6], $0x80, v3, vm0, $0xb8;
	[tilespmem:$0x18280] =	vst v63  }
0x2bf: {  	v3 =	vld [tilespmem:s2+$0xFFFFFFA0];
	_ =	sdelay $0x4  }
0x2c0: {  	v57 =	vshrl.u32 v3, $0x3  }
0x2c1: {  	v4 =	vmul.u32 $0x30, v57  }
0x2c2: {  	v3 =	vand.u32 $0x7, v3  }
0x2c3: {  	v3 =	vor.u32 v3, v4  }
0x2c4: {  	v4 =	vperm.xlane v3, v0;
	_ =	sdelay $0x1  }
0x2c5: {  	v4 =	vadd.s32 v1, v4;
	_ =	sdelay $0x3  }
0x2c6: {  	s12 =	simm.s32 $0x3280;
	v3 =	vperm.xlane v3, v2  }
0x2c7: {  	[tilespmem:s12], [sflag:$0x1] =	stream.indirect_vreg.gather [hbm4b:s1+s6], $0x80, v4, vm0, $0xb8;
	[tilespmem:$0x18280] =	vst v63  }
0x2c8: {  	s8 =	simm.s32 $0x3A80;
	v3 =	vadd.s32 v1, v3  }
0x2c9: {  	[tilespmem:s8], [sflag:$0x1] =	stream.indirect_vreg.gather [hbm4b:s0+s6], $0x80, v4, vm0, $0xb8;
	[tilespmem:$0x18280] =	vst v63  }
0x2ca: {  	s12 =	simm.s32 $0x4280  }
0x2cb: {  	[tilespmem:s12], [sflag:$0x1] =	stream.indirect_vreg.gather [hbm4b:s3+s6], $0x80, v4, vm0, $0xb8;
	[tilespmem:$0x18280] =	vst v63  }
0x2cc: {  	s8 =	simm.s32 $0x4A80  }
0x2cd: {  	[tilespmem:s8], [sflag:$0x1] =	stream.indirect_vreg.gather [hbm4b:s1+s6], $0x80, v3, vm0, $0xb8;
	[tilespmem:$0x18280] =	vst v63  }
0x2ce: {  	s12 =	simm.s32 $0x5280  }
0x2cf: {  	[tilespmem:s12], [sflag:$0x1] =	stream.indirect_vreg.gather [hbm4b:s0+s6], $0x80, v3, vm0, $0xb8;
	[tilespmem:$0x18280] =	vst v63  }
0x2d0: {  	s8 =	simm.s32 $0x5A80  }
0x2d1: {  	[tilespmem:s8], [sflag:$0x1] =	stream.indirect_vreg.gather [hbm4b:s3+s6], $0x80, v3, vm0, $0xb8;
	[tilespmem:$0x18280] =	vst v63  }
0x2d2: {  	_ =	swait.ge [sflag:s24], $0x6000  }
0x2d3: {  	[sflag:s24] =	ssyncset.done $0x0  }
0x2d4: {  	[sflag:s24] =	ssyncadd.s32 $0xFFFFA000  }
0x2d5: {  	v3 =	vld [tilespmem:s2+$0xFFFFFFB0];
	_ =	sdelay $0x4  }
0x2d6: {  	v58 =	vshrl.u32 v3, $0x3  }
0x2d7: {  	v4 =	vmul.u32 $0x30, v58  }
0x2d8: {  	v3 =	vand.u32 $0x7, v3  }
0x2d9: {  	v3 =	vor.u32 v3, v4  }
0x2da: {  	v4 =	vperm.xlane v3, v0;
	_ =	sdelay $0x1  }
0x2db: {  	v4 =	vadd.s32 v1, v4;
	_ =	sdelay $0x3  }
0x2dc: {  	v3 =	vperm.xlane v3, v2  }
0x2dd: {  	[tilespmem:s26], [sflag:$0x2] =	stream.indirect_vreg.gather [hbm4b:s1+s6], $0x80, v4, vm0, $0xb8;
	[tilespmem:$0x18280] =	vst v63  }
0x2de: {  	s12 =	simm.s32 $0x6A80;
	v3 =	vadd.s32 v1, v3  }
0x2df: {  	[tilespmem:s12], [sflag:$0x2] =	stream.indirect_vreg.gather [hbm4b:s0+s6], $0x80, v4, vm0, $0xb8;
	[tilespmem:$0x18280] =	vst v63  }
0x2e0: {  	s8 =	simm.s32 $0x7280  }
0x2e1: {  	[tilespmem:s8], [sflag:$0x2] =	stream.indirect_vreg.gather [hbm4b:s3+s6], $0x80, v4, vm0, $0xb8;
	[tilespmem:$0x18280] =	vst v63  }
0x2e2: {  	s12 =	simm.s32 $0x7A80  }
0x2e3: {  	[tilespmem:s12], [sflag:$0x2] =	stream.indirect_vreg.gather [hbm4b:s1+s6], $0x80, v3, vm0, $0xb8;
	[tilespmem:$0x18280] =	vst v63  }
0x2e4: {  	s8 =	simm.s32 $0x8280  }
0x2e5: {  	[tilespmem:s8], [sflag:$0x2] =	stream.indirect_vreg.gather [hbm4b:s0+s6], $0x80, v3, vm0, $0xb8;
	[tilespmem:$0x18280] =	vst v63  }
0x2e6: {  	s12 =	simm.s32 $0x8A80  }
0x2e7: {  	[tilespmem:s12], [sflag:$0x2] =	stream.indirect_vreg.gather [hbm4b:s3+s6], $0x80, v3, vm0, $0xb8;
	[tilespmem:$0x18280] =	vst v63  }
0x2e8: {  	v3 =	vld [tilespmem:s2+$0xFFFFFFC0];
	_ =	sdelay $0x4  }
0x2e9: {  	v59 =	vshrl.u32 v3, $0x3  }
0x2ea: {  	v4 =	vmul.u32 $0x30, v59  }
0x2eb: {  	v3 =	vand.u32 $0x7, v3  }
0x2ec: {  	v3 =	vor.u32 v3, v4  }
0x2ed: {  	v4 =	vperm.xlane v3, v0;
	_ =	sdelay $0x1  }
0x2ee: {  	v4 =	vadd.s32 v1, v4;
	_ =	sdelay $0x3  }
0x2ef: {  	s8 =	simm.s32 $0x9280;
	v3 =	vperm.xlane v3, v2  }
0x2f0: {  	[tilespmem:s8], [sflag:$0x2] =	stream.indirect_vreg.gather [hbm4b:s1+s6], $0x80, v4, vm0, $0xb8;
	[tilespmem:$0x18280] =	vst v63  }
0x2f1: {  	s12 =	simm.s32 $0x9A80;
	v3 =	vadd.s32 v1, v3  }
0x2f2: {  	[tilespmem:s12], [sflag:$0x2] =	stream.indirect_vreg.gather [hbm4b:s0+s6], $0x80, v4, vm0, $0xb8;
	[tilespmem:$0x18280] =	vst v63  }
0x2f3: {  	s8 =	simm.s32 $0xA280  }
0x2f4: {  	[tilespmem:s8], [sflag:$0x2] =	stream.indirect_vreg.gather [hbm4b:s3+s6], $0x80, v4, vm0, $0xb8;
	[tilespmem:$0x18280] =	vst v63  }
0x2f5: {  	s12 =	simm.s32 $0xAA80  }
0x2f6: {  	[tilespmem:s12], [sflag:$0x2] =	stream.indirect_vreg.gather [hbm4b:s1+s6], $0x80, v3, vm0, $0xb8;
	[tilespmem:$0x18280] =	vst v63  }
0x2f7: {  	s8 =	simm.s32 $0xB280  }
0x2f8: {  	[tilespmem:s8], [sflag:$0x2] =	stream.indirect_vreg.gather [hbm4b:s0+s6], $0x80, v3, vm0, $0xb8;
	[tilespmem:$0x18280] =	vst v63  }
0x2f9: {  	s12 =	simm.s32 $0xBA80  }
0x2fa: {  	[tilespmem:s12], [sflag:$0x2] =	stream.indirect_vreg.gather [hbm4b:s3+s6], $0x80, v3, vm0, $0xb8;
	[tilespmem:$0x18280] =	vst v63  }
0x2fb: {  	_ =	swait.ge [sflag:s14], $0x6000  }
0x2fc: {  	[sflag:s14] =	ssyncset.done $0x0  }
0x2fd: {  	[sflag:s14] =	ssyncadd.s32 $0xFFFFA000  }
0x2fe: {  	v3 =	vld [tilespmem:s2+$0xFFFFFFD0];
	_ =	sdelay $0x4  }
0x2ff: {  	v60 =	vshrl.u32 v3, $0x3  }
0x300: {  	v4 =	vmul.u32 $0x30, v60  }
0x301: {  	v3 =	vand.u32 $0x7, v3  }
0x302: {  	v3 =	vor.u32 v3, v4  }
0x303: {  	v4 =	vperm.xlane v3, v0;
	_ =	sdelay $0x1  }
0x304: {  	v4 =	vadd.s32 v1, v4;
	_ =	sdelay $0x3  }
0x305: {  	v3 =	vperm.xlane v3, v2  }
0x306: {  	[tilespmem:s29], [sflag:$0x3] =	stream.indirect_vreg.gather [hbm4b:s1+s6], $0x80, v4, vm0, $0xb8;
	[tilespmem:$0x18280] =	vst v63  }
0x307: {  	s8 =	simm.s32 $0xCA80;
	v3 =	vadd.s32 v1, v3  }
0x308: {  	[tilespmem:s8], [sflag:$0x3] =	stream.indirect_vreg.gather [hbm4b:s0+s6], $0x80, v4, vm0, $0xb8;
	[tilespmem:$0x18280] =	vst v63  }
0x309: {  	s12 =	simm.s32 $0xD280  }
0x30a: {  	[tilespmem:s12], [sflag:$0x3] =	stream.indirect_vreg.gather [hbm4b:s3+s6], $0x80, v4, vm0, $0xb8;
	[tilespmem:$0x18280] =	vst v63  }
0x30b: {  	s8 =	simm.s32 $0xDA80  }
0x30c: {  	[tilespmem:s8], [sflag:$0x3] =	stream.indirect_vreg.gather [hbm4b:s1+s6], $0x80, v3, vm0, $0xb8;
	[tilespmem:$0x18280] =	vst v63  }
0x30d: {  	s12 =	simm.s32 $0xE280  }
0x30e: {  	[tilespmem:s12], [sflag:$0x3] =	stream.indirect_vreg.gather [hbm4b:s0+s6], $0x80, v3, vm0, $0xb8;
	[tilespmem:$0x18280] =	vst v63  }
0x30f: {  	s8 =	simm.s32 $0xEA80  }
0x310: {  	[tilespmem:s8], [sflag:$0x3] =	stream.indirect_vreg.gather [hbm4b:s3+s6], $0x80, v3, vm0, $0xb8;
	[tilespmem:$0x18280] =	vst v63  }
0x311: {  	v3 =	vld [tilespmem:s2+$0xFFFFFFE0];
	_ =	sdelay $0x4  }
0x312: {  	v61 =	vshrl.u32 v3, $0x3  }
0x313: {  	v4 =	vmul.u32 $0x30, v61  }
0x314: {  	v3 =	vand.u32 $0x7, v3  }
0x315: {  	v3 =	vor.u32 v3, v4  }
0x316: {  	v4 =	vperm.xlane v3, v0;
	_ =	sdelay $0x1  }
0x317: {  	v4 =	vadd.s32 v1, v4;
	_ =	sdelay $0x3  }
0x318: {  	s12 =	simm.s32 $0xF280;
	v3 =	vperm.xlane v3, v2  }
0x319: {  	[tilespmem:s12], [sflag:$0x3] =	stream.indirect_vreg.gather [hbm4b:s1+s6], $0x80, v4, vm0, $0xb8;
	[tilespmem:$0x18280] =	vst v63  }
0x31a: {  	s8 =	simm.s32 $0xFA80;
	v3 =	vadd.s32 v1, v3  }
0x31b: {  	[tilespmem:s8], [sflag:$0x3] =	stream.indirect_vreg.gather [hbm4b:s0+s6], $0x80, v4, vm0, $0xb8;
	[tilespmem:$0x18280] =	vst v63  }
0x31c: {  	s12 =	simm.s32 $0x10280  }
0x31d: {  	[tilespmem:s12], [sflag:$0x3] =	stream.indirect_vreg.gather [hbm4b:s3+s6], $0x80, v4, vm0, $0xb8;
	[tilespmem:$0x18280] =	vst v63  }
0x31e: {  	s8 =	simm.s32 $0x10A80  }
0x31f: {  	[tilespmem:s8], [sflag:$0x3] =	stream.indirect_vreg.gather [hbm4b:s1+s6], $0x80, v3, vm0, $0xb8;
	[tilespmem:$0x18280] =	vst v63  }
0x320: {  	s12 =	simm.s32 $0x11280  }
0x321: {  	[tilespmem:s12], [sflag:$0x3] =	stream.indirect_vreg.gather [hbm4b:s0+s6], $0x80, v3, vm0, $0xb8;
	[tilespmem:$0x18280] =	vst v63  }
0x322: {  	s8 =	simm.s32 $0x11A80  }
0x323: {  	[tilespmem:s8], [sflag:$0x3] =	stream.indirect_vreg.gather [hbm4b:s3+s6], $0x80, v3, vm0, $0xb8;
	[tilespmem:$0x18280] =	vst v63  }
0x324: {  	_ =	swait.ge [sflag:s25], $0x6000  }
0x325: {  	[sflag:s25] =	ssyncset.done $0x0  }
0x326: {  	[sflag:s25] =	ssyncadd.s32 $0xFFFFA000  }
0x327: {  	v3 =	vld [tilespmem:s2+$0xFFFFFFF0];
	_ =	sdelay $0x4  }
0x328: {  	v62 =	vshrl.u32 v3, $0x3  }
0x329: {  	v4 =	vmul.u32 $0x30, v62  }
0x32a: {  	v3 =	vand.u32 $0x7, v3  }
0x32b: {  	v3 =	vor.u32 v3, v4  }
0x32c: {  	v4 =	vperm.xlane v3, v0;
	_ =	sdelay $0x1  }
0x32d: {  	v4 =	vadd.s32 v1, v4;
	_ =	sdelay $0x3  }
0x32e: {  	v3 =	vperm.xlane v3, v2  }
0x32f: {  	[tilespmem:s31], [sflag:$0x4] =	stream.indirect_vreg.gather [hbm4b:s1+s6], $0x80, v4, vm0, $0xb8;
	[tilespmem:$0x18280] =	vst v63  }
0x330: {  	s12 =	simm.s32 $0x12A80;
	v3 =	vadd.s32 v1, v3  }
0x331: {  	[tilespmem:s12], [sflag:$0x4] =	stream.indirect_vreg.gather [hbm4b:s0+s6], $0x80, v4, vm0, $0xb8;
	[tilespmem:$0x18280] =	vst v63  }
0x332: {  	s8 =	simm.s32 $0x13280  }
0x333: {  	[tilespmem:s8], [sflag:$0x4] =	stream.indirect_vreg.gather [hbm4b:s3+s6], $0x80, v4, vm0, $0xb8;
	[tilespmem:$0x18280] =	vst v63  }
0x334: {  	s12 =	simm.s32 $0x13A80  }
0x335: {  	[tilespmem:s12], [sflag:$0x4] =	stream.indirect_vreg.gather [hbm4b:s1+s6], $0x80, v3, vm0, $0xb8;
	[tilespmem:$0x18280] =	vst v63  }
0x336: {  	s8 =	simm.s32 $0x14280  }
0x337: {  	[tilespmem:s8], [sflag:$0x4] =	stream.indirect_vreg.gather [hbm4b:s0+s6], $0x80, v3, vm0, $0xb8;
	[tilespmem:$0x18280] =	vst v63  }
0x338: {  	s12 =	simm.s32 $0x14A80  }
0x339: {  	[tilespmem:s12], [sflag:$0x4] =	stream.indirect_vreg.gather [hbm4b:s3+s6], $0x80, v3, vm0, $0xb8;
	[tilespmem:$0x18280] =	vst v63  }
0x33a: {  	v3 =	vld [tilespmem:s2+$0x0];
	_ =	sdelay $0x4  }
0x33b: {  	v63 =	vshrl.u32 v3, $0x3  }
0x33c: {  	v4 =	vmul.u32 $0x30, v63  }
0x33d: {  	v3 =	vand.u32 $0x7, v3  }
0x33e: {  	v3 =	vor.u32 v3, v4  }
0x33f: {  	v4 =	vperm.xlane v3, v0;
	_ =	sdelay $0x1  }
0x340: {  	v4 =	vadd.s32 v1, v4;
	_ =	sdelay $0x3  }
0x341: {  	s8 =	simm.s32 $0x15280;
	v3 =	vperm.xlane v3, v2  }
0x342: {  	[tilespmem:s8], [sflag:$0x4] =	stream.indirect_vreg.gather [hbm4b:s1+s6], $0x80, v4, vm0, $0xb8;
	[tilespmem:$0x18280] =	vst v63  }
0x343: {  	s12 =	simm.s32 $0x15A80;
	v3 =	vadd.s32 v1, v3  }
0x344: {  	[tilespmem:s12], [sflag:$0x4] =	stream.indirect_vreg.gather [hbm4b:s0+s6], $0x80, v4, vm0, $0xb8;
	[tilespmem:$0x18280] =	vst v63  }
0x345: {  	s8 =	simm.s32 $0x16280  }
0x346: {  	[tilespmem:s8], [sflag:$0x4] =	stream.indirect_vreg.gather [hbm4b:s3+s6], $0x80, v4, vm0, $0xb8;
	[tilespmem:$0x18280] =	vst v63  }
0x347: {  	s12 =	simm.s32 $0x16A80  }
0x348: {  	[tilespmem:s12], [sflag:$0x4] =	stream.indirect_vreg.gather [hbm4b:s1+s6], $0x80, v3, vm0, $0xb8;
	[tilespmem:$0x18280] =	vst v63  }
.Ltmp6:
0x349: {  	_ = 	snop;
	(pc) =	sbr.rel .LBB2_7-.Ltmp6, $4  }
0x34a: {  	s15 =	sadd.s32 $0x1, s15;
	s8 =	simm.s32 $0x17280  }
0x34b: {  	[tilespmem:s8], [sflag:$0x4] =	stream.indirect_vreg.gather [hbm4b:s0+s6], $0x80, v3, vm0, $0xb8;
	[tilespmem:$0x18280] =	vst v63  }
0x34c: {  	s19 =	sadd.s32 $0x10, s19;
	s2 =	sadd.s32 $0x80, s2;
	s12 =	simm.s32 $0x17A80  }
0x34d: {  	[tilespmem:s12], [sflag:$0x4] =	stream.indirect_vreg.gather [hbm4b:s3+s6], $0x80, v3, vm0, $0xb8;
	[tilespmem:$0x18280] =	vst v63  }
.LBB2_4:
0x34e: {  	s7 =	rddreg [dreg:$0x14]  }
0x34f: {  	s16 =	rddreg [dreg:$0x15]  }
0x350: {  	s17 =	rddreg [dreg:$0x16]  }
0x351: {  	s20 =	rddreg [dreg:$0x17]  }
0x352: {  	s8 =	rddreg [dreg:$0x1b]  }
0x353: {  	s12 =	rddreg [dreg:$0x1f]  }
0x354: {  	[smem:$0x7FA] =	sst s7  }
0x355: {  	[smem:$0x7FB] =	sst s16  }
.Ltmp7:
0x356: {  	[smem:$0x7FC] =	sst s17;
	(pc) =	sbr.rel .LBB2_9-.Ltmp7, $4  }
0x357: {  	[smem:$0x7FD] =	sst s20  }
0x358: {  	s20 =	rddreg [dreg:$0x18]  }
0x359: {  	s19 =	simm.s32 $0x2280;
	s7 =	rddreg [dreg:$0x19]  }
0x35a: {  	s15 =	simm.s32 $0x1A80;
	s2 =	simm.s32 $0x1280;
	s16 =	rddreg [dreg:$0x1a]  }
.LBB2_10:
0x35b: {  	_ =	sfence.sel $0x180000  }
0x35c: {  	[bflag:$0x0] =	sbarrier.arrive $0xFFFF  }
0x35d: {  	_ =	strace $0x90000047  }
0x35e: {  	s0 =	stileid.u32;
	[bflag:$0x2] =	sbarrier.arrive $0xFFFF  }
0x35f: {  	p0 =	sne.s32 s0, $0x0;
	s0 =	rddreg [dreg:$0x5]  }
0x360: {  	s0 =	sadd.s32 @!p0 $0x100000, s0  }
0x361: {  	[sflag:s0] =	ssyncadd.tile.s32 @!p0 $0x1;
	_ =	shalt  }
.Lfunc_end2:
_tile_overlayer_lowered:
.L_overlay_start_2:
0x362: {  	(tag) =	ssettag $0x2  }
0x363: {  	s0 =	rddreg [dreg:$0x0];
	s2 =	stileid.u32  }
0x364: {  	s1 =	rddreg [dreg:$0x1];
	p0 =	sne.s32 s2, $0x0  }
0x365: {  	s3 =	rddreg [dreg:$0x2];
	[bflag:$0x3] =	sbarrier.arrive $0xFFFF;
	s2 =	simm.s32 @!p0 $0x1C09  }
0x366: {  	[timem:s3], [sflag:s2] =	dma.local @!p0 [hbm:s0], s1  }
0x367: {  	s0 =	simm.s32 @!p0 $0x9  }
0x368: {  	_ =	swait.ge @!p0 [sflag:s0], s1  }
0x369: {  	s1 =	ssub.s32 @!p0 $0x0, s1;
	[sflag:s0] =	ssyncset.done @!p0 $0x0  }
0x36a: {  	[sflag:s0] =	ssyncadd.s32 @!p0 s1  }
0x36b: {  	[bflag:$0x3] =	sbarrier.arrive $0xFFFF  }
0x36c: {  	_ =	shalt  }

</sc_bundles>
